<compile_context>
chip_gen: v7x
topology: tpu7x:2x2x1
jax: 0.10.2.dev20260603
libtpu: 0.0.44.dev20260713+nightly
codegen_flags: <defaults>
</compile_context>

<pallas_src>
import functools

import jax
import jax.numpy as jnp
from jax import lax
from jax.experimental import pallas as pl
from jax.experimental.pallas import tpu as pltpu
from jax.experimental.pallas import tpu_sc as plsc

NNODES = 10000
NP = 10112
EMB = 32
NW = 32
EPW = 10000
CHUNK = 128
NCH = 80
EPWP = NCH * CHUNK
B = 1024
SEQ = 50
SPW = 1600
SCHUNK = 80
SNCH = SPW // SCHUNK
DGR = EPW // 16

_SC_MESH = plsc.VectorSubcoreMesh(
    core_axis_name="c", subcore_axis_name="s", num_cores=2, num_subcores=16)
_SC_PARAMS = pltpu.CompilerParams(
    needs_layout_passes=False, use_tc_tiling_on_sc=False)


@functools.partial(
    pl.kernel,
    out_type=jax.ShapeDtypeStruct((NW, NP), jnp.float32),
    mesh=_SC_MESH,
    compiler_params=_SC_PARAMS,
    scratch_types=[pltpu.VMEM((DGR, 16), jnp.int32),
                   pltpu.VMEM((NP,), jnp.float32),
                   pltpu.SemaphoreType.DMA])
def _sc_deg(dstr_hbm, deg_hbm, dst_v, deg_v, sem):
    c = lax.axis_index("c")
    s = lax.axis_index("s")
    wid = c * 16 + s

    d_dst = pltpu.async_copy(dstr_hbm.at[wid], dst_v, sem)

    def zero(i, carry):
        deg_v[pl.ds(i * 16, 16)] = jnp.zeros((16,), jnp.float32)
        return carry
    lax.fori_loop(0, NP // 16, zero, 0)
    d_dst.wait()
    ones = jnp.ones((16,), jnp.float32)

    def body(g, carry):
        plsc.addupdate_scatter(deg_v, [dst_v[g]], ones)
        return carry
    lax.fori_loop(0, DGR, body, 0)
    pltpu.sync_copy(deg_v, deg_hbm.at[wid])


@functools.partial(
    pl.kernel,
    out_type=jax.ShapeDtypeStruct((B * SEQ, EMB), jnp.float32),
    mesh=_SC_MESH,
    compiler_params=_SC_PARAMS,
    scratch_types=[pltpu.VMEM((SPW,), jnp.int32),
                   pltpu.VMEM((SPW, EMB), jnp.float32),
                   pltpu.SemaphoreType.DMA])
def _sc_emb(seqt_hbm, table_hbm, emb_hbm, idx_v, rows_v, sem):
    c = lax.axis_index("c")
    s = lax.axis_index("s")
    wid = c * 16 + s
    pltpu.sync_copy(seqt_hbm.at[wid], idx_v)
    descs = [
        pltpu.async_copy(table_hbm.at[idx_v.at[pl.ds(k * SCHUNK, SCHUNK)]],
                         rows_v.at[pl.ds(k * SCHUNK, SCHUNK)], sem)
        for k in range(SNCH)
    ]
    for d in descs:
        d.wait()
    pltpu.sync_copy(rows_v, emb_hbm.at[pl.ds(wid * SPW, SPW)])


@functools.partial(
    pl.kernel,
    out_type=(jax.ShapeDtypeStruct((2, NP, EMB), jnp.float32),
              jax.ShapeDtypeStruct((NW, NP), jnp.float32)),
    mesh=_SC_MESH,
    compiler_params=_SC_PARAMS,
    scratch_types=[
        pltpu.VMEM((EPWP,), jnp.int32),
        pltpu.VMEM((NCH, CHUNK), jnp.int32),
        pltpu.VMEM((NP,), jnp.float32),
        pltpu.VMEM((NP,), jnp.float32),
        pltpu.VMEM((CHUNK, EMB), jnp.float32),
        pltpu.VMEM((CHUNK, EMB), jnp.float32),
        pltpu.VMEM((CHUNK, EMB), jnp.float32),
        pltpu.VMEM((CHUNK, EMB), jnp.float32),
        pltpu.VMEM((NP // 16, EMB), jnp.float32),
        pltpu.VMEM_SHARED((NP, EMB), jnp.float32),
        pltpu.SemaphoreType.DMA, pltpu.SemaphoreType.DMA,
        pltpu.SemaphoreType.DMA, pltpu.SemaphoreType.DMA,
        pltpu.SemaphoreType.DMA, pltpu.SemaphoreType.DMA,
        pltpu.SemaphoreType.DMA, pltpu.SemaphoreType.DMA,
    ])
def _sc_edges(srcf_hbm, dstt_hbm, y_hbm, dinv_hbm,
              seg_hbm, cpart_hbm,
              src_v, dstt_v, dinv_v, c_v, r0, r1, r2, r3, dr_v, seg_sh,
              g0, g1, g2, g3, s0, s1, s2, s3):
    c = lax.axis_index("c")
    s = lax.axis_index("s")
    wid = c * 16 + s
    npt = NP // 16
    bufs = (r0, r1, r2, r3)
    gsems = (g0, g1, g2, g3)
    ssems = (s0, s1, s2, s3)

    d_src = pltpu.async_copy(srcf_hbm.at[wid], src_v, g0)
    d_dst = pltpu.async_copy(dstt_hbm.at[wid], dstt_v, g1)
    d_dnv = pltpu.async_copy(dinv_hbm, dinv_v, g2)

    def zero_c(i, carry):
        c_v[pl.ds(i * 16, 16)] = jnp.zeros((16,), jnp.float32)
        return carry
    lax.fori_loop(0, NP // 16, zero_c, 0)

    def zero_dr(i, carry):
        dr_v[i // 2, pl.ds((i % 2) * 16, 16)] = jnp.zeros((16,), jnp.float32)
        return carry
    lax.fori_loop(0, npt * 2, zero_dr, 0)
    pltpu.sync_copy(dr_v, seg_sh.at[pl.ds(s * npt, npt)])

    d_src.wait()
    d_dst.wait()
    d_dnv.wait()
    plsc.subcore_barrier()

    for b in range(2):
        pltpu.async_copy(
            y_hbm.at[src_v.at[pl.ds(b * CHUNK, CHUNK)]], bufs[b], gsems[b])

    def quad(k, carry):
        for b in range(4):
            j = k * 4 + b
            bn = (b + 2) % 4
            pltpu.make_async_copy(
                y_hbm.at[src_v.at[pl.ds(j * CHUNK, CHUNK)]],
                bufs[b], gsems[b]).wait()
            pltpu.make_async_copy(
                bufs[b], seg_sh.at[dstt_v.at[j]], ssems[b]).start(add=True)
            for g in range(CHUNK // 16):
                base = j * CHUNK + g * 16
                di = plsc.load_gather(dinv_v, [dstt_v[j, pl.ds(g * 16, 16)]])
                plsc.addupdate_scatter(c_v, [src_v[pl.ds(base, 16)]], di)

            @pl.when(j >= 2)
            def _():
                pltpu.make_async_copy(
                    bufs[bn], seg_sh.at[dstt_v.at[j - 2]], ssems[bn]).wait()

            @pl.when(j + 2 < NCH)
            def _():
                pltpu.async_copy(
                    y_hbm.at[src_v.at[pl.ds((j + 2) * CHUNK, CHUNK)]],
                    bufs[bn], gsems[bn])
        return carry
    lax.fori_loop(0, NCH // 4, quad, 0)

    for b in range(2, 4):
        pltpu.make_async_copy(
            bufs[b], seg_sh.at[dstt_v.at[NCH - 4 + b]], ssems[b]).wait()

    plsc.subcore_barrier()
    pltpu.sync_copy(seg_sh.at[pl.ds(s * npt, npt)], dr_v)
    pltpu.sync_copy(dr_v, seg_hbm.at[c, pl.ds(s * npt, npt)])
    pltpu.sync_copy(c_v, cpart_hbm.at[wid])


def _t2_body(x_ref, w_ref, deg_ref, tab_ref, wt_ref, bt_ref,
             src_ref, dst_ref,
             y_ref, dinv_ref, tabemb_ref, srcp_ref, dstp_ref):
    ones = jnp.ones((NW, 1), jnp.float32)
    deg_col = lax.dot_general(
        deg_ref[...], ones, (((0,), (0,)), ((), ()))) + 1.0
    dinv_col = lax.rsqrt(deg_col)
    dinv_ref[...] = dinv_col
    xw = x_ref[...] @ w_ref[...]
    y_ref[0:NNODES, :] = xw * dinv_col[0:NNODES]
    y_ref[NNODES:NP, :] = jnp.zeros((NP - NNODES, EMB), jnp.float32)
    tabemb_ref[...] = jnp.maximum(tab_ref[...] @ wt_ref[...] + bt_ref[...], 0.0)
    fill = jnp.full((NW, EPWP - EPW), NNODES, jnp.int32)
    srcp_ref[:, 0:EPW] = src_ref[...]
    srcp_ref[:, EPW:EPWP] = fill
    dstp_ref[:, 0:EPW] = dst_ref[...]
    dstp_ref[:, EPW:EPWP] = fill


_t2 = pl.pallas_call(
    _t2_body,
    out_shape=(jax.ShapeDtypeStruct((NP, EMB), jnp.float32),
               jax.ShapeDtypeStruct((NP, 1), jnp.float32),
               jax.ShapeDtypeStruct((B, EMB), jnp.float32),
               jax.ShapeDtypeStruct((NW, EPWP), jnp.int32),
               jax.ShapeDtypeStruct((NW, EPWP), jnp.int32)))


def _tgru_body(seq_ref, wih_ref, whh_ref, bih_ref, bhh_ref, h_ref):
    wih = wih_ref[...]
    whh = whh_ref[...]
    bih = bih_ref[...]
    bhh = bhh_ref[...]
    dn = (((1,), (1,)), ((), ()))

    def step(t, h):
        x_t = seq_ref[:, t, :]
        gi = lax.dot_general(x_t, wih, dn) + bih
        gh = lax.dot_general(h, whh, dn) + bhh
        r = jax.nn.sigmoid(gi[:, 0:EMB] + gh[:, 0:EMB])
        z = jax.nn.sigmoid(gi[:, EMB:2 * EMB] + gh[:, EMB:2 * EMB])
        n = jnp.tanh(gi[:, 2 * EMB:3 * EMB] + r * gh[:, 2 * EMB:3 * EMB])
        return (1.0 - z) * n + z * h

    h_ref[...] = lax.fori_loop(0, SEQ, step, jnp.zeros((B, EMB), jnp.float32))


_tgru = pl.pallas_call(
    _tgru_body, out_shape=jax.ShapeDtypeStruct((B, EMB), jnp.float32))


def _t5_body(seg_ref, cpart_ref, y_ref, dinvc_ref, deg_ref, g1b_ref,
             g2w_ref, g2b_ref, tabemb_ref, h_ref, fw_ref,
             fbias_ref, cw_ref, cb_ref, out_ref, dummy_ref):
    seg = seg_ref[0] + seg_ref[1]
    h1 = jnp.maximum(dinvc_ref[...] * (seg + y_ref[...]) + g1b_ref[...], 0.0)
    ones_row = jnp.ones((1, NW), jnp.float32)
    dinv_row = lax.rsqrt(ones_row @ deg_ref[...] + 1.0)
    csum = ones_row @ cpart_ref[...] + dinv_row
    mask = lax.broadcasted_iota(jnp.int32, (1, NP), 1) < NNODES
    w2 = jnp.where(mask, dinv_row * csum, 0.0)
    gsum = w2 @ h1
    grow = (gsum @ g2w_ref[...]) * (1.0 / NNODES) + g2b_ref[...]
    fw = fw_ref[...]
    fused = jnp.maximum(
        tabemb_ref[...] @ fw[0:EMB] + grow @ fw[EMB:2 * EMB]
        + h_ref[...] @ fw[2 * EMB:3 * EMB] + fbias_ref[...], 0.0)
    out_ref[...] = fused @ cw_ref[...] + cb_ref[...]
    dummy_ref[...] = jnp.zeros((B, EMB), jnp.float32)


def kernel(tabular, x, edge_index, seq, W_tab, b_tab, g1_W, g1_b, g2_W, g2_b,
           emb_table, gru_W_ih, gru_W_hh, gru_b_ih, gru_b_hh, fusion_W,
           fusion_b, cls_W, cls_b):
    nc = cls_W.shape[1]
    src2 = edge_index[0].reshape(NW, EPW)
    dst2 = edge_index[1].reshape(NW, EPW)
    dstr = edge_index[1].reshape(NW, DGR, 16)
    seqt = seq.reshape(NW, SPW)

    deg_part = _sc_deg(dstr)
    emb_rows = _sc_emb(seqt, emb_table)
    y, dinv_col, tab_emb, srcp, dstp = _t2(
        x, g1_W, deg_part, tabular, W_tab, b_tab.reshape(1, EMB), src2, dst2)
    seg_part, c_part = _sc_edges(
        srcp, dstp.reshape(NW, NCH, CHUNK), y, dinv_col.reshape(NP))

    seq_bm = emb_rows.reshape(B, SEQ, EMB)
    h = _tgru(seq_bm, gru_W_ih, gru_W_hh,
              gru_b_ih.reshape(1, 3 * EMB), gru_b_hh.reshape(1, 3 * EMB))

    t5 = pl.pallas_call(
        _t5_body,
        out_shape=(jax.ShapeDtypeStruct((B, nc), jnp.float32),
                   jax.ShapeDtypeStruct((B, EMB), jnp.float32)))
    logits, dummy = t5(seg_part, c_part, y, dinv_col, deg_part,
                       g1_b.reshape(1, EMB), g2_W, g2_b.reshape(1, EMB),
                       tab_emb, h, fusion_W,
                       fusion_b.reshape(1, EMB), cls_W, cls_b.reshape(1, nc))
    return (logits, dummy)

# --- scband reference (transcript-rebuilt; emitter-appended) ---
"""Pipeline reference for scband-fast-magnet-76879914598861 (READ-ONLY COPY).

The authoritative reference and input builder live on the scoring server;
editing this copy changes nothing except your own understanding.
"""

import jax, jax.numpy as jnp
import numpy as np

N_NODES = 10000


def gcn_conv(x, edge_index, W, b):
    n = x.shape[0]
    loop = jnp.arange(n)
    src = jnp.concatenate([edge_index[0], loop])
    dst = jnp.concatenate([edge_index[1], loop])
    deg = jnp.zeros((n,), x.dtype).at[dst].add(1.0)
    dinv = jax.lax.rsqrt(deg)
    norm = dinv[src] * dinv[dst]
    xw = x @ W
    msg = xw[src] * norm[:, None]
    out = jnp.zeros((n, W.shape[1]), x.dtype).at[dst].add(msg)
    return out + b


def gru_last_hidden(seq_emb, W_ih, W_hh, b_ih, b_hh):
    B = seq_emb.shape[0]
    H = W_hh.shape[1]

    def step(h, x_t):
        gi = x_t @ W_ih.T + b_ih
        gh = h @ W_hh.T + b_hh
        i_r, i_z, i_n = jnp.split(gi, 3, axis=1)
        h_r, h_z, h_n = jnp.split(gh, 3, axis=1)
        r = jax.nn.sigmoid(i_r + h_r)
        z = jax.nn.sigmoid(i_z + h_z)
        nn_ = jnp.tanh(i_n + r * h_n)
        h_new = (1.0 - z) * nn_ + z * h
        return h_new, None

    h0 = jnp.zeros((B, H), seq_emb.dtype)
    xs = jnp.transpose(seq_emb, (1, 0, 2))
    h_final, _ = jax.lax.scan(step, h0, xs)
    return h_final


def setup_inputs(seed: int = 0) -> dict:
    key = jax.random.key(seed)
    ks = jax.random.split(key, 20)
    D_TAB = 128
    D_NODE = 128
    EMB = 32
    VOCAB = 100000
    SEQ_LEN = 50
    B = 1024
    E = 320000
    NC = 2
    s = 0.02
    inp = {}
    inp['tabular'] = jax.random.normal(ks[0], (B, D_TAB), dtype=jnp.float32)
    inp['x'] = jax.random.normal(ks[1], (N_NODES, D_NODE), dtype=jnp.float32)
    inp['edge_index'] = jax.random.randint(ks[2], (2, E), 0, N_NODES, dtype=jnp.int32)
    inp['seq'] = jax.random.randint(ks[3], (B, SEQ_LEN), 0, VOCAB, dtype=jnp.int32)
    inp['W_tab'] = jax.random.normal(ks[4], (D_TAB, EMB), dtype=jnp.float32) * s
    inp['b_tab'] = jnp.zeros((EMB,), jnp.float32)
    inp['g1_W'] = jax.random.normal(ks[5], (D_NODE, EMB), dtype=jnp.float32) * s
    inp['g1_b'] = jnp.zeros((EMB,), jnp.float32)
    inp['g2_W'] = jax.random.normal(ks[6], (EMB, EMB), dtype=jnp.float32) * s
    inp['g2_b'] = jnp.zeros((EMB,), jnp.float32)
    inp['emb_table'] = jax.random.normal(ks[7], (VOCAB, EMB), dtype=jnp.float32) * s
    inp['gru_W_ih'] = jax.random.normal(ks[8], (3 * EMB, EMB), dtype=jnp.float32) * s
    inp['gru_W_hh'] = jax.random.normal(ks[9], (3 * EMB, EMB), dtype=jnp.float32) * s
    inp['gru_b_ih'] = jnp.zeros((3 * EMB,), jnp.float32)
    inp['gru_b_hh'] = jnp.zeros((3 * EMB,), jnp.float32)
    inp['fusion_W'] = jax.random.normal(ks[10], (3 * EMB, EMB), dtype=jnp.float32) * s
    inp['fusion_b'] = jnp.zeros((EMB,), jnp.float32)
    inp['cls_W'] = jax.random.normal(ks[11], (EMB, NC), dtype=jnp.float32) * s
    inp['cls_b'] = jnp.zeros((NC,), jnp.float32)
    return inp


def reference(tabular, x, edge_index, seq, W_tab, b_tab, g1_W, g1_b, g2_W, g2_b, emb_table, gru_W_ih, gru_W_hh, gru_b_ih, gru_b_hh, fusion_W, fusion_b, cls_W, cls_b):
    # tabular encoder (dropout is identity in eval)
    tab_emb = jax.nn.relu(tabular @ W_tab + b_tab)
    # two GCN layers
    h = jax.nn.relu(gcn_conv(x, edge_index, g1_W, g1_b))
    h = gcn_conv(h, edge_index, g2_W, g2_b)
    # global mean pool (no batch vector -> single graph), expand to batch
    graph_emb = jnp.mean(h, axis=0, keepdims=True)
    graph_emb = jnp.broadcast_to(graph_emb, (tabular.shape[0], graph_emb.shape[1]))
    # sequence branch: embedding lookup + GRU last hidden
    seq_emb = jnp.take(emb_table, seq, axis=0)
    seq_h = gru_last_hidden(seq_emb, gru_W_ih, gru_W_hh, gru_b_ih, gru_b_hh)
    combined = jnp.concatenate([tab_emb, graph_emb, seq_h], axis=1)
    fused = jax.nn.relu(combined @ fusion_W + fusion_b)
    logits = fused @ cls_W + cls_b
    dummy_self_supervised = jnp.zeros_like(fused)
    return (logits, dummy_self_supervised)

if __name__ == "__main__":
    import jax
    _d = setup_inputs()
    print(jax.jit(kernel)(*tuple(_d.values())))

</pallas_src>

<mosaic_0001>
#map = affine_map<(d0, d1) -> (0, 0)>
module attributes {stable_mosaic.version = 14 : i64} {
  func.func @_sc_emb(%arg0: i32, %arg1: i32, %arg2: memref<32x1600xi32, #tpu.memory_space<hbm>>, %arg3: memref<100000x32xf32, #tpu.memory_space<hbm>>, %arg4: memref<51200x32xf32, #tpu.memory_space<hbm>>, %arg5: memref<1600xi32, #tpu.memory_space<vmem>>, %arg6: memref<1600x32xf32, #tpu.memory_space<vmem>>, %arg7: memref<!tpu.dma_semaphore, #tpu.memory_space<semaphore_mem>>) attributes {dimension_semantics = [#tpu.dimension_semantics<core_parallel>, #tpu.dimension_semantics<subcore_parallel>], iteration_bounds = array<i64: 2, 16>, scalar_prefetch = 0 : i64, scratch_operands = 3 : i64, tpu.core_type = #tpu.core_type<sc_vector_subcore>, window_params = [{transform_indices = #map}, {transform_indices = #map}, {transform_indices = #map}]} {
    %mul3A = arith.constant 16 : i32
    %mul3A_0 = arith.muli %arg0, %mul3A : i32
    %add3A = arith.addi %mul3A_0, %arg1 : i32
    "tpu.region"() ({
      %run_scoped3A = tpu.sem_alloc : memref<!tpu.dma_semaphore, #tpu.memory_space<semaphore_mem>>
      %dma_start3A_321 = arith.constant 0 : i32
      %dma_start3A_322 = tpu.memref_slice %arg2[%add3A, %dma_start3A_321] : memref<32x1600xi32, #tpu.memory_space<hbm>> -> memref<1x1600xi32, #tpu.memory_space<hbm>>
      %dma_start3A_323 = tpu.memref_squeeze %dma_start3A_322 : memref<1x1600xi32, #tpu.memory_space<hbm>> -> memref<1600xi32, #tpu.memory_space<hbm>>
      %dma_start3A_324 = arith.constant 0 : i32
      %dma_start3A_325 = tpu.memref_slice %arg2[%add3A, %dma_start3A_324] : memref<32x1600xi32, #tpu.memory_space<hbm>> -> memref<1x1600xi32, #tpu.memory_space<hbm>>
      %dma_start3A_326 = tpu.memref_squeeze %dma_start3A_325 : memref<1x1600xi32, #tpu.memory_space<hbm>> -> memref<1600xi32, #tpu.memory_space<hbm>>
      tpu.enqueue_dma source(%dma_start3A_326 : memref<1600xi32, #tpu.memory_space<hbm>>) target(%arg5 : memref<1600xi32, #tpu.memory_space<vmem>>) target_semaphore(%run_scoped3A : memref<!tpu.dma_semaphore, #tpu.memory_space<semaphore_mem>>)
      %dma_wait3A_327 = arith.constant 0 : i32
      %dma_wait3A_328 = tpu.memref_slice %arg2[%add3A, %dma_wait3A_327] : memref<32x1600xi32, #tpu.memory_space<hbm>> -> memref<1x1600xi32, #tpu.memory_space<hbm>>
      %dma_wait3A_329 = tpu.memref_squeeze %dma_wait3A_328 : memref<1x1600xi32, #tpu.memory_space<hbm>> -> memref<1600xi32, #tpu.memory_space<hbm>>
      %dma_wait3A_330 = arith.constant 0 : i32
      %dma_wait3A_331 = tpu.memref_slice %arg2[%add3A, %dma_wait3A_330] : memref<32x1600xi32, #tpu.memory_space<hbm>> -> memref<1x1600xi32, #tpu.memory_space<hbm>>
      %dma_wait3A_332 = tpu.memref_squeeze %dma_wait3A_331 : memref<1x1600xi32, #tpu.memory_space<hbm>> -> memref<1600xi32, #tpu.memory_space<hbm>>
      tpu.wait_dma2 semaphore(%run_scoped3A : memref<!tpu.dma_semaphore, #tpu.memory_space<semaphore_mem>>) src(%dma_wait3A_332 : memref<1600xi32, #tpu.memory_space<hbm>>) dst(%arg5 : memref<1600xi32, #tpu.memory_space<vmem>>)
      tpu.yield
    }) : () -> ()
    %dma_start3A = arith.constant 0 : i32
    %dma_start3A_1 = arith.constant 0 : i32
    %dma_start3A_2 = tpu.memref_slice %arg6[%dma_start3A, %dma_start3A_1] : memref<1600x32xf32, #tpu.memory_space<vmem>> -> memref<80x32xf32, #tpu.memory_space<vmem>>
    %dma_start3A_3 = arith.constant 0 : i32
    %dma_start3A_4 = tpu.memref_slice %arg5[%dma_start3A_3] : memref<1600xi32, #tpu.memory_space<vmem>> -> memref<80xi32, #tpu.memory_space<vmem>>
    %dma_start3A_5 = arith.constant 0 : i32
    %dma_start3A_6 = arith.constant 0 : i32
    %dma_start3A_7 = tpu.memref_slice %arg3[%dma_start3A_5, %dma_start3A_6] : memref<100000x32xf32, #tpu.memory_space<hbm>> -> memref<100000x32xf32, #tpu.memory_space<hbm>>
    tpu.enqueue_indirect_dma source(%dma_start3A_7 : memref<100000x32xf32, #tpu.memory_space<hbm>>) target(%dma_start3A_2 : memref<80x32xf32, #tpu.memory_space<vmem>>) offsets(%dma_start3A_4 : memref<80xi32, #tpu.memory_space<vmem>>) semaphore(%arg7 : memref<!tpu.dma_semaphore, #tpu.memory_space<semaphore_mem>>)
    %dma_start3A_8 = arith.constant 80 : i32
    %dma_start3A_9 = arith.constant 0 : i32
    %dma_start3A_10 = tpu.memref_slice %arg6[%dma_start3A_8, %dma_start3A_9] : memref<1600x32xf32, #tpu.memory_space<vmem>> -> memref<80x32xf32, #tpu.memory_space<vmem>>
    %dma_start3A_11 = arith.constant 80 : i32
    %dma_start3A_12 = tpu.memref_slice %arg5[%dma_start3A_11] : memref<1600xi32, #tpu.memory_space<vmem>> -> memref<80xi32, #tpu.memory_space<vmem>>
    %dma_start3A_13 = arith.constant 0 : i32
    %dma_start3A_14 = arith.constant 0 : i32
    %dma_start3A_15 = tpu.memref_slice %arg3[%dma_start3A_13, %dma_start3A_14] : memref<100000x32xf32, #tpu.memory_space<hbm>> -> memref<100000x32xf32, #tpu.memory_space<hbm>>
    tpu.enqueue_indirect_dma source(%dma_start3A_15 : memref<100000x32xf32, #tpu.memory_space<hbm>>) target(%dma_start3A_10 : memref<80x32xf32, #tpu.memory_space<vmem>>) offsets(%dma_start3A_12 : memref<80xi32, #tpu.memory_space<vmem>>) semaphore(%arg7 : memref<!tpu.dma_semaphore, #tpu.memory_space<semaphore_mem>>)
    %dma_start3A_16 = arith.constant 160 : i32
    %dma_start3A_17 = arith.constant 0 : i32
    %dma_start3A_18 = tpu.memref_slice %arg6[%dma_start3A_16, %dma_start3A_17] : memref<1600x32xf32, #tpu.memory_space<vmem>> -> memref<80x32xf32, #tpu.memory_space<vmem>>
    %dma_start3A_19 = arith.constant 160 : i32
    %dma_start3A_20 = tpu.memref_slice %arg5[%dma_start3A_19] : memref<1600xi32, #tpu.memory_space<vmem>> -> memref<80xi32, #tpu.memory_space<vmem>>
    %dma_start3A_21 = arith.constant 0 : i32
    %dma_start3A_22 = arith.constant 0 : i32
    %dma_start3A_23 = tpu.memref_slice %arg3[%dma_start3A_21, %dma_start3A_22] : memref<100000x32xf32, #tpu.memory_space<hbm>> -> memref<100000x32xf32, #tpu.memory_space<hbm>>
    tpu.enqueue_indirect_dma source(%dma_start3A_23 : memref<100000x32xf32, #tpu.memory_space<hbm>>) target(%dma_start3A_18 : memref<80x32xf32, #tpu.memory_space<vmem>>) offsets(%dma_start3A_20 : memref<80xi32, #tpu.memory_space<vmem>>) semaphore(%arg7 : memref<!tpu.dma_semaphore, #tpu.memory_space<semaphore_mem>>)
    %dma_start3A_24 = arith.constant 240 : i32
    %dma_start3A_25 = arith.constant 0 : i32
    %dma_start3A_26 = tpu.memref_slice %arg6[%dma_start3A_24, %dma_start3A_25] : memref<1600x32xf32, #tpu.memory_space<vmem>> -> memref<80x32xf32, #tpu.memory_space<vmem>>
    %dma_start3A_27 = arith.constant 240 : i32
    %dma_start3A_28 = tpu.memref_slice %arg5[%dma_start3A_27] : memref<1600xi32, #tpu.memory_space<vmem>> -> memref<80xi32, #tpu.memory_space<vmem>>
    %dma_start3A_29 = arith.constant 0 : i32
    %dma_start3A_30 = arith.constant 0 : i32
    %dma_start3A_31 = tpu.memref_slice %arg3[%dma_start3A_29, %dma_start3A_30] : memref<100000x32xf32, #tpu.memory_space<hbm>> -> memref<100000x32xf32, #tpu.memory_space<hbm>>
    tpu.enqueue_indirect_dma source(%dma_start3A_31 : memref<100000x32xf32, #tpu.memory_space<hbm>>) target(%dma_start3A_26 : memref<80x32xf32, #tpu.memory_space<vmem>>) offsets(%dma_start3A_28 : memref<80xi32, #tpu.memory_space<vmem>>) semaphore(%arg7 : memref<!tpu.dma_semaphore, #tpu.memory_space<semaphore_mem>>)
    %dma_start3A_32 = arith.constant 320 : i32
    %dma_start3A_33 = arith.constant 0 : i32
    %dma_start3A_34 = tpu.memref_slice %arg6[%dma_start3A_32, %dma_start3A_33] : memref<1600x32xf32, #tpu.memory_space<vmem>> -> memref<80x32xf32, #tpu.memory_space<vmem>>
    %dma_start3A_35 = arith.constant 320 : i32
    %dma_start3A_36 = tpu.memref_slice %arg5[%dma_start3A_35] : memref<1600xi32, #tpu.memory_space<vmem>> -> memref<80xi32, #tpu.memory_space<vmem>>
    %dma_start3A_37 = arith.constant 0 : i32
    %dma_start3A_38 = arith.constant 0 : i32
    %dma_start3A_39 = tpu.memref_slice %arg3[%dma_start3A_37, %dma_start3A_38] : memref<100000x32xf32, #tpu.memory_space<hbm>> -> memref<100000x32xf32, #tpu.memory_space<hbm>>
    tpu.enqueue_indirect_dma source(%dma_start3A_39 : memref<100000x32xf32, #tpu.memory_space<hbm>>) target(%dma_start3A_34 : memref<80x32xf32, #tpu.memory_space<vmem>>) offsets(%dma_start3A_36 : memref<80xi32, #tpu.memory_space<vmem>>) semaphore(%arg7 : memref<!tpu.dma_semaphore, #tpu.memory_space<semaphore_mem>>)
    %dma_start3A_40 = arith.constant 400 : i32
    %dma_start3A_41 = arith.constant 0 : i32
    %dma_start3A_42 = tpu.memref_slice %arg6[%dma_start3A_40, %dma_start3A_41] : memref<1600x32xf32, #tpu.memory_space<vmem>> -> memref<80x32xf32, #tpu.memory_space<vmem>>
    %dma_start3A_43 = arith.constant 400 : i32
    %dma_start3A_44 = tpu.memref_slice %arg5[%dma_start3A_43] : memref<1600xi32, #tpu.memory_space<vmem>> -> memref<80xi32, #tpu.memory_space<vmem>>
    %dma_start3A_45 = arith.constant 0 : i32
    %dma_start3A_46 = arith.constant 0 : i32
    %dma_start3A_47 = tpu.memref_slice %arg3[%dma_start3A_45, %dma_start3A_46] : memref<100000x32xf32, #tpu.memory_space<hbm>> -> memref<100000x32xf32, #tpu.memory_space<hbm>>
    tpu.enqueue_indirect_dma source(%dma_start3A_47 : memref<100000x32xf32, #tpu.memory_space<hbm>>) target(%dma_start3A_42 : memref<80x32xf32, #tpu.memory_space<vmem>>) offsets(%dma_start3A_44 : memref<80xi32, #tpu.memory_space<vmem>>) semaphore(%arg7 : memref<!tpu.dma_semaphore, #tpu.memory_space<semaphore_mem>>)
    %dma_start3A_48 = arith.constant 480 : i32
    %dma_start3A_49 = arith.constant 0 : i32
    %dma_start3A_50 = tpu.memref_slice %arg6[%dma_start3A_48, %dma_start3A_49] : memref<1600x32xf32, #tpu.memory_space<vmem>> -> memref<80x32xf32, #tpu.memory_space<vmem>>
    %dma_start3A_51 = arith.constant 480 : i32
    %dma_start3A_52 = tpu.memref_slice %arg5[%dma_start3A_51] : memref<1600xi32, #tpu.memory_space<vmem>> -> memref<80xi32, #tpu.memory_space<vmem>>
    %dma_start3A_53 = arith.constant 0 : i32
    %dma_start3A_54 = arith.constant 0 : i32
    %dma_start3A_55 = tpu.memref_slice %arg3[%dma_start3A_53, %dma_start3A_54] : memref<100000x32xf32, #tpu.memory_space<hbm>> -> memref<100000x32xf32, #tpu.memory_space<hbm>>
    tpu.enqueue_indirect_dma source(%dma_start3A_55 : memref<100000x32xf32, #tpu.memory_space<hbm>>) target(%dma_start3A_50 : memref<80x32xf32, #tpu.memory_space<vmem>>) offsets(%dma_start3A_52 : memref<80xi32, #tpu.memory_space<vmem>>) semaphore(%arg7 : memref<!tpu.dma_semaphore, #tpu.memory_space<semaphore_mem>>)
    %dma_start3A_56 = arith.constant 560 : i32
    %dma_start3A_57 = arith.constant 0 : i32
    %dma_start3A_58 = tpu.memref_slice %arg6[%dma_start3A_56, %dma_start3A_57] : memref<1600x32xf32, #tpu.memory_space<vmem>> -> memref<80x32xf32, #tpu.memory_space<vmem>>
    %dma_start3A_59 = arith.constant 560 : i32
    %dma_start3A_60 = tpu.memref_slice %arg5[%dma_start3A_59] : memref<1600xi32, #tpu.memory_space<vmem>> -> memref<80xi32, #tpu.memory_space<vmem>>
    %dma_start3A_61 = arith.constant 0 : i32
    %dma_start3A_62 = arith.constant 0 : i32
    %dma_start3A_63 = tpu.memref_slice %arg3[%dma_start3A_61, %dma_start3A_62] : memref<100000x32xf32, #tpu.memory_space<hbm>> -> memref<100000x32xf32, #tpu.memory_space<hbm>>
    tpu.enqueue_indirect_dma source(%dma_start3A_63 : memref<100000x32xf32, #tpu.memory_space<hbm>>) target(%dma_start3A_58 : memref<80x32xf32, #tpu.memory_space<vmem>>) offsets(%dma_start3A_60 : memref<80xi32, #tpu.memory_space<vmem>>) semaphore(%arg7 : memref<!tpu.dma_semaphore, #tpu.memory_space<semaphore_mem>>)
    %dma_start3A_64 = arith.constant 640 : i32
    %dma_start3A_65 = arith.constant 0 : i32
    %dma_start3A_66 = tpu.memref_slice %arg6[%dma_start3A_64, %dma_start3A_65] : memref<1600x32xf32, #tpu.memory_space<vmem>> -> memref<80x32xf32, #tpu.memory_space<vmem>>
    %dma_start3A_67 = arith.constant 640 : i32
    %dma_start3A_68 = tpu.memref_slice %arg5[%dma_start3A_67] : memref<1600xi32, #tpu.memory_space<vmem>> -> memref<80xi32, #tpu.memory_space<vmem>>
    %dma_start3A_69 = arith.constant 0 : i32
    %dma_start3A_70 = arith.constant 0 : i32
    %dma_start3A_71 = tpu.memref_slice %arg3[%dma_start3A_69, %dma_start3A_70] : memref<100000x32xf32, #tpu.memory_space<hbm>> -> memref<100000x32xf32, #tpu.memory_space<hbm>>
    tpu.enqueue_indirect_dma source(%dma_start3A_71 : memref<100000x32xf32, #tpu.memory_space<hbm>>) target(%dma_start3A_66 : memref<80x32xf32, #tpu.memory_space<vmem>>) offsets(%dma_start3A_68 : memref<80xi32, #tpu.memory_space<vmem>>) semaphore(%arg7 : memref<!tpu.dma_semaphore, #tpu.memory_space<semaphore_mem>>)
    %dma_start3A_72 = arith.constant 720 : i32
    %dma_start3A_73 = arith.constant 0 : i32
    %dma_start3A_74 = tpu.memref_slice %arg6[%dma_start3A_72, %dma_start3A_73] : memref<1600x32xf32, #tpu.memory_space<vmem>> -> memref<80x32xf32, #tpu.memory_space<vmem>>
    %dma_start3A_75 = arith.constant 720 : i32
    %dma_start3A_76 = tpu.memref_slice %arg5[%dma_start3A_75] : memref<1600xi32, #tpu.memory_space<vmem>> -> memref<80xi32, #tpu.memory_space<vmem>>
    %dma_start3A_77 = arith.constant 0 : i32
    %dma_start3A_78 = arith.constant 0 : i32
    %dma_start3A_79 = tpu.memref_slice %arg3[%dma_start3A_77, %dma_start3A_78] : memref<100000x32xf32, #tpu.memory_space<hbm>> -> memref<100000x32xf32, #tpu.memory_space<hbm>>
    tpu.enqueue_indirect_dma source(%dma_start3A_79 : memref<100000x32xf32, #tpu.memory_space<hbm>>) target(%dma_start3A_74 : memref<80x32xf32, #tpu.memory_space<vmem>>) offsets(%dma_start3A_76 : memref<80xi32, #tpu.memory_space<vmem>>) semaphore(%arg7 : memref<!tpu.dma_semaphore, #tpu.memory_space<semaphore_mem>>)
    %dma_start3A_80 = arith.constant 800 : i32
    %dma_start3A_81 = arith.constant 0 : i32
    %dma_start3A_82 = tpu.memref_slice %arg6[%dma_start3A_80, %dma_start3A_81] : memref<1600x32xf32, #tpu.memory_space<vmem>> -> memref<80x32xf32, #tpu.memory_space<vmem>>
    %dma_start3A_83 = arith.constant 800 : i32
    %dma_start3A_84 = tpu.memref_slice %arg5[%dma_start3A_83] : memref<1600xi32, #tpu.memory_space<vmem>> -> memref<80xi32, #tpu.memory_space<vmem>>
    %dma_start3A_85 = arith.constant 0 : i32
    %dma_start3A_86 = arith.constant 0 : i32
    %dma_start3A_87 = tpu.memref_slice %arg3[%dma_start3A_85, %dma_start3A_86] : memref<100000x32xf32, #tpu.memory_space<hbm>> -> memref<100000x32xf32, #tpu.memory_space<hbm>>
    tpu.enqueue_indirect_dma source(%dma_start3A_87 : memref<100000x32xf32, #tpu.memory_space<hbm>>) target(%dma_start3A_82 : memref<80x32xf32, #tpu.memory_space<vmem>>) offsets(%dma_start3A_84 : memref<80xi32, #tpu.memory_space<vmem>>) semaphore(%arg7 : memref<!tpu.dma_semaphore, #tpu.memory_space<semaphore_mem>>)
    %dma_start3A_88 = arith.constant 880 : i32
    %dma_start3A_89 = arith.constant 0 : i32
    %dma_start3A_90 = tpu.memref_slice %arg6[%dma_start3A_88, %dma_start3A_89] : memref<1600x32xf32, #tpu.memory_space<vmem>> -> memref<80x32xf32, #tpu.memory_space<vmem>>
    %dma_start3A_91 = arith.constant 880 : i32
    %dma_start3A_92 = tpu.memref_slice %arg5[%dma_start3A_91] : memref<1600xi32, #tpu.memory_space<vmem>> -> memref<80xi32, #tpu.memory_space<vmem>>
    %dma_start3A_93 = arith.constant 0 : i32
    %dma_start3A_94 = arith.constant 0 : i32
    %dma_start3A_95 = tpu.memref_slice %arg3[%dma_start3A_93, %dma_start3A_94] : memref<100000x32xf32, #tpu.memory_space<hbm>> -> memref<100000x32xf32, #tpu.memory_space<hbm>>
    tpu.enqueue_indirect_dma source(%dma_start3A_95 : memref<100000x32xf32, #tpu.memory_space<hbm>>) target(%dma_start3A_90 : memref<80x32xf32, #tpu.memory_space<vmem>>) offsets(%dma_start3A_92 : memref<80xi32, #tpu.memory_space<vmem>>) semaphore(%arg7 : memref<!tpu.dma_semaphore, #tpu.memory_space<semaphore_mem>>)
    %dma_start3A_96 = arith.constant 960 : i32
    %dma_start3A_97 = arith.constant 0 : i32
    %dma_start3A_98 = tpu.memref_slice %arg6[%dma_start3A_96, %dma_start3A_97] : memref<1600x32xf32, #tpu.memory_space<vmem>> -> memref<80x32xf32, #tpu.memory_space<vmem>>
    %dma_start3A_99 = arith.constant 960 : i32
    %dma_start3A_100 = tpu.memref_slice %arg5[%dma_start3A_99] : memref<1600xi32, #tpu.memory_space<vmem>> -> memref<80xi32, #tpu.memory_space<vmem>>
    %dma_start3A_101 = arith.constant 0 : i32
    %dma_start3A_102 = arith.constant 0 : i32
    %dma_start3A_103 = tpu.memref_slice %arg3[%dma_start3A_101, %dma_start3A_102] : memref<100000x32xf32, #tpu.memory_space<hbm>> -> memref<100000x32xf32, #tpu.memory_space<hbm>>
    tpu.enqueue_indirect_dma source(%dma_start3A_103 : memref<100000x32xf32, #tpu.memory_space<hbm>>) target(%dma_start3A_98 : memref<80x32xf32, #tpu.memory_space<vmem>>) offsets(%dma_start3A_100 : memref<80xi32, #tpu.memory_space<vmem>>) semaphore(%arg7 : memref<!tpu.dma_semaphore, #tpu.memory_space<semaphore_mem>>)
    %dma_start3A_104 = arith.constant 1040 : i32
    %dma_start3A_105 = arith.constant 0 : i32
    %dma_start3A_106 = tpu.memref_slice %arg6[%dma_start3A_104, %dma_start3A_105] : memref<1600x32xf32, #tpu.memory_space<vmem>> -> memref<80x32xf32, #tpu.memory_space<vmem>>
    %dma_start3A_107 = arith.constant 1040 : i32
    %dma_start3A_108 = tpu.memref_slice %arg5[%dma_start3A_107] : memref<1600xi32, #tpu.memory_space<vmem>> -> memref<80xi32, #tpu.memory_space<vmem>>
    %dma_start3A_109 = arith.constant 0 : i32
    %dma_start3A_110 = arith.constant 0 : i32
    %dma_start3A_111 = tpu.memref_slice %arg3[%dma_start3A_109, %dma_start3A_110] : memref<100000x32xf32, #tpu.memory_space<hbm>> -> memref<100000x32xf32, #tpu.memory_space<hbm>>
    tpu.enqueue_indirect_dma source(%dma_start3A_111 : memref<100000x32xf32, #tpu.memory_space<hbm>>) target(%dma_start3A_106 : memref<80x32xf32, #tpu.memory_space<vmem>>) offsets(%dma_start3A_108 : memref<80xi32, #tpu.memory_space<vmem>>) semaphore(%arg7 : memref<!tpu.dma_semaphore, #tpu.memory_space<semaphore_mem>>)
    %dma_start3A_112 = arith.constant 1120 : i32
    %dma_start3A_113 = arith.constant 0 : i32
    %dma_start3A_114 = tpu.memref_slice %arg6[%dma_start3A_112, %dma_start3A_113] : memref<1600x32xf32, #tpu.memory_space<vmem>> -> memref<80x32xf32, #tpu.memory_space<vmem>>
    %dma_start3A_115 = arith.constant 1120 : i32
    %dma_start3A_116 = tpu.memref_slice %arg5[%dma_start3A_115] : memref<1600xi32, #tpu.memory_space<vmem>> -> memref<80xi32, #tpu.memory_space<vmem>>
    %dma_start3A_117 = arith.constant 0 : i32
    %dma_start3A_118 = arith.constant 0 : i32
    %dma_start3A_119 = tpu.memref_slice %arg3[%dma_start3A_117, %dma_start3A_118] : memref<100000x32xf32, #tpu.memory_space<hbm>> -> memref<100000x32xf32, #tpu.memory_space<hbm>>
    tpu.enqueue_indirect_dma source(%dma_start3A_119 : memref<100000x32xf32, #tpu.memory_space<hbm>>) target(%dma_start3A_114 : memref<80x32xf32, #tpu.memory_space<vmem>>) offsets(%dma_start3A_116 : memref<80xi32, #tpu.memory_space<vmem>>) semaphore(%arg7 : memref<!tpu.dma_semaphore, #tpu.memory_space<semaphore_mem>>)
    %dma_start3A_120 = arith.constant 1200 : i32
    %dma_start3A_121 = arith.constant 0 : i32
    %dma_start3A_122 = tpu.memref_slice %arg6[%dma_start3A_120, %dma_start3A_121] : memref<1600x32xf32, #tpu.memory_space<vmem>> -> memref<80x32xf32, #tpu.memory_space<vmem>>
    %dma_start3A_123 = arith.constant 1200 : i32
    %dma_start3A_124 = tpu.memref_slice %arg5[%dma_start3A_123] : memref<1600xi32, #tpu.memory_space<vmem>> -> memref<80xi32, #tpu.memory_space<vmem>>
    %dma_start3A_125 = arith.constant 0 : i32
    %dma_start3A_126 = arith.constant 0 : i32
    %dma_start3A_127 = tpu.memref_slice %arg3[%dma_start3A_125, %dma_start3A_126] : memref<100000x32xf32, #tpu.memory_space<hbm>> -> memref<100000x32xf32, #tpu.memory_space<hbm>>
    tpu.enqueue_indirect_dma source(%dma_start3A_127 : memref<100000x32xf32, #tpu.memory_space<hbm>>) target(%dma_start3A_122 : memref<80x32xf32, #tpu.memory_space<vmem>>) offsets(%dma_start3A_124 : memref<80xi32, #tpu.memory_space<vmem>>) semaphore(%arg7 : memref<!tpu.dma_semaphore, #tpu.memory_space<semaphore_mem>>)
    %dma_start3A_128 = arith.constant 1280 : i32
    %dma_start3A_129 = arith.constant 0 : i32
    %dma_start3A_130 = tpu.memref_slice %arg6[%dma_start3A_128, %dma_start3A_129] : memref<1600x32xf32, #tpu.memory_space<vmem>> -> memref<80x32xf32, #tpu.memory_space<vmem>>
    %dma_start3A_131 = arith.constant 1280 : i32
    %dma_start3A_132 = tpu.memref_slice %arg5[%dma_start3A_131] : memref<1600xi32, #tpu.memory_space<vmem>> -> memref<80xi32, #tpu.memory_space<vmem>>
    %dma_start3A_133 = arith.constant 0 : i32
    %dma_start3A_134 = arith.constant 0 : i32
    %dma_start3A_135 = tpu.memref_slice %arg3[%dma_start3A_133, %dma_start3A_134] : memref<100000x32xf32, #tpu.memory_space<hbm>> -> memref<100000x32xf32, #tpu.memory_space<hbm>>
    tpu.enqueue_indirect_dma source(%dma_start3A_135 : memref<100000x32xf32, #tpu.memory_space<hbm>>) target(%dma_start3A_130 : memref<80x32xf32, #tpu.memory_space<vmem>>) offsets(%dma_start3A_132 : memref<80xi32, #tpu.memory_space<vmem>>) semaphore(%arg7 : memref<!tpu.dma_semaphore, #tpu.memory_space<semaphore_mem>>)
    %dma_start3A_136 = arith.constant 1360 : i32
    %dma_start3A_137 = arith.constant 0 : i32
    %dma_start3A_138 = tpu.memref_slice %arg6[%dma_start3A_136, %dma_start3A_137] : memref<1600x32xf32, #tpu.memory_space<vmem>> -> memref<80x32xf32, #tpu.memory_space<vmem>>
    %dma_start3A_139 = arith.constant 1360 : i32
    %dma_start3A_140 = tpu.memref_slice %arg5[%dma_start3A_139] : memref<1600xi32, #tpu.memory_space<vmem>> -> memref<80xi32, #tpu.memory_space<vmem>>
    %dma_start3A_141 = arith.constant 0 : i32
    %dma_start3A_142 = arith.constant 0 : i32
    %dma_start3A_143 = tpu.memref_slice %arg3[%dma_start3A_141, %dma_start3A_142] : memref<100000x32xf32, #tpu.memory_space<hbm>> -> memref<100000x32xf32, #tpu.memory_space<hbm>>
    tpu.enqueue_indirect_dma source(%dma_start3A_143 : memref<100000x32xf32, #tpu.memory_space<hbm>>) target(%dma_start3A_138 : memref<80x32xf32, #tpu.memory_space<vmem>>) offsets(%dma_start3A_140 : memref<80xi32, #tpu.memory_space<vmem>>) semaphore(%arg7 : memref<!tpu.dma_semaphore, #tpu.memory_space<semaphore_mem>>)
    %dma_start3A_144 = arith.constant 1440 : i32
    %dma_start3A_145 = arith.constant 0 : i32
    %dma_start3A_146 = tpu.memref_slice %arg6[%dma_start3A_144, %dma_start3A_145] : memref<1600x32xf32, #tpu.memory_space<vmem>> -> memref<80x32xf32, #tpu.memory_space<vmem>>
    %dma_start3A_147 = arith.constant 1440 : i32
    %dma_start3A_148 = tpu.memref_slice %arg5[%dma_start3A_147] : memref<1600xi32, #tpu.memory_space<vmem>> -> memref<80xi32, #tpu.memory_space<vmem>>
    %dma_start3A_149 = arith.constant 0 : i32
    %dma_start3A_150 = arith.constant 0 : i32
    %dma_start3A_151 = tpu.memref_slice %arg3[%dma_start3A_149, %dma_start3A_150] : memref<100000x32xf32, #tpu.memory_space<hbm>> -> memref<100000x32xf32, #tpu.memory_space<hbm>>
    tpu.enqueue_indirect_dma source(%dma_start3A_151 : memref<100000x32xf32, #tpu.memory_space<hbm>>) target(%dma_start3A_146 : memref<80x32xf32, #tpu.memory_space<vmem>>) offsets(%dma_start3A_148 : memref<80xi32, #tpu.memory_space<vmem>>) semaphore(%arg7 : memref<!tpu.dma_semaphore, #tpu.memory_space<semaphore_mem>>)
    %dma_start3A_152 = arith.constant 1520 : i32
    %dma_start3A_153 = arith.constant 0 : i32
    %dma_start3A_154 = tpu.memref_slice %arg6[%dma_start3A_152, %dma_start3A_153] : memref<1600x32xf32, #tpu.memory_space<vmem>> -> memref<80x32xf32, #tpu.memory_space<vmem>>
    %dma_start3A_155 = arith.constant 1520 : i32
    %dma_start3A_156 = tpu.memref_slice %arg5[%dma_start3A_155] : memref<1600xi32, #tpu.memory_space<vmem>> -> memref<80xi32, #tpu.memory_space<vmem>>
    %dma_start3A_157 = arith.constant 0 : i32
    %dma_start3A_158 = arith.constant 0 : i32
    %dma_start3A_159 = tpu.memref_slice %arg3[%dma_start3A_157, %dma_start3A_158] : memref<100000x32xf32, #tpu.memory_space<hbm>> -> memref<100000x32xf32, #tpu.memory_space<hbm>>
    tpu.enqueue_indirect_dma source(%dma_start3A_159 : memref<100000x32xf32, #tpu.memory_space<hbm>>) target(%dma_start3A_154 : memref<80x32xf32, #tpu.memory_space<vmem>>) offsets(%dma_start3A_156 : memref<80xi32, #tpu.memory_space<vmem>>) semaphore(%arg7 : memref<!tpu.dma_semaphore, #tpu.memory_space<semaphore_mem>>)
    %dma_wait3A = arith.constant 0 : i32
    %dma_wait3A_160 = arith.constant 0 : i32
    %dma_wait3A_161 = tpu.memref_slice %arg6[%dma_wait3A, %dma_wait3A_160] : memref<1600x32xf32, #tpu.memory_space<vmem>> -> memref<80x32xf32, #tpu.memory_space<vmem>>
    %dma_wait3A_162 = arith.constant 0 : i32
    %dma_wait3A_163 = tpu.memref_slice %arg5[%dma_wait3A_162] : memref<1600xi32, #tpu.memory_space<vmem>> -> memref<80xi32, #tpu.memory_space<vmem>>
    %dma_wait3A_164 = arith.constant 0 : i32
    %dma_wait3A_165 = arith.constant 0 : i32
    %dma_wait3A_166 = tpu.memref_slice %arg3[%dma_wait3A_164, %dma_wait3A_165] : memref<100000x32xf32, #tpu.memory_space<hbm>> -> memref<100000x32xf32, #tpu.memory_space<hbm>>
    tpu.wait_indirect_dma semaphore(%arg7 : memref<!tpu.dma_semaphore, #tpu.memory_space<semaphore_mem>>) src(%dma_wait3A_166 : memref<100000x32xf32, #tpu.memory_space<hbm>>) dst(%dma_wait3A_161 : memref<80x32xf32, #tpu.memory_space<vmem>>)
    %dma_wait3A_167 = arith.constant 80 : i32
    %dma_wait3A_168 = arith.constant 0 : i32
    %dma_wait3A_169 = tpu.memref_slice %arg6[%dma_wait3A_167, %dma_wait3A_168] : memref<1600x32xf32, #tpu.memory_space<vmem>> -> memref<80x32xf32, #tpu.memory_space<vmem>>
    %dma_wait3A_170 = arith.constant 80 : i32
    %dma_wait3A_171 = tpu.memref_slice %arg5[%dma_wait3A_170] : memref<1600xi32, #tpu.memory_space<vmem>> -> memref<80xi32, #tpu.memory_space<vmem>>
    %dma_wait3A_172 = arith.constant 0 : i32
    %dma_wait3A_173 = arith.constant 0 : i32
    %dma_wait3A_174 = tpu.memref_slice %arg3[%dma_wait3A_172, %dma_wait3A_173] : memref<100000x32xf32, #tpu.memory_space<hbm>> -> memref<100000x32xf32, #tpu.memory_space<hbm>>
    tpu.wait_indirect_dma semaphore(%arg7 : memref<!tpu.dma_semaphore, #tpu.memory_space<semaphore_mem>>) src(%dma_wait3A_174 : memref<100000x32xf32, #tpu.memory_space<hbm>>) dst(%dma_wait3A_169 : memref<80x32xf32, #tpu.memory_space<vmem>>)
    %dma_wait3A_175 = arith.constant 160 : i32
    %dma_wait3A_176 = arith.constant 0 : i32
    %dma_wait3A_177 = tpu.memref_slice %arg6[%dma_wait3A_175, %dma_wait3A_176] : memref<1600x32xf32, #tpu.memory_space<vmem>> -> memref<80x32xf32, #tpu.memory_space<vmem>>
    %dma_wait3A_178 = arith.constant 160 : i32
    %dma_wait3A_179 = tpu.memref_slice %arg5[%dma_wait3A_178] : memref<1600xi32, #tpu.memory_space<vmem>> -> memref<80xi32, #tpu.memory_space<vmem>>
    %dma_wait3A_180 = arith.constant 0 : i32
    %dma_wait3A_181 = arith.constant 0 : i32
    %dma_wait3A_182 = tpu.memref_slice %arg3[%dma_wait3A_180, %dma_wait3A_181] : memref<100000x32xf32, #tpu.memory_space<hbm>> -> memref<100000x32xf32, #tpu.memory_space<hbm>>
    tpu.wait_indirect_dma semaphore(%arg7 : memref<!tpu.dma_semaphore, #tpu.memory_space<semaphore_mem>>) src(%dma_wait3A_182 : memref<100000x32xf32, #tpu.memory_space<hbm>>) dst(%dma_wait3A_177 : memref<80x32xf32, #tpu.memory_space<vmem>>)
    %dma_wait3A_183 = arith.constant 240 : i32
    %dma_wait3A_184 = arith.constant 0 : i32
    %dma_wait3A_185 = tpu.memref_slice %arg6[%dma_wait3A_183, %dma_wait3A_184] : memref<1600x32xf32, #tpu.memory_space<vmem>> -> memref<80x32xf32, #tpu.memory_space<vmem>>
    %dma_wait3A_186 = arith.constant 240 : i32
    %dma_wait3A_187 = tpu.memref_slice %arg5[%dma_wait3A_186] : memref<1600xi32, #tpu.memory_space<vmem>> -> memref<80xi32, #tpu.memory_space<vmem>>
    %dma_wait3A_188 = arith.constant 0 : i32
    %dma_wait3A_189 = arith.constant 0 : i32
    %dma_wait3A_190 = tpu.memref_slice %arg3[%dma_wait3A_188, %dma_wait3A_189] : memref<100000x32xf32, #tpu.memory_space<hbm>> -> memref<100000x32xf32, #tpu.memory_space<hbm>>
    tpu.wait_indirect_dma semaphore(%arg7 : memref<!tpu.dma_semaphore, #tpu.memory_space<semaphore_mem>>) src(%dma_wait3A_190 : memref<100000x32xf32, #tpu.memory_space<hbm>>) dst(%dma_wait3A_185 : memref<80x32xf32, #tpu.memory_space<vmem>>)
    %dma_wait3A_191 = arith.constant 320 : i32
    %dma_wait3A_192 = arith.constant 0 : i32
    %dma_wait3A_193 = tpu.memref_slice %arg6[%dma_wait3A_191, %dma_wait3A_192] : memref<1600x32xf32, #tpu.memory_space<vmem>> -> memref<80x32xf32, #tpu.memory_space<vmem>>
    %dma_wait3A_194 = arith.constant 320 : i32
    %dma_wait3A_195 = tpu.memref_slice %arg5[%dma_wait3A_194] : memref<1600xi32, #tpu.memory_space<vmem>> -> memref<80xi32, #tpu.memory_space<vmem>>
    %dma_wait3A_196 = arith.constant 0 : i32
    %dma_wait3A_197 = arith.constant 0 : i32
    %dma_wait3A_198 = tpu.memref_slice %arg3[%dma_wait3A_196, %dma_wait3A_197] : memref<100000x32xf32, #tpu.memory_space<hbm>> -> memref<100000x32xf32, #tpu.memory_space<hbm>>
    tpu.wait_indirect_dma semaphore(%arg7 : memref<!tpu.dma_semaphore, #tpu.memory_space<semaphore_mem>>) src(%dma_wait3A_198 : memref<100000x32xf32, #tpu.memory_space<hbm>>) dst(%dma_wait3A_193 : memref<80x32xf32, #tpu.memory_space<vmem>>)
    %dma_wait3A_199 = arith.constant 400 : i32
    %dma_wait3A_200 = arith.constant 0 : i32
    %dma_wait3A_201 = tpu.memref_slice %arg6[%dma_wait3A_199, %dma_wait3A_200] : memref<1600x32xf32, #tpu.memory_space<vmem>> -> memref<80x32xf32, #tpu.memory_space<vmem>>
    %dma_wait3A_202 = arith.constant 400 : i32
    %dma_wait3A_203 = tpu.memref_slice %arg5[%dma_wait3A_202] : memref<1600xi32, #tpu.memory_space<vmem>> -> memref<80xi32, #tpu.memory_space<vmem>>
    %dma_wait3A_204 = arith.constant 0 : i32
    %dma_wait3A_205 = arith.constant 0 : i32
    %dma_wait3A_206 = tpu.memref_slice %arg3[%dma_wait3A_204, %dma_wait3A_205] : memref<100000x32xf32, #tpu.memory_space<hbm>> -> memref<100000x32xf32, #tpu.memory_space<hbm>>
    tpu.wait_indirect_dma semaphore(%arg7 : memref<!tpu.dma_semaphore, #tpu.memory_space<semaphore_mem>>) src(%dma_wait3A_206 : memref<100000x32xf32, #tpu.memory_space<hbm>>) dst(%dma_wait3A_201 : memref<80x32xf32, #tpu.memory_space<vmem>>)
    %dma_wait3A_207 = arith.constant 480 : i32
    %dma_wait3A_208 = arith.constant 0 : i32
    %dma_wait3A_209 = tpu.memref_slice %arg6[%dma_wait3A_207, %dma_wait3A_208] : memref<1600x32xf32, #tpu.memory_space<vmem>> -> memref<80x32xf32, #tpu.memory_space<vmem>>
    %dma_wait3A_210 = arith.constant 480 : i32
    %dma_wait3A_211 = tpu.memref_slice %arg5[%dma_wait3A_210] : memref<1600xi32, #tpu.memory_space<vmem>> -> memref<80xi32, #tpu.memory_space<vmem>>
    %dma_wait3A_212 = arith.constant 0 : i32
    %dma_wait3A_213 = arith.constant 0 : i32
    %dma_wait3A_214 = tpu.memref_slice %arg3[%dma_wait3A_212, %dma_wait3A_213] : memref<100000x32xf32, #tpu.memory_space<hbm>> -> memref<100000x32xf32, #tpu.memory_space<hbm>>
    tpu.wait_indirect_dma semaphore(%arg7 : memref<!tpu.dma_semaphore, #tpu.memory_space<semaphore_mem>>) src(%dma_wait3A_214 : memref<100000x32xf32, #tpu.memory_space<hbm>>) dst(%dma_wait3A_209 : memref<80x32xf32, #tpu.memory_space<vmem>>)
    %dma_wait3A_215 = arith.constant 560 : i32
    %dma_wait3A_216 = arith.constant 0 : i32
    %dma_wait3A_217 = tpu.memref_slice %arg6[%dma_wait3A_215, %dma_wait3A_216] : memref<1600x32xf32, #tpu.memory_space<vmem>> -> memref<80x32xf32, #tpu.memory_space<vmem>>
    %dma_wait3A_218 = arith.constant 560 : i32
    %dma_wait3A_219 = tpu.memref_slice %arg5[%dma_wait3A_218] : memref<1600xi32, #tpu.memory_space<vmem>> -> memref<80xi32, #tpu.memory_space<vmem>>
    %dma_wait3A_220 = arith.constant 0 : i32
    %dma_wait3A_221 = arith.constant 0 : i32
    %dma_wait3A_222 = tpu.memref_slice %arg3[%dma_wait3A_220, %dma_wait3A_221] : memref<100000x32xf32, #tpu.memory_space<hbm>> -> memref<100000x32xf32, #tpu.memory_space<hbm>>
    tpu.wait_indirect_dma semaphore(%arg7 : memref<!tpu.dma_semaphore, #tpu.memory_space<semaphore_mem>>) src(%dma_wait3A_222 : memref<100000x32xf32, #tpu.memory_space<hbm>>) dst(%dma_wait3A_217 : memref<80x32xf32, #tpu.memory_space<vmem>>)
    %dma_wait3A_223 = arith.constant 640 : i32
    %dma_wait3A_224 = arith.constant 0 : i32
    %dma_wait3A_225 = tpu.memref_slice %arg6[%dma_wait3A_223, %dma_wait3A_224] : memref<1600x32xf32, #tpu.memory_space<vmem>> -> memref<80x32xf32, #tpu.memory_space<vmem>>
    %dma_wait3A_226 = arith.constant 640 : i32
    %dma_wait3A_227 = tpu.memref_slice %arg5[%dma_wait3A_226] : memref<1600xi32, #tpu.memory_space<vmem>> -> memref<80xi32, #tpu.memory_space<vmem>>
    %dma_wait3A_228 = arith.constant 0 : i32
    %dma_wait3A_229 = arith.constant 0 : i32
    %dma_wait3A_230 = tpu.memref_slice %arg3[%dma_wait3A_228, %dma_wait3A_229] : memref<100000x32xf32, #tpu.memory_space<hbm>> -> memref<100000x32xf32, #tpu.memory_space<hbm>>
    tpu.wait_indirect_dma semaphore(%arg7 : memref<!tpu.dma_semaphore, #tpu.memory_space<semaphore_mem>>) src(%dma_wait3A_230 : memref<100000x32xf32, #tpu.memory_space<hbm>>) dst(%dma_wait3A_225 : memref<80x32xf32, #tpu.memory_space<vmem>>)
    %dma_wait3A_231 = arith.constant 720 : i32
    %dma_wait3A_232 = arith.constant 0 : i32
    %dma_wait3A_233 = tpu.memref_slice %arg6[%dma_wait3A_231, %dma_wait3A_232] : memref<1600x32xf32, #tpu.memory_space<vmem>> -> memref<80x32xf32, #tpu.memory_space<vmem>>
    %dma_wait3A_234 = arith.constant 720 : i32
    %dma_wait3A_235 = tpu.memref_slice %arg5[%dma_wait3A_234] : memref<1600xi32, #tpu.memory_space<vmem>> -> memref<80xi32, #tpu.memory_space<vmem>>
    %dma_wait3A_236 = arith.constant 0 : i32
    %dma_wait3A_237 = arith.constant 0 : i32
    %dma_wait3A_238 = tpu.memref_slice %arg3[%dma_wait3A_236, %dma_wait3A_237] : memref<100000x32xf32, #tpu.memory_space<hbm>> -> memref<100000x32xf32, #tpu.memory_space<hbm>>
    tpu.wait_indirect_dma semaphore(%arg7 : memref<!tpu.dma_semaphore, #tpu.memory_space<semaphore_mem>>) src(%dma_wait3A_238 : memref<100000x32xf32, #tpu.memory_space<hbm>>) dst(%dma_wait3A_233 : memref<80x32xf32, #tpu.memory_space<vmem>>)
    %dma_wait3A_239 = arith.constant 800 : i32
    %dma_wait3A_240 = arith.constant 0 : i32
    %dma_wait3A_241 = tpu.memref_slice %arg6[%dma_wait3A_239, %dma_wait3A_240] : memref<1600x32xf32, #tpu.memory_space<vmem>> -> memref<80x32xf32, #tpu.memory_space<vmem>>
    %dma_wait3A_242 = arith.constant 800 : i32
    %dma_wait3A_243 = tpu.memref_slice %arg5[%dma_wait3A_242] : memref<1600xi32, #tpu.memory_space<vmem>> -> memref<80xi32, #tpu.memory_space<vmem>>
    %dma_wait3A_244 = arith.constant 0 : i32
    %dma_wait3A_245 = arith.constant 0 : i32
    %dma_wait3A_246 = tpu.memref_slice %arg3[%dma_wait3A_244, %dma_wait3A_245] : memref<100000x32xf32, #tpu.memory_space<hbm>> -> memref<100000x32xf32, #tpu.memory_space<hbm>>
    tpu.wait_indirect_dma semaphore(%arg7 : memref<!tpu.dma_semaphore, #tpu.memory_space<semaphore_mem>>) src(%dma_wait3A_246 : memref<100000x32xf32, #tpu.memory_space<hbm>>) dst(%dma_wait3A_241 : memref<80x32xf32, #tpu.memory_space<vmem>>)
    %dma_wait3A_247 = arith.constant 880 : i32
    %dma_wait3A_248 = arith.constant 0 : i32
    %dma_wait3A_249 = tpu.memref_slice %arg6[%dma_wait3A_247, %dma_wait3A_248] : memref<1600x32xf32, #tpu.memory_space<vmem>> -> memref<80x32xf32, #tpu.memory_space<vmem>>
    %dma_wait3A_250 = arith.constant 880 : i32
    %dma_wait3A_251 = tpu.memref_slice %arg5[%dma_wait3A_250] : memref<1600xi32, #tpu.memory_space<vmem>> -> memref<80xi32, #tpu.memory_space<vmem>>
    %dma_wait3A_252 = arith.constant 0 : i32
    %dma_wait3A_253 = arith.constant 0 : i32
    %dma_wait3A_254 = tpu.memref_slice %arg3[%dma_wait3A_252, %dma_wait3A_253] : memref<100000x32xf32, #tpu.memory_space<hbm>> -> memref<100000x32xf32, #tpu.memory_space<hbm>>
    tpu.wait_indirect_dma semaphore(%arg7 : memref<!tpu.dma_semaphore, #tpu.memory_space<semaphore_mem>>) src(%dma_wait3A_254 : memref<100000x32xf32, #tpu.memory_space<hbm>>) dst(%dma_wait3A_249 : memref<80x32xf32, #tpu.memory_space<vmem>>)
    %dma_wait3A_255 = arith.constant 960 : i32
    %dma_wait3A_256 = arith.constant 0 : i32
    %dma_wait3A_257 = tpu.memref_slice %arg6[%dma_wait3A_255, %dma_wait3A_256] : memref<1600x32xf32, #tpu.memory_space<vmem>> -> memref<80x32xf32, #tpu.memory_space<vmem>>
    %dma_wait3A_258 = arith.constant 960 : i32
    %dma_wait3A_259 = tpu.memref_slice %arg5[%dma_wait3A_258] : memref<1600xi32, #tpu.memory_space<vmem>> -> memref<80xi32, #tpu.memory_space<vmem>>
    %dma_wait3A_260 = arith.constant 0 : i32
    %dma_wait3A_261 = arith.constant 0 : i32
    %dma_wait3A_262 = tpu.memref_slice %arg3[%dma_wait3A_260, %dma_wait3A_261] : memref<100000x32xf32, #tpu.memory_space<hbm>> -> memref<100000x32xf32, #tpu.memory_space<hbm>>
    tpu.wait_indirect_dma semaphore(%arg7 : memref<!tpu.dma_semaphore, #tpu.memory_space<semaphore_mem>>) src(%dma_wait3A_262 : memref<100000x32xf32, #tpu.memory_space<hbm>>) dst(%dma_wait3A_257 : memref<80x32xf32, #tpu.memory_space<vmem>>)
    %dma_wait3A_263 = arith.constant 1040 : i32
    %dma_wait3A_264 = arith.constant 0 : i32
    %dma_wait3A_265 = tpu.memref_slice %arg6[%dma_wait3A_263, %dma_wait3A_264] : memref<1600x32xf32, #tpu.memory_space<vmem>> -> memref<80x32xf32, #tpu.memory_space<vmem>>
    %dma_wait3A_266 = arith.constant 1040 : i32
    %dma_wait3A_267 = tpu.memref_slice %arg5[%dma_wait3A_266] : memref<1600xi32, #tpu.memory_space<vmem>> -> memref<80xi32, #tpu.memory_space<vmem>>
    %dma_wait3A_268 = arith.constant 0 : i32
    %dma_wait3A_269 = arith.constant 0 : i32
    %dma_wait3A_270 = tpu.memref_slice %arg3[%dma_wait3A_268, %dma_wait3A_269] : memref<100000x32xf32, #tpu.memory_space<hbm>> -> memref<100000x32xf32, #tpu.memory_space<hbm>>
    tpu.wait_indirect_dma semaphore(%arg7 : memref<!tpu.dma_semaphore, #tpu.memory_space<semaphore_mem>>) src(%dma_wait3A_270 : memref<100000x32xf32, #tpu.memory_space<hbm>>) dst(%dma_wait3A_265 : memref<80x32xf32, #tpu.memory_space<vmem>>)
    %dma_wait3A_271 = arith.constant 1120 : i32
    %dma_wait3A_272 = arith.constant 0 : i32
    %dma_wait3A_273 = tpu.memref_slice %arg6[%dma_wait3A_271, %dma_wait3A_272] : memref<1600x32xf32, #tpu.memory_space<vmem>> -> memref<80x32xf32, #tpu.memory_space<vmem>>
    %dma_wait3A_274 = arith.constant 1120 : i32
    %dma_wait3A_275 = tpu.memref_slice %arg5[%dma_wait3A_274] : memref<1600xi32, #tpu.memory_space<vmem>> -> memref<80xi32, #tpu.memory_space<vmem>>
    %dma_wait3A_276 = arith.constant 0 : i32
    %dma_wait3A_277 = arith.constant 0 : i32
    %dma_wait3A_278 = tpu.memref_slice %arg3[%dma_wait3A_276, %dma_wait3A_277] : memref<100000x32xf32, #tpu.memory_space<hbm>> -> memref<100000x32xf32, #tpu.memory_space<hbm>>
    tpu.wait_indirect_dma semaphore(%arg7 : memref<!tpu.dma_semaphore, #tpu.memory_space<semaphore_mem>>) src(%dma_wait3A_278 : memref<100000x32xf32, #tpu.memory_space<hbm>>) dst(%dma_wait3A_273 : memref<80x32xf32, #tpu.memory_space<vmem>>)
    %dma_wait3A_279 = arith.constant 1200 : i32
    %dma_wait3A_280 = arith.constant 0 : i32
    %dma_wait3A_281 = tpu.memref_slice %arg6[%dma_wait3A_279, %dma_wait3A_280] : memref<1600x32xf32, #tpu.memory_space<vmem>> -> memref<80x32xf32, #tpu.memory_space<vmem>>
    %dma_wait3A_282 = arith.constant 1200 : i32
    %dma_wait3A_283 = tpu.memref_slice %arg5[%dma_wait3A_282] : memref<1600xi32, #tpu.memory_space<vmem>> -> memref<80xi32, #tpu.memory_space<vmem>>
    %dma_wait3A_284 = arith.constant 0 : i32
    %dma_wait3A_285 = arith.constant 0 : i32
    %dma_wait3A_286 = tpu.memref_slice %arg3[%dma_wait3A_284, %dma_wait3A_285] : memref<100000x32xf32, #tpu.memory_space<hbm>> -> memref<100000x32xf32, #tpu.memory_space<hbm>>
    tpu.wait_indirect_dma semaphore(%arg7 : memref<!tpu.dma_semaphore, #tpu.memory_space<semaphore_mem>>) src(%dma_wait3A_286 : memref<100000x32xf32, #tpu.memory_space<hbm>>) dst(%dma_wait3A_281 : memref<80x32xf32, #tpu.memory_space<vmem>>)
    %dma_wait3A_287 = arith.constant 1280 : i32
    %dma_wait3A_288 = arith.constant 0 : i32
    %dma_wait3A_289 = tpu.memref_slice %arg6[%dma_wait3A_287, %dma_wait3A_288] : memref<1600x32xf32, #tpu.memory_space<vmem>> -> memref<80x32xf32, #tpu.memory_space<vmem>>
    %dma_wait3A_290 = arith.constant 1280 : i32
    %dma_wait3A_291 = tpu.memref_slice %arg5[%dma_wait3A_290] : memref<1600xi32, #tpu.memory_space<vmem>> -> memref<80xi32, #tpu.memory_space<vmem>>
    %dma_wait3A_292 = arith.constant 0 : i32
    %dma_wait3A_293 = arith.constant 0 : i32
    %dma_wait3A_294 = tpu.memref_slice %arg3[%dma_wait3A_292, %dma_wait3A_293] : memref<100000x32xf32, #tpu.memory_space<hbm>> -> memref<100000x32xf32, #tpu.memory_space<hbm>>
    tpu.wait_indirect_dma semaphore(%arg7 : memref<!tpu.dma_semaphore, #tpu.memory_space<semaphore_mem>>) src(%dma_wait3A_294 : memref<100000x32xf32, #tpu.memory_space<hbm>>) dst(%dma_wait3A_289 : memref<80x32xf32, #tpu.memory_space<vmem>>)
    %dma_wait3A_295 = arith.constant 1360 : i32
    %dma_wait3A_296 = arith.constant 0 : i32
    %dma_wait3A_297 = tpu.memref_slice %arg6[%dma_wait3A_295, %dma_wait3A_296] : memref<1600x32xf32, #tpu.memory_space<vmem>> -> memref<80x32xf32, #tpu.memory_space<vmem>>
    %dma_wait3A_298 = arith.constant 1360 : i32
    %dma_wait3A_299 = tpu.memref_slice %arg5[%dma_wait3A_298] : memref<1600xi32, #tpu.memory_space<vmem>> -> memref<80xi32, #tpu.memory_space<vmem>>
    %dma_wait3A_300 = arith.constant 0 : i32
    %dma_wait3A_301 = arith.constant 0 : i32
    %dma_wait3A_302 = tpu.memref_slice %arg3[%dma_wait3A_300, %dma_wait3A_301] : memref<100000x32xf32, #tpu.memory_space<hbm>> -> memref<100000x32xf32, #tpu.memory_space<hbm>>
    tpu.wait_indirect_dma semaphore(%arg7 : memref<!tpu.dma_semaphore, #tpu.memory_space<semaphore_mem>>) src(%dma_wait3A_302 : memref<100000x32xf32, #tpu.memory_space<hbm>>) dst(%dma_wait3A_297 : memref<80x32xf32, #tpu.memory_space<vmem>>)
    %dma_wait3A_303 = arith.constant 1440 : i32
    %dma_wait3A_304 = arith.constant 0 : i32
    %dma_wait3A_305 = tpu.memref_slice %arg6[%dma_wait3A_303, %dma_wait3A_304] : memref<1600x32xf32, #tpu.memory_space<vmem>> -> memref<80x32xf32, #tpu.memory_space<vmem>>
    %dma_wait3A_306 = arith.constant 1440 : i32
    %dma_wait3A_307 = tpu.memref_slice %arg5[%dma_wait3A_306] : memref<1600xi32, #tpu.memory_space<vmem>> -> memref<80xi32, #tpu.memory_space<vmem>>
    %dma_wait3A_308 = arith.constant 0 : i32
    %dma_wait3A_309 = arith.constant 0 : i32
    %dma_wait3A_310 = tpu.memref_slice %arg3[%dma_wait3A_308, %dma_wait3A_309] : memref<100000x32xf32, #tpu.memory_space<hbm>> -> memref<100000x32xf32, #tpu.memory_space<hbm>>
    tpu.wait_indirect_dma semaphore(%arg7 : memref<!tpu.dma_semaphore, #tpu.memory_space<semaphore_mem>>) src(%dma_wait3A_310 : memref<100000x32xf32, #tpu.memory_space<hbm>>) dst(%dma_wait3A_305 : memref<80x32xf32, #tpu.memory_space<vmem>>)
    %dma_wait3A_311 = arith.constant 1520 : i32
    %dma_wait3A_312 = arith.constant 0 : i32
    %dma_wait3A_313 = tpu.memref_slice %arg6[%dma_wait3A_311, %dma_wait3A_312] : memref<1600x32xf32, #tpu.memory_space<vmem>> -> memref<80x32xf32, #tpu.memory_space<vmem>>
    %dma_wait3A_314 = arith.constant 1520 : i32
    %dma_wait3A_315 = tpu.memref_slice %arg5[%dma_wait3A_314] : memref<1600xi32, #tpu.memory_space<vmem>> -> memref<80xi32, #tpu.memory_space<vmem>>
    %dma_wait3A_316 = arith.constant 0 : i32
    %dma_wait3A_317 = arith.constant 0 : i32
    %dma_wait3A_318 = tpu.memref_slice %arg3[%dma_wait3A_316, %dma_wait3A_317] : memref<100000x32xf32, #tpu.memory_space<hbm>> -> memref<100000x32xf32, #tpu.memory_space<hbm>>
    tpu.wait_indirect_dma semaphore(%arg7 : memref<!tpu.dma_semaphore, #tpu.memory_space<semaphore_mem>>) src(%dma_wait3A_318 : memref<100000x32xf32, #tpu.memory_space<hbm>>) dst(%dma_wait3A_313 : memref<80x32xf32, #tpu.memory_space<vmem>>)
    %mul3A_319 = arith.constant 1600 : i32
    %mul3A_320 = arith.muli %add3A, %mul3A_319 : i32
    "tpu.region"() ({
      %run_scoped3A = tpu.sem_alloc : memref<!tpu.dma_semaphore, #tpu.memory_space<semaphore_mem>>
      %dma_start3A_321 = arith.constant 0 : i32
      %dma_start3A_322 = tpu.memref_slice %arg4[%mul3A_320, %dma_start3A_321] : memref<51200x32xf32, #tpu.memory_space<hbm>> -> memref<1600x32xf32, #tpu.memory_space<hbm>>
      %dma_start3A_323 = arith.constant 0 : i32
      %dma_start3A_324 = tpu.memref_slice %arg4[%mul3A_320, %dma_start3A_323] : memref<51200x32xf32, #tpu.memory_space<hbm>> -> memref<1600x32xf32, #tpu.memory_space<hbm>>
      tpu.enqueue_dma source(%arg6 : memref<1600x32xf32, #tpu.memory_space<vmem>>) target(%dma_start3A_324 : memref<1600x32xf32, #tpu.memory_space<hbm>>) target_semaphore(%run_scoped3A : memref<!tpu.dma_semaphore, #tpu.memory_space<semaphore_mem>>)
      %dma_wait3A_325 = arith.constant 0 : i32
      %dma_wait3A_326 = tpu.memref_slice %arg4[%mul3A_320, %dma_wait3A_325] : memref<51200x32xf32, #tpu.memory_space<hbm>> -> memref<1600x32xf32, #tpu.memory_space<hbm>>
      %dma_wait3A_327 = arith.constant 0 : i32
      %dma_wait3A_328 = tpu.memref_slice %arg4[%mul3A_320, %dma_wait3A_327] : memref<51200x32xf32, #tpu.memory_space<hbm>> -> memref<1600x32xf32, #tpu.memory_space<hbm>>
      tpu.wait_dma2 semaphore(%run_scoped3A : memref<!tpu.dma_semaphore, #tpu.memory_space<semaphore_mem>>) src(%arg6 : memref<1600x32xf32, #tpu.memory_space<vmem>>) dst(%dma_wait3A_328 : memref<1600x32xf32, #tpu.memory_space<hbm>>)
      tpu.yield
    }) : () -> ()
    return
  }
}

#map = affine_map<(d0, d1) -> (0, 0, 0)>
#map1 = affine_map<(d0, d1) -> (0, 0)>
module attributes {stable_mosaic.version = 14 : i64} {
  func.func @_sc_deg(%arg0: i32, %arg1: i32, %arg2: memref<32x625x16xi32, #tpu.memory_space<hbm>>, %arg3: memref<32x10112xf32, #tpu.memory_space<hbm>>, %arg4: memref<625x16xi32, #tpu.memory_space<vmem>>, %arg5: memref<10112xf32, #tpu.memory_space<vmem>>, %arg6: memref<!tpu.dma_semaphore, #tpu.memory_space<semaphore_mem>>) attributes {dimension_semantics = [#tpu.dimension_semantics<core_parallel>, #tpu.dimension_semantics<subcore_parallel>], iteration_bounds = array<i64: 2, 16>, scalar_prefetch = 0 : i64, scratch_operands = 3 : i64, tpu.core_type = #tpu.core_type<sc_vector_subcore>, window_params = [{transform_indices = #map}, {transform_indices = #map1}]} {
    %mul3A = arith.constant 16 : i32
    %mul3A_0 = arith.muli %arg0, %mul3A : i32
    %add3A = arith.addi %mul3A_0, %arg1 : i32
    %dma_start3A = arith.constant 0 : i32
    %dma_start3A_1 = arith.constant 0 : i32
    %dma_start3A_2 = tpu.memref_slice %arg2[%add3A, %dma_start3A, %dma_start3A_1] : memref<32x625x16xi32, #tpu.memory_space<hbm>> -> memref<1x625x16xi32, #tpu.memory_space<hbm>>
    %dma_start3A_3 = tpu.memref_squeeze %dma_start3A_2 : memref<1x625x16xi32, #tpu.memory_space<hbm>> -> memref<625x16xi32, #tpu.memory_space<hbm>>
    %dma_start3A_4 = arith.constant 0 : i32
    %dma_start3A_5 = arith.constant 0 : i32
    %dma_start3A_6 = tpu.memref_slice %arg2[%add3A, %dma_start3A_4, %dma_start3A_5] : memref<32x625x16xi32, #tpu.memory_space<hbm>> -> memref<1x625x16xi32, #tpu.memory_space<hbm>>
    %dma_start3A_7 = tpu.memref_squeeze %dma_start3A_6 : memref<1x625x16xi32, #tpu.memory_space<hbm>> -> memref<625x16xi32, #tpu.memory_space<hbm>>
    tpu.enqueue_dma source(%dma_start3A_7 : memref<625x16xi32, #tpu.memory_space<hbm>>) target(%arg4 : memref<625x16xi32, #tpu.memory_space<vmem>>) target_semaphore(%arg6 : memref<!tpu.dma_semaphore, #tpu.memory_space<semaphore_mem>>)
    %scan3A = arith.constant 0 : i32
    %scan3A_8 = arith.constant 0 : i32
    %scan3A_9 = arith.constant 632 : i32
    %scan3A_10 = arith.addi %scan3A_8, %scan3A_9 : i32
    %scan3A_11 = arith.constant 1 : i32
    scf.for %scan3A_27 = %scan3A_8 to %scan3A_10 step %scan3A_11  : i32 {
      %broadcast_in_dim3A_28 = arith.constant 0.000000e+00 : f32
      %broadcast_in_dim3A_29 = vector.broadcast %broadcast_in_dim3A_28 : f32 to vector<16xf32>
      %mul3A_30 = arith.constant 16 : i32
      %mul3A_31 = arith.muli %scan3A_27, %mul3A_30 : i32
      %swap3A = arith.index_cast %mul3A_31 : i32 to index
      %swap3A_32 = tpu.vector_load %arg5[%swap3A] {strides = array<i32>} : memref<10112xf32, #tpu.memory_space<vmem>>, vector<16xf32>,
      tpu.vector_store %arg5[%swap3A], %broadcast_in_dim3A_29 {strides = array<i32>} : memref<10112xf32, #tpu.memory_space<vmem>>, vector<16xf32>,
    }
    %scan3A_12 = arith.constant 632 : i32
    %dma_wait3A = arith.constant 0 : i32
    %dma_wait3A_13 = arith.constant 0 : i32
    %dma_wait3A_14 = tpu.memref_slice %arg2[%add3A, %dma_wait3A, %dma_wait3A_13] : memref<32x625x16xi32, #tpu.memory_space<hbm>> -> memref<1x625x16xi32, #tpu.memory_space<hbm>>
    %dma_wait3A_15 = tpu.memref_squeeze %dma_wait3A_14 : memref<1x625x16xi32, #tpu.memory_space<hbm>> -> memref<625x16xi32, #tpu.memory_space<hbm>>
    %dma_wait3A_16 = arith.constant 0 : i32
    %dma_wait3A_17 = arith.constant 0 : i32
    %dma_wait3A_18 = tpu.memref_slice %arg2[%add3A, %dma_wait3A_16, %dma_wait3A_17] : memref<32x625x16xi32, #tpu.memory_space<hbm>> -> memref<1x625x16xi32, #tpu.memory_space<hbm>>
    %dma_wait3A_19 = tpu.memref_squeeze %dma_wait3A_18 : memref<1x625x16xi32, #tpu.memory_space<hbm>> -> memref<625x16xi32, #tpu.memory_space<hbm>>
    tpu.wait_dma2 semaphore(%arg6 : memref<!tpu.dma_semaphore, #tpu.memory_space<semaphore_mem>>) src(%dma_wait3A_19 : memref<625x16xi32, #tpu.memory_space<hbm>>) dst(%arg4 : memref<625x16xi32, #tpu.memory_space<vmem>>)
    %broadcast_in_dim3A = arith.constant 1.000000e+00 : f32
    %broadcast_in_dim3A_20 = vector.broadcast %broadcast_in_dim3A : f32 to vector<16xf32>
    %scan3A_21 = arith.constant 0 : i32
    %scan3A_22 = arith.constant 0 : i32
    %scan3A_23 = arith.constant 625 : i32
    %scan3A_24 = arith.addi %scan3A_22, %scan3A_23 : i32
    %scan3A_25 = arith.constant 1 : i32
    scf.for %scan3A_27 = %scan3A_22 to %scan3A_24 step %scan3A_25  : i32 {
      %get3A = arith.index_cast %scan3A_27 : i32 to index
      %get3A_28 = arith.constant 0 : index
      %get3A_29 = tpu.vector_load %arg4[%get3A, %get3A_28] {strides = array<i32>} : memref<625x16xi32, #tpu.memory_space<vmem>>, vector<16xi32>,
      tpu.vector_store_idx %arg5[%get3A_29], %broadcast_in_dim3A_20 {add = true} : memref<10112xf32, #tpu.memory_space<vmem>>[vector<16xi32>], vector<16xf32>,
    }
    %scan3A_26 = arith.constant 625 : i32
    "tpu.region"() ({
      %run_scoped3A = tpu.sem_alloc : memref<!tpu.dma_semaphore, #tpu.memory_space<semaphore_mem>>
      %dma_start3A_27 = arith.constant 0 : i32
      %dma_start3A_28 = tpu.memref_slice %arg3[%add3A, %dma_start3A_27] : memref<32x10112xf32, #tpu.memory_space<hbm>> -> memref<1x10112xf32, #tpu.memory_space<hbm>>
      %dma_start3A_29 = tpu.memref_squeeze %dma_start3A_28 : memref<1x10112xf32, #tpu.memory_space<hbm>> -> memref<10112xf32, #tpu.memory_space<hbm>>
      %dma_start3A_30 = arith.constant 0 : i32
      %dma_start3A_31 = tpu.memref_slice %arg3[%add3A, %dma_start3A_30] : memref<32x10112xf32, #tpu.memory_space<hbm>> -> memref<1x10112xf32, #tpu.memory_space<hbm>>
      %dma_start3A_32 = tpu.memref_squeeze %dma_start3A_31 : memref<1x10112xf32, #tpu.memory_space<hbm>> -> memref<10112xf32, #tpu.memory_space<hbm>>
      tpu.enqueue_dma source(%arg5 : memref<10112xf32, #tpu.memory_space<vmem>>) target(%dma_start3A_32 : memref<10112xf32, #tpu.memory_space<hbm>>) target_semaphore(%run_scoped3A : memref<!tpu.dma_semaphore, #tpu.memory_space<semaphore_mem>>)
      %dma_wait3A_33 = arith.constant 0 : i32
      %dma_wait3A_34 = tpu.memref_slice %arg3[%add3A, %dma_wait3A_33] : memref<32x10112xf32, #tpu.memory_space<hbm>> -> memref<1x10112xf32, #tpu.memory_space<hbm>>
      %dma_wait3A_35 = tpu.memref_squeeze %dma_wait3A_34 : memref<1x10112xf32, #tpu.memory_space<hbm>> -> memref<10112xf32, #tpu.memory_space<hbm>>
      %dma_wait3A_36 = arith.constant 0 : i32
      %dma_wait3A_37 = tpu.memref_slice %arg3[%add3A, %dma_wait3A_36] : memref<32x10112xf32, #tpu.memory_space<hbm>> -> memref<1x10112xf32, #tpu.memory_space<hbm>>
      %dma_wait3A_38 = tpu.memref_squeeze %dma_wait3A_37 : memref<1x10112xf32, #tpu.memory_space<hbm>> -> memref<10112xf32, #tpu.memory_space<hbm>>
      tpu.wait_dma2 semaphore(%run_scoped3A : memref<!tpu.dma_semaphore, #tpu.memory_space<semaphore_mem>>) src(%arg5 : memref<10112xf32, #tpu.memory_space<vmem>>) dst(%dma_wait3A_38 : memref<10112xf32, #tpu.memory_space<hbm>>)
      tpu.yield
    }) : () -> ()
    return
  }
}

#map = affine_map<(d0, d1) -> (0, 0)>
#map1 = affine_map<(d0, d1) -> (0, 0, 0)>
#map2 = affine_map<(d0, d1) -> (0)>
module attributes {stable_mosaic.version = 14 : i64} {
  func.func @_sc_edges(%arg0: i32, %arg1: i32, %arg2: memref<32x10240xi32, #tpu.memory_space<hbm>>, %arg3: memref<32x80x128xi32, #tpu.memory_space<hbm>>, %arg4: memref<10112x32xf32, #tpu.memory_space<hbm>>, %arg5: memref<10112xf32, #tpu.memory_space<hbm>>, %arg6: memref<2x10112x32xf32, #tpu.memory_space<hbm>>, %arg7: memref<32x10112xf32, #tpu.memory_space<hbm>>, %arg8: memref<10240xi32, #tpu.memory_space<vmem>>, %arg9: memref<80x128xi32, #tpu.memory_space<vmem>>, %arg10: memref<10112xf32, #tpu.memory_space<vmem>>, %arg11: memref<10112xf32, #tpu.memory_space<vmem>>, %arg12: memref<128x32xf32, #tpu.memory_space<vmem>>, %arg13: memref<128x32xf32, #tpu.memory_space<vmem>>, %arg14: memref<128x32xf32, #tpu.memory_space<vmem>>, %arg15: memref<128x32xf32, #tpu.memory_space<vmem>>, %arg16: memref<632x32xf32, #tpu.memory_space<vmem>>, %arg17: memref<10112x32xf32, #tpu.memory_space<vmem_shared>>, %arg18: memref<!tpu.dma_semaphore, #tpu.memory_space<semaphore_mem>>, %arg19: memref<!tpu.dma_semaphore, #tpu.memory_space<semaphore_mem>>, %arg20: memref<!tpu.dma_semaphore, #tpu.memory_space<semaphore_mem>>, %arg21: memref<!tpu.dma_semaphore, #tpu.memory_space<semaphore_mem>>, %arg22: memref<!tpu.dma_semaphore, #tpu.memory_space<semaphore_mem>>, %arg23: memref<!tpu.dma_semaphore, #tpu.memory_space<semaphore_mem>>, %arg24: memref<!tpu.dma_semaphore, #tpu.memory_space<semaphore_mem>>, %arg25: memref<!tpu.dma_semaphore, #tpu.memory_space<semaphore_mem>>) attributes {dimension_semantics = [#tpu.dimension_semantics<core_parallel>, #tpu.dimension_semantics<subcore_parallel>], iteration_bounds = array<i64: 2, 16>, scalar_prefetch = 0 : i64, scratch_operands = 18 : i64, tpu.core_type = #tpu.core_type<sc_vector_subcore>, window_params = [{transform_indices = #map}, {transform_indices = #map1}, {transform_indices = #map}, {transform_indices = #map2}, {transform_indices = #map1}, {transform_indices = #map}]} {
    %mul3A = arith.constant 16 : i32
    %mul3A_0 = arith.muli %arg0, %mul3A : i32
    %add3A = arith.addi %mul3A_0, %arg1 : i32
    %dma_start3A = arith.constant 0 : i32
    %dma_start3A_1 = tpu.memref_slice %arg2[%add3A, %dma_start3A] : memref<32x10240xi32, #tpu.memory_space<hbm>> -> memref<1x10240xi32, #tpu.memory_space<hbm>>
    %dma_start3A_2 = tpu.memref_squeeze %dma_start3A_1 : memref<1x10240xi32, #tpu.memory_space<hbm>> -> memref<10240xi32, #tpu.memory_space<hbm>>
    %dma_start3A_3 = arith.constant 0 : i32
    %dma_start3A_4 = tpu.memref_slice %arg2[%add3A, %dma_start3A_3] : memref<32x10240xi32, #tpu.memory_space<hbm>> -> memref<1x10240xi32, #tpu.memory_space<hbm>>
    %dma_start3A_5 = tpu.memref_squeeze %dma_start3A_4 : memref<1x10240xi32, #tpu.memory_space<hbm>> -> memref<10240xi32, #tpu.memory_space<hbm>>
    tpu.enqueue_dma source(%dma_start3A_5 : memref<10240xi32, #tpu.memory_space<hbm>>) target(%arg8 : memref<10240xi32, #tpu.memory_space<vmem>>) target_semaphore(%arg18 : memref<!tpu.dma_semaphore, #tpu.memory_space<semaphore_mem>>)
    %dma_start3A_6 = arith.constant 0 : i32
    %dma_start3A_7 = arith.constant 0 : i32
    %dma_start3A_8 = tpu.memref_slice %arg3[%add3A, %dma_start3A_6, %dma_start3A_7] : memref<32x80x128xi32, #tpu.memory_space<hbm>> -> memref<1x80x128xi32, #tpu.memory_space<hbm>>
    %dma_start3A_9 = tpu.memref_squeeze %dma_start3A_8 : memref<1x80x128xi32, #tpu.memory_space<hbm>> -> memref<80x128xi32, #tpu.memory_space<hbm>>
    %dma_start3A_10 = arith.constant 0 : i32
    %dma_start3A_11 = arith.constant 0 : i32
    %dma_start3A_12 = tpu.memref_slice %arg3[%add3A, %dma_start3A_10, %dma_start3A_11] : memref<32x80x128xi32, #tpu.memory_space<hbm>> -> memref<1x80x128xi32, #tpu.memory_space<hbm>>
    %dma_start3A_13 = tpu.memref_squeeze %dma_start3A_12 : memref<1x80x128xi32, #tpu.memory_space<hbm>> -> memref<80x128xi32, #tpu.memory_space<hbm>>
    tpu.enqueue_dma source(%dma_start3A_13 : memref<80x128xi32, #tpu.memory_space<hbm>>) target(%arg9 : memref<80x128xi32, #tpu.memory_space<vmem>>) target_semaphore(%arg19 : memref<!tpu.dma_semaphore, #tpu.memory_space<semaphore_mem>>)
    tpu.enqueue_dma source(%arg5 : memref<10112xf32, #tpu.memory_space<hbm>>) target(%arg10 : memref<10112xf32, #tpu.memory_space<vmem>>) target_semaphore(%arg20 : memref<!tpu.dma_semaphore, #tpu.memory_space<semaphore_mem>>)
    %scan3A = arith.constant 0 : i32
    %scan3A_14 = arith.constant 0 : i32
    %scan3A_15 = arith.constant 632 : i32
    %scan3A_16 = arith.addi %scan3A_14, %scan3A_15 : i32
    %scan3A_17 = arith.constant 1 : i32
    scf.for %scan3A_75 = %scan3A_14 to %scan3A_16 step %scan3A_17  : i32 {
      %broadcast_in_dim3A = arith.constant 0.000000e+00 : f32
      %broadcast_in_dim3A_76 = vector.broadcast %broadcast_in_dim3A : f32 to vector<16xf32>
      %mul3A_77 = arith.constant 16 : i32
      %mul3A_78 = arith.muli %scan3A_75, %mul3A_77 : i32
      %swap3A = arith.index_cast %mul3A_78 : i32 to index
      %swap3A_79 = tpu.vector_load %arg11[%swap3A] {strides = array<i32>} : memref<10112xf32, #tpu.memory_space<vmem>>, vector<16xf32>,
      tpu.vector_store %arg11[%swap3A], %broadcast_in_dim3A_76 {strides = array<i32>} : memref<10112xf32, #tpu.memory_space<vmem>>, vector<16xf32>,
    }
    %scan3A_18 = arith.constant 632 : i32
    %scan3A_19 = arith.constant 0 : i32
    %scan3A_20 = arith.constant 0 : i32
    %scan3A_21 = arith.constant 1264 : i32
    %scan3A_22 = arith.addi %scan3A_20, %scan3A_21 : i32
    %scan3A_23 = arith.constant 1 : i32
    scf.for %scan3A_75 = %scan3A_20 to %scan3A_22 step %scan3A_23  : i32 {
      %broadcast_in_dim3A = arith.constant 0.000000e+00 : f32
      %broadcast_in_dim3A_76 = vector.broadcast %broadcast_in_dim3A : f32 to vector<16xf32>
      %jit3A = arith.constant 2 : i32
      %div3A = arith.divsi %scan3A_75, %jit3A : i32
      %sign3A = arith.constant 0 : i32
      %sign3A_77 = arith.cmpi sgt, %scan3A_75, %sign3A : i32
      %sign3A_78 = arith.extui %sign3A_77 : i1 to i32
      %sign3A_79 = arith.constant 0 : i32
      %sign3A_80 = arith.cmpi slt, %scan3A_75, %sign3A_79 : i32
      %sign3A_81 = arith.extui %sign3A_80 : i1 to i32
      %sign3A_82 = arith.subi %sign3A_78, %sign3A_81 : i32
      %sign3A_83 = arith.constant 0 : i32
      %sign3A_84 = arith.cmpi sgt, %jit3A, %sign3A_83 : i32
      %sign3A_85 = arith.extui %sign3A_84 : i1 to i32
      %sign3A_86 = arith.constant 0 : i32
      %sign3A_87 = arith.cmpi slt, %jit3A, %sign3A_86 : i32
      %sign3A_88 = arith.extui %sign3A_87 : i1 to i32
      %sign3A_89 = arith.subi %sign3A_85, %sign3A_88 : i32
      %ne3A = arith.cmpi ne, %sign3A_82, %sign3A_89 : i32
      %rem3A = arith.remsi %scan3A_75, %jit3A : i32
      %ne3A_90 = arith.constant 0 : i32
      %ne3A_91 = arith.cmpi ne, %rem3A, %ne3A_90 : i32
      %and3A = arith.andi %ne3A, %ne3A_91 : i1
      %sub3A = arith.constant 1 : i32
      %sub3A_92 = arith.subi %div3A, %sub3A : i32
      %select_n3A = arith.select %and3A, %sub3A_92, %div3A : i32
      %jit3A_93 = arith.constant 2 : i32
      %eq3A = arith.constant 0 : i32
      %eq3A_94 = arith.cmpi eq, %jit3A_93, %eq3A : i32
      %jit3A_95 = arith.constant 1 : i32
      %select_n3A_96 = arith.select %eq3A_94, %jit3A_95, %jit3A_93 : i32
      %rem3A_97 = arith.remsi %scan3A_75, %select_n3A_96 : i32
      %ne3A_98 = arith.constant 0 : i32
      %ne3A_99 = arith.cmpi ne, %rem3A_97, %ne3A_98 : i32
      %lt3A = arith.constant 0 : i32
      %lt3A_100 = arith.cmpi slt, %rem3A_97, %lt3A : i32
      %lt3A_101 = arith.constant 0 : i32
      %lt3A_102 = arith.cmpi slt, %select_n3A_96, %lt3A_101 : i32
      %ne3A_103 = arith.xori %lt3A_100, %lt3A_102 : i1
      %and3A_104 = arith.andi %ne3A_103, %ne3A_99 : i1
      %add3A_105 = arith.addi %rem3A_97, %select_n3A_96 : i32
      %select_n3A_106 = arith.select %and3A_104, %add3A_105, %rem3A_97 : i32
      %mul3A_107 = arith.constant 16 : i32
      %mul3A_108 = arith.muli %select_n3A_106, %mul3A_107 : i32
      %swap3A = arith.index_cast %select_n3A : i32 to index
      %swap3A_109 = arith.index_cast %mul3A_108 : i32 to index
      %swap3A_110 = tpu.vector_load %arg16[%swap3A, %swap3A_109] {strides = array<i32>} : memref<632x32xf32, #tpu.memory_space<vmem>>, vector<16xf32>,
      tpu.vector_store %arg16[%swap3A, %swap3A_109], %broadcast_in_dim3A_76 {strides = array<i32>} : memref<632x32xf32, #tpu.memory_space<vmem>>, vector<16xf32>,
    }
    %scan3A_24 = arith.constant 1264 : i32
    %mul3A_25 = arith.constant 632 : i32
    %mul3A_26 = arith.muli %arg1, %mul3A_25 : i32
    "tpu.region"() ({
      %run_scoped3A = tpu.sem_alloc : memref<!tpu.dma_semaphore, #tpu.memory_space<semaphore_mem>>
      %dma_start3A_75 = arith.constant 0 : i32
      %dma_start3A_76 = tpu.memref_slice %arg17[%mul3A_26, %dma_start3A_75] : memref<10112x32xf32, #tpu.memory_space<vmem_shared>> -> memref<632x32xf32, #tpu.memory_space<vmem_shared>>
      %dma_start3A_77 = arith.constant 0 : i32
      %dma_start3A_78 = tpu.memref_slice %arg17[%mul3A_26, %dma_start3A_77] : memref<10112x32xf32, #tpu.memory_space<vmem_shared>> -> memref<632x32xf32, #tpu.memory_space<vmem_shared>>
      tpu.enqueue_dma source(%arg16 : memref<632x32xf32, #tpu.memory_space<vmem>>) target(%dma_start3A_78 : memref<632x32xf32, #tpu.memory_space<vmem_shared>>) target_semaphore(%run_scoped3A : memref<!tpu.dma_semaphore, #tpu.memory_space<semaphore_mem>>)
      %dma_wait3A_79 = arith.constant 0 : i32
      %dma_wait3A_80 = tpu.memref_slice %arg17[%mul3A_26, %dma_wait3A_79] : memref<10112x32xf32, #tpu.memory_space<vmem_shared>> -> memref<632x32xf32, #tpu.memory_space<vmem_shared>>
      %dma_wait3A_81 = arith.constant 0 : i32
      %dma_wait3A_82 = tpu.memref_slice %arg17[%mul3A_26, %dma_wait3A_81] : memref<10112x32xf32, #tpu.memory_space<vmem_shared>> -> memref<632x32xf32, #tpu.memory_space<vmem_shared>>
      tpu.wait_dma2 semaphore(%run_scoped3A : memref<!tpu.dma_semaphore, #tpu.memory_space<semaphore_mem>>) src(%arg16 : memref<632x32xf32, #tpu.memory_space<vmem>>) dst(%dma_wait3A_82 : memref<632x32xf32, #tpu.memory_space<vmem_shared>>)
      tpu.yield
    }) : () -> ()
    %dma_wait3A = arith.constant 0 : i32
    %dma_wait3A_27 = tpu.memref_slice %arg2[%add3A, %dma_wait3A] : memref<32x10240xi32, #tpu.memory_space<hbm>> -> memref<1x10240xi32, #tpu.memory_space<hbm>>
    %dma_wait3A_28 = tpu.memref_squeeze %dma_wait3A_27 : memref<1x10240xi32, #tpu.memory_space<hbm>> -> memref<10240xi32, #tpu.memory_space<hbm>>
    %dma_wait3A_29 = arith.constant 0 : i32
    %dma_wait3A_30 = tpu.memref_slice %arg2[%add3A, %dma_wait3A_29] : memref<32x10240xi32, #tpu.memory_space<hbm>> -> memref<1x10240xi32, #tpu.memory_space<hbm>>
    %dma_wait3A_31 = tpu.memref_squeeze %dma_wait3A_30 : memref<1x10240xi32, #tpu.memory_space<hbm>> -> memref<10240xi32, #tpu.memory_space<hbm>>
    tpu.wait_dma2 semaphore(%arg18 : memref<!tpu.dma_semaphore, #tpu.memory_space<semaphore_mem>>) src(%dma_wait3A_31 : memref<10240xi32, #tpu.memory_space<hbm>>) dst(%arg8 : memref<10240xi32, #tpu.memory_space<vmem>>)
    %dma_wait3A_32 = arith.constant 0 : i32
    %dma_wait3A_33 = arith.constant 0 : i32
    %dma_wait3A_34 = tpu.memref_slice %arg3[%add3A, %dma_wait3A_32, %dma_wait3A_33] : memref<32x80x128xi32, #tpu.memory_space<hbm>> -> memref<1x80x128xi32, #tpu.memory_space<hbm>>
    %dma_wait3A_35 = tpu.memref_squeeze %dma_wait3A_34 : memref<1x80x128xi32, #tpu.memory_space<hbm>> -> memref<80x128xi32, #tpu.memory_space<hbm>>
    %dma_wait3A_36 = arith.constant 0 : i32
    %dma_wait3A_37 = arith.constant 0 : i32
    %dma_wait3A_38 = tpu.memref_slice %arg3[%add3A, %dma_wait3A_36, %dma_wait3A_37] : memref<32x80x128xi32, #tpu.memory_space<hbm>> -> memref<1x80x128xi32, #tpu.memory_space<hbm>>
    %dma_wait3A_39 = tpu.memref_squeeze %dma_wait3A_38 : memref<1x80x128xi32, #tpu.memory_space<hbm>> -> memref<80x128xi32, #tpu.memory_space<hbm>>
    tpu.wait_dma2 semaphore(%arg19 : memref<!tpu.dma_semaphore, #tpu.memory_space<semaphore_mem>>) src(%dma_wait3A_39 : memref<80x128xi32, #tpu.memory_space<hbm>>) dst(%arg9 : memref<80x128xi32, #tpu.memory_space<vmem>>)
    tpu.wait_dma2 semaphore(%arg20 : memref<!tpu.dma_semaphore, #tpu.memory_space<semaphore_mem>>) src(%arg5 : memref<10112xf32, #tpu.memory_space<hbm>>) dst(%arg10 : memref<10112xf32, #tpu.memory_space<vmem>>)
    %barrier3A = arith.constant 0 : index
    tpu.barrier barrier_id(%barrier3A)
    %dma_start3A_40 = arith.constant 0 : i32
    %dma_start3A_41 = tpu.memref_slice %arg8[%dma_start3A_40] : memref<10240xi32, #tpu.memory_space<vmem>> -> memref<128xi32, #tpu.memory_space<vmem>>
    %dma_start3A_42 = arith.constant 0 : i32
    %dma_start3A_43 = arith.constant 0 : i32
    %dma_start3A_44 = tpu.memref_slice %arg4[%dma_start3A_42, %dma_start3A_43] : memref<10112x32xf32, #tpu.memory_space<hbm>> -> memref<10112x32xf32, #tpu.memory_space<hbm>>
    tpu.enqueue_indirect_dma source(%dma_start3A_44 : memref<10112x32xf32, #tpu.memory_space<hbm>>) target(%arg12 : memref<128x32xf32, #tpu.memory_space<vmem>>) offsets(%dma_start3A_41 : memref<128xi32, #tpu.memory_space<vmem>>) semaphore(%arg18 : memref<!tpu.dma_semaphore, #tpu.memory_space<semaphore_mem>>)
    %dma_start3A_45 = arith.constant 128 : i32
    %dma_start3A_46 = tpu.memref_slice %arg8[%dma_start3A_45] : memref<10240xi32, #tpu.memory_space<vmem>> -> memref<128xi32, #tpu.memory_space<vmem>>
    %dma_start3A_47 = arith.constant 0 : i32
    %dma_start3A_48 = arith.constant 0 : i32
    %dma_start3A_49 = tpu.memref_slice %arg4[%dma_start3A_47, %dma_start3A_48] : memref<10112x32xf32, #tpu.memory_space<hbm>> -> memref<10112x32xf32, #tpu.memory_space<hbm>>
    tpu.enqueue_indirect_dma source(%dma_start3A_49 : memref<10112x32xf32, #tpu.memory_space<hbm>>) target(%arg13 : memref<128x32xf32, #tpu.memory_space<vmem>>) offsets(%dma_start3A_46 : memref<128xi32, #tpu.memory_space<vmem>>) semaphore(%arg19 : memref<!tpu.dma_semaphore, #tpu.memory_space<semaphore_mem>>)
    %scan3A_50 = arith.constant 0 : i32
    %scan3A_51 = arith.constant 0 : i32
    %scan3A_52 = arith.constant 20 : i32
    %scan3A_53 = arith.addi %scan3A_51, %scan3A_52 : i32
    %scan3A_54 = arith.constant 1 : i32
    scf.for %scan3A_75 = %scan3A_51 to %scan3A_53 step %scan3A_54  : i32 {
      %mul3A_76 = arith.constant 4 : i32
      %mul3A_77 = arith.muli %scan3A_75, %mul3A_76 : i32
      %add3A_78 = arith.constant 0 : i32
      %add3A_79 = arith.addi %mul3A_77, %add3A_78 : i32
      %mul3A_80 = arith.constant 128 : i32
      %mul3A_81 = arith.muli %add3A_79, %mul3A_80 : i32
      %dma_wait3A_82 = tpu.memref_slice %arg8[%mul3A_81] : memref<10240xi32, #tpu.memory_space<vmem>> -> memref<128xi32, #tpu.memory_space<vmem>>
      %dma_wait3A_83 = arith.constant 0 : i32
      %dma_wait3A_84 = arith.constant 0 : i32
      %dma_wait3A_85 = tpu.memref_slice %arg4[%dma_wait3A_83, %dma_wait3A_84] : memref<10112x32xf32, #tpu.memory_space<hbm>> -> memref<10112x32xf32, #tpu.memory_space<hbm>>
      tpu.wait_indirect_dma semaphore(%arg18 : memref<!tpu.dma_semaphore, #tpu.memory_space<semaphore_mem>>) src(%dma_wait3A_85 : memref<10112x32xf32, #tpu.memory_space<hbm>>) dst(%arg12 : memref<128x32xf32, #tpu.memory_space<vmem>>)
      %dma_start3A_86 = arith.constant 0 : i32
      %dma_start3A_87 = tpu.memref_slice %arg9[%add3A_79, %dma_start3A_86] : memref<80x128xi32, #tpu.memory_space<vmem>> -> memref<1x128xi32, #tpu.memory_space<vmem>>
      %dma_start3A_88 = tpu.memref_squeeze %dma_start3A_87 : memref<1x128xi32, #tpu.memory_space<vmem>> -> memref<128xi32, #tpu.memory_space<vmem>>
      %dma_start3A_89 = arith.constant 0 : i32
      %dma_start3A_90 = arith.constant 0 : i32
      %dma_start3A_91 = tpu.memref_slice %arg17[%dma_start3A_89, %dma_start3A_90] : memref<10112x32xf32, #tpu.memory_space<vmem_shared>> -> memref<10112x32xf32, #tpu.memory_space<vmem_shared>>
      tpu.enqueue_indirect_dma source(%arg12 : memref<128x32xf32, #tpu.memory_space<vmem>>) target(%dma_start3A_91 : memref<10112x32xf32, #tpu.memory_space<vmem_shared>>) offsets(%dma_start3A_88 : memref<128xi32, #tpu.memory_space<vmem>>) semaphore(%arg22 : memref<!tpu.dma_semaphore, #tpu.memory_space<semaphore_mem>>) {add = true}
      %mul3A_92 = arith.constant 128 : i32
      %mul3A_93 = arith.muli %add3A_79, %mul3A_92 : i32
      %add3A_94 = arith.constant 0 : i32
      %add3A_95 = arith.addi %mul3A_93, %add3A_94 : i32
      %get3A = arith.index_cast %add3A_79 : i32 to index
      %get3A_96 = arith.constant 0 : index
      %get3A_97 = tpu.vector_load %arg9[%get3A, %get3A_96] {strides = array<i32>} : memref<80x128xi32, #tpu.memory_space<vmem>>, vector<16xi32>,
      %gather3A = tpu.vector_load_idx %arg10[%get3A_97] : memref<10112xf32, #tpu.memory_space<vmem>>[vector<16xi32>], vector<16xf32>,
      %get3A_98 = arith.index_cast %add3A_95 : i32 to index
      %get3A_99 = tpu.vector_load %arg8[%get3A_98] {strides = array<i32>} : memref<10240xi32, #tpu.memory_space<vmem>>, vector<16xi32>,
      tpu.vector_store_idx %arg11[%get3A_99], %gather3A {add = true} : memref<10112xf32, #tpu.memory_space<vmem>>[vector<16xi32>], vector<16xf32>,
      %mul3A_100 = arith.constant 128 : i32
      %mul3A_101 = arith.muli %add3A_79, %mul3A_100 : i32
      %add3A_102 = arith.constant 16 : i32
      %add3A_103 = arith.addi %mul3A_101, %add3A_102 : i32
      %get3A_104 = arith.index_cast %add3A_79 : i32 to index
      %get3A_105 = arith.constant 16 : index
      %get3A_106 = tpu.vector_load %arg9[%get3A_104, %get3A_105] {strides = array<i32>} : memref<80x128xi32, #tpu.memory_space<vmem>>, vector<16xi32>,
      %gather3A_107 = tpu.vector_load_idx %arg10[%get3A_106] : memref<10112xf32, #tpu.memory_space<vmem>>[vector<16xi32>], vector<16xf32>,
      %get3A_108 = arith.index_cast %add3A_103 : i32 to index
      %get3A_109 = tpu.vector_load %arg8[%get3A_108] {strides = array<i32>} : memref<10240xi32, #tpu.memory_space<vmem>>, vector<16xi32>,
      tpu.vector_store_idx %arg11[%get3A_109], %gather3A_107 {add = true} : memref<10112xf32, #tpu.memory_space<vmem>>[vector<16xi32>], vector<16xf32>,
      %mul3A_110 = arith.constant 128 : i32
      %mul3A_111 = arith.muli %add3A_79, %mul3A_110 : i32
      %add3A_112 = arith.constant 32 : i32
      %add3A_113 = arith.addi %mul3A_111, %add3A_112 : i32
      %get3A_114 = arith.index_cast %add3A_79 : i32 to index
      %get3A_115 = arith.constant 32 : index
      %get3A_116 = tpu.vector_load %arg9[%get3A_114, %get3A_115] {strides = array<i32>} : memref<80x128xi32, #tpu.memory_space<vmem>>, vector<16xi32>,
      %gather3A_117 = tpu.vector_load_idx %arg10[%get3A_116] : memref<10112xf32, #tpu.memory_space<vmem>>[vector<16xi32>], vector<16xf32>,
      %get3A_118 = arith.index_cast %add3A_113 : i32 to index
      %get3A_119 = tpu.vector_load %arg8[%get3A_118] {strides = array<i32>} : memref<10240xi32, #tpu.memory_space<vmem>>, vector<16xi32>,
      tpu.vector_store_idx %arg11[%get3A_119], %gather3A_117 {add = true} : memref<10112xf32, #tpu.memory_space<vmem>>[vector<16xi32>], vector<16xf32>,
      %mul3A_120 = arith.constant 128 : i32
      %mul3A_121 = arith.muli %add3A_79, %mul3A_120 : i32
      %add3A_122 = arith.constant 48 : i32
      %add3A_123 = arith.addi %mul3A_121, %add3A_122 : i32
      %get3A_124 = arith.index_cast %add3A_79 : i32 to index
      %get3A_125 = arith.constant 48 : index
      %get3A_126 = tpu.vector_load %arg9[%get3A_124, %get3A_125] {strides = array<i32>} : memref<80x128xi32, #tpu.memory_space<vmem>>, vector<16xi32>,
      %gather3A_127 = tpu.vector_load_idx %arg10[%get3A_126] : memref<10112xf32, #tpu.memory_space<vmem>>[vector<16xi32>], vector<16xf32>,
      %get3A_128 = arith.index_cast %add3A_123 : i32 to index
      %get3A_129 = tpu.vector_load %arg8[%get3A_128] {strides = array<i32>} : memref<10240xi32, #tpu.memory_space<vmem>>, vector<16xi32>,
      tpu.vector_store_idx %arg11[%get3A_129], %gather3A_127 {add = true} : memref<10112xf32, #tpu.memory_space<vmem>>[vector<16xi32>], vector<16xf32>,
      %mul3A_130 = arith.constant 128 : i32
      %mul3A_131 = arith.muli %add3A_79, %mul3A_130 : i32
      %add3A_132 = arith.constant 64 : i32
      %add3A_133 = arith.addi %mul3A_131, %add3A_132 : i32
      %get3A_134 = arith.index_cast %add3A_79 : i32 to index
      %get3A_135 = arith.constant 64 : index
      %get3A_136 = tpu.vector_load %arg9[%get3A_134, %get3A_135] {strides = array<i32>} : memref<80x128xi32, #tpu.memory_space<vmem>>, vector<16xi32>,
      %gather3A_137 = tpu.vector_load_idx %arg10[%get3A_136] : memref<10112xf32, #tpu.memory_space<vmem>>[vector<16xi32>], vector<16xf32>,
      %get3A_138 = arith.index_cast %add3A_133 : i32 to index
      %get3A_139 = tpu.vector_load %arg8[%get3A_138] {strides = array<i32>} : memref<10240xi32, #tpu.memory_space<vmem>>, vector<16xi32>,
      tpu.vector_store_idx %arg11[%get3A_139], %gather3A_137 {add = true} : memref<10112xf32, #tpu.memory_space<vmem>>[vector<16xi32>], vector<16xf32>,
      %mul3A_140 = arith.constant 128 : i32
      %mul3A_141 = arith.muli %add3A_79, %mul3A_140 : i32
      %add3A_142 = arith.constant 80 : i32
      %add3A_143 = arith.addi %mul3A_141, %add3A_142 : i32
      %get3A_144 = arith.index_cast %add3A_79 : i32 to index
      %get3A_145 = arith.constant 80 : index
      %get3A_146 = tpu.vector_load %arg9[%get3A_144, %get3A_145] {strides = array<i32>} : memref<80x128xi32, #tpu.memory_space<vmem>>, vector<16xi32>,
      %gather3A_147 = tpu.vector_load_idx %arg10[%get3A_146] : memref<10112xf32, #tpu.memory_space<vmem>>[vector<16xi32>], vector<16xf32>,
      %get3A_148 = arith.index_cast %add3A_143 : i32 to index
      %get3A_149 = tpu.vector_load %arg8[%get3A_148] {strides = array<i32>} : memref<10240xi32, #tpu.memory_space<vmem>>, vector<16xi32>,
      tpu.vector_store_idx %arg11[%get3A_149], %gather3A_147 {add = true} : memref<10112xf32, #tpu.memory_space<vmem>>[vector<16xi32>], vector<16xf32>,
      %mul3A_150 = arith.constant 128 : i32
      %mul3A_151 = arith.muli %add3A_79, %mul3A_150 : i32
      %add3A_152 = arith.constant 96 : i32
      %add3A_153 = arith.addi %mul3A_151, %add3A_152 : i32
      %get3A_154 = arith.index_cast %add3A_79 : i32 to index
      %get3A_155 = arith.constant 96 : index
      %get3A_156 = tpu.vector_load %arg9[%get3A_154, %get3A_155] {strides = array<i32>} : memref<80x128xi32, #tpu.memory_space<vmem>>, vector<16xi32>,
      %gather3A_157 = tpu.vector_load_idx %arg10[%get3A_156] : memref<10112xf32, #tpu.memory_space<vmem>>[vector<16xi32>], vector<16xf32>,
      %get3A_158 = arith.index_cast %add3A_153 : i32 to index
      %get3A_159 = tpu.vector_load %arg8[%get3A_158] {strides = array<i32>} : memref<10240xi32, #tpu.memory_space<vmem>>, vector<16xi32>,
      tpu.vector_store_idx %arg11[%get3A_159], %gather3A_157 {add = true} : memref<10112xf32, #tpu.memory_space<vmem>>[vector<16xi32>], vector<16xf32>,
      %mul3A_160 = arith.constant 128 : i32
      %mul3A_161 = arith.muli %add3A_79, %mul3A_160 : i32
      %add3A_162 = arith.constant 112 : i32
      %add3A_163 = arith.addi %mul3A_161, %add3A_162 : i32
      %get3A_164 = arith.index_cast %add3A_79 : i32 to index
      %get3A_165 = arith.constant 112 : index
      %get3A_166 = tpu.vector_load %arg9[%get3A_164, %get3A_165] {strides = array<i32>} : memref<80x128xi32, #tpu.memory_space<vmem>>, vector<16xi32>,
      %gather3A_167 = tpu.vector_load_idx %arg10[%get3A_166] : memref<10112xf32, #tpu.memory_space<vmem>>[vector<16xi32>], vector<16xf32>,
      %get3A_168 = arith.index_cast %add3A_163 : i32 to index
      %get3A_169 = tpu.vector_load %arg8[%get3A_168] {strides = array<i32>} : memref<10240xi32, #tpu.memory_space<vmem>>, vector<16xi32>,
      tpu.vector_store_idx %arg11[%get3A_169], %gather3A_167 {add = true} : memref<10112xf32, #tpu.memory_space<vmem>>[vector<16xi32>], vector<16xf32>,
      %ge3A = arith.constant 2 : i32
      %ge3A_170 = arith.cmpi sge, %add3A_79, %ge3A : i32
      %convert_element_type3A = arith.extui %ge3A_170 : i1 to i32
      %cond3A = arith.constant 0 : i32
      %cond3A_171 = arith.cmpi ne, %convert_element_type3A, %cond3A : i32
      scf.if %cond3A_171 {
        %sub3A = arith.constant 2 : i32
        %sub3A_502 = arith.subi %add3A_79, %sub3A : i32
        %dma_wait3A_503 = arith.constant 0 : i32
        %dma_wait3A_504 = tpu.memref_slice %arg9[%sub3A_502, %dma_wait3A_503] : memref<80x128xi32, #tpu.memory_space<vmem>> -> memref<1x128xi32, #tpu.memory_space<vmem>>
        %dma_wait3A_505 = tpu.memref_squeeze %dma_wait3A_504 : memref<1x128xi32, #tpu.memory_space<vmem>> -> memref<128xi32, #tpu.memory_space<vmem>>
        %dma_wait3A_506 = arith.constant 0 : i32
        %dma_wait3A_507 = arith.constant 0 : i32
        %dma_wait3A_508 = tpu.memref_slice %arg17[%dma_wait3A_506, %dma_wait3A_507] : memref<10112x32xf32, #tpu.memory_space<vmem_shared>> -> memref<10112x32xf32, #tpu.memory_space<vmem_shared>>
        tpu.wait_indirect_dma semaphore(%arg24 : memref<!tpu.dma_semaphore, #tpu.memory_space<semaphore_mem>>) src(%arg14 : memref<128x32xf32, #tpu.memory_space<vmem>>) dst(%dma_wait3A_508 : memref<10112x32xf32, #tpu.memory_space<vmem_shared>>)
      } else {
      }
      %add3A_172 = arith.constant 2 : i32
      %add3A_173 = arith.addi %add3A_79, %add3A_172 : i32
      %lt3A = arith.constant 80 : i32
      %lt3A_174 = arith.cmpi slt, %add3A_173, %lt3A : i32
      %convert_element_type3A_175 = arith.extui %lt3A_174 : i1 to i32
      %cond3A_176 = arith.constant 0 : i32
      %cond3A_177 = arith.cmpi ne, %convert_element_type3A_175, %cond3A_176 : i32
      scf.if %cond3A_177 {
        %add3A_502 = arith.constant 2 : i32
        %add3A_503 = arith.addi %add3A_79, %add3A_502 : i32
        %mul3A_504 = arith.constant 128 : i32
        %mul3A_505 = arith.muli %add3A_503, %mul3A_504 : i32
        %dma_start3A_506 = tpu.memref_slice %arg8[%mul3A_505] : memref<10240xi32, #tpu.memory_space<vmem>> -> memref<128xi32, #tpu.memory_space<vmem>>
        %dma_start3A_507 = arith.constant 0 : i32
        %dma_start3A_508 = arith.constant 0 : i32
        %dma_start3A_509 = tpu.memref_slice %arg4[%dma_start3A_507, %dma_start3A_508] : memref<10112x32xf32, #tpu.memory_space<hbm>> -> memref<10112x32xf32, #tpu.memory_space<hbm>>
        tpu.enqueue_indirect_dma source(%dma_start3A_509 : memref<10112x32xf32, #tpu.memory_space<hbm>>) target(%arg14 : memref<128x32xf32, #tpu.memory_space<vmem>>) offsets(%dma_start3A_506 : memref<128xi32, #tpu.memory_space<vmem>>) semaphore(%arg20 : memref<!tpu.dma_semaphore, #tpu.memory_space<semaphore_mem>>)
      } else {
      }
      %mul3A_178 = arith.constant 4 : i32
      %mul3A_179 = arith.muli %scan3A_75, %mul3A_178 : i32
      %add3A_180 = arith.constant 1 : i32
      %add3A_181 = arith.addi %mul3A_179, %add3A_180 : i32
      %mul3A_182 = arith.constant 128 : i32
      %mul3A_183 = arith.muli %add3A_181, %mul3A_182 : i32
      %dma_wait3A_184 = tpu.memref_slice %arg8[%mul3A_183] : memref<10240xi32, #tpu.memory_space<vmem>> -> memref<128xi32, #tpu.memory_space<vmem>>
      %dma_wait3A_185 = arith.constant 0 : i32
      %dma_wait3A_186 = arith.constant 0 : i32
      %dma_wait3A_187 = tpu.memref_slice %arg4[%dma_wait3A_185, %dma_wait3A_186] : memref<10112x32xf32, #tpu.memory_space<hbm>> -> memref<10112x32xf32, #tpu.memory_space<hbm>>
      tpu.wait_indirect_dma semaphore(%arg19 : memref<!tpu.dma_semaphore, #tpu.memory_space<semaphore_mem>>) src(%dma_wait3A_187 : memref<10112x32xf32, #tpu.memory_space<hbm>>) dst(%arg13 : memref<128x32xf32, #tpu.memory_space<vmem>>)
      %dma_start3A_188 = arith.constant 0 : i32
      %dma_start3A_189 = tpu.memref_slice %arg9[%add3A_181, %dma_start3A_188] : memref<80x128xi32, #tpu.memory_space<vmem>> -> memref<1x128xi32, #tpu.memory_space<vmem>>
      %dma_start3A_190 = tpu.memref_squeeze %dma_start3A_189 : memref<1x128xi32, #tpu.memory_space<vmem>> -> memref<128xi32, #tpu.memory_space<vmem>>
      %dma_start3A_191 = arith.constant 0 : i32
      %dma_start3A_192 = arith.constant 0 : i32
      %dma_start3A_193 = tpu.memref_slice %arg17[%dma_start3A_191, %dma_start3A_192] : memref<10112x32xf32, #tpu.memory_space<vmem_shared>> -> memref<10112x32xf32, #tpu.memory_space<vmem_shared>>
      tpu.enqueue_indirect_dma source(%arg13 : memref<128x32xf32, #tpu.memory_space<vmem>>) target(%dma_start3A_193 : memref<10112x32xf32, #tpu.memory_space<vmem_shared>>) offsets(%dma_start3A_190 : memref<128xi32, #tpu.memory_space<vmem>>) semaphore(%arg23 : memref<!tpu.dma_semaphore, #tpu.memory_space<semaphore_mem>>) {add = true}
      %mul3A_194 = arith.constant 128 : i32
      %mul3A_195 = arith.muli %add3A_181, %mul3A_194 : i32
      %add3A_196 = arith.constant 0 : i32
      %add3A_197 = arith.addi %mul3A_195, %add3A_196 : i32
      %get3A_198 = arith.index_cast %add3A_181 : i32 to index
      %get3A_199 = arith.constant 0 : index
      %get3A_200 = tpu.vector_load %arg9[%get3A_198, %get3A_199] {strides = array<i32>} : memref<80x128xi32, #tpu.memory_space<vmem>>, vector<16xi32>,
      %gather3A_201 = tpu.vector_load_idx %arg10[%get3A_200] : memref<10112xf32, #tpu.memory_space<vmem>>[vector<16xi32>], vector<16xf32>,
      %get3A_202 = arith.index_cast %add3A_197 : i32 to index
      %get3A_203 = tpu.vector_load %arg8[%get3A_202] {strides = array<i32>} : memref<10240xi32, #tpu.memory_space<vmem>>, vector<16xi32>,
      tpu.vector_store_idx %arg11[%get3A_203], %gather3A_201 {add = true} : memref<10112xf32, #tpu.memory_space<vmem>>[vector<16xi32>], vector<16xf32>,
      %mul3A_204 = arith.constant 128 : i32
      %mul3A_205 = arith.muli %add3A_181, %mul3A_204 : i32
      %add3A_206 = arith.constant 16 : i32
      %add3A_207 = arith.addi %mul3A_205, %add3A_206 : i32
      %get3A_208 = arith.index_cast %add3A_181 : i32 to index
      %get3A_209 = arith.constant 16 : index
      %get3A_210 = tpu.vector_load %arg9[%get3A_208, %get3A_209] {strides = array<i32>} : memref<80x128xi32, #tpu.memory_space<vmem>>, vector<16xi32>,
      %gather3A_211 = tpu.vector_load_idx %arg10[%get3A_210] : memref<10112xf32, #tpu.memory_space<vmem>>[vector<16xi32>], vector<16xf32>,
      %get3A_212 = arith.index_cast %add3A_207 : i32 to index
      %get3A_213 = tpu.vector_load %arg8[%get3A_212] {strides = array<i32>} : memref<10240xi32, #tpu.memory_space<vmem>>, vector<16xi32>,
      tpu.vector_store_idx %arg11[%get3A_213], %gather3A_211 {add = true} : memref<10112xf32, #tpu.memory_space<vmem>>[vector<16xi32>], vector<16xf32>,
      %mul3A_214 = arith.constant 128 : i32
      %mul3A_215 = arith.muli %add3A_181, %mul3A_214 : i32
      %add3A_216 = arith.constant 32 : i32
      %add3A_217 = arith.addi %mul3A_215, %add3A_216 : i32
      %get3A_218 = arith.index_cast %add3A_181 : i32 to index
      %get3A_219 = arith.constant 32 : index
      %get3A_220 = tpu.vector_load %arg9[%get3A_218, %get3A_219] {strides = array<i32>} : memref<80x128xi32, #tpu.memory_space<vmem>>, vector<16xi32>,
      %gather3A_221 = tpu.vector_load_idx %arg10[%get3A_220] : memref<10112xf32, #tpu.memory_space<vmem>>[vector<16xi32>], vector<16xf32>,
      %get3A_222 = arith.index_cast %add3A_217 : i32 to index
      %get3A_223 = tpu.vector_load %arg8[%get3A_222] {strides = array<i32>} : memref<10240xi32, #tpu.memory_space<vmem>>, vector<16xi32>,
      tpu.vector_store_idx %arg11[%get3A_223], %gather3A_221 {add = true} : memref<10112xf32, #tpu.memory_space<vmem>>[vector<16xi32>], vector<16xf32>,
      %mul3A_224 = arith.constant 128 : i32
      %mul3A_225 = arith.muli %add3A_181, %mul3A_224 : i32
      %add3A_226 = arith.constant 48 : i32
      %add3A_227 = arith.addi %mul3A_225, %add3A_226 : i32
      %get3A_228 = arith.index_cast %add3A_181 : i32 to index
      %get3A_229 = arith.constant 48 : index
      %get3A_230 = tpu.vector_load %arg9[%get3A_228, %get3A_229] {strides = array<i32>} : memref<80x128xi32, #tpu.memory_space<vmem>>, vector<16xi32>,
      %gather3A_231 = tpu.vector_load_idx %arg10[%get3A_230] : memref<10112xf32, #tpu.memory_space<vmem>>[vector<16xi32>], vector<16xf32>,
      %get3A_232 = arith.index_cast %add3A_227 : i32 to index
      %get3A_233 = tpu.vector_load %arg8[%get3A_232] {strides = array<i32>} : memref<10240xi32, #tpu.memory_space<vmem>>, vector<16xi32>,
      tpu.vector_store_idx %arg11[%get3A_233], %gather3A_231 {add = true} : memref<10112xf32, #tpu.memory_space<vmem>>[vector<16xi32>], vector<16xf32>,
      %mul3A_234 = arith.constant 128 : i32
      %mul3A_235 = arith.muli %add3A_181, %mul3A_234 : i32
      %add3A_236 = arith.constant 64 : i32
      %add3A_237 = arith.addi %mul3A_235, %add3A_236 : i32
      %get3A_238 = arith.index_cast %add3A_181 : i32 to index
      %get3A_239 = arith.constant 64 : index
      %get3A_240 = tpu.vector_load %arg9[%get3A_238, %get3A_239] {strides = array<i32>} : memref<80x128xi32, #tpu.memory_space<vmem>>, vector<16xi32>,
      %gather3A_241 = tpu.vector_load_idx %arg10[%get3A_240] : memref<10112xf32, #tpu.memory_space<vmem>>[vector<16xi32>], vector<16xf32>,
      %get3A_242 = arith.index_cast %add3A_237 : i32 to index
      %get3A_243 = tpu.vector_load %arg8[%get3A_242] {strides = array<i32>} : memref<10240xi32, #tpu.memory_space<vmem>>, vector<16xi32>,
      tpu.vector_store_idx %arg11[%get3A_243], %gather3A_241 {add = true} : memref<10112xf32, #tpu.memory_space<vmem>>[vector<16xi32>], vector<16xf32>,
      %mul3A_244 = arith.constant 128 : i32
      %mul3A_245 = arith.muli %add3A_181, %mul3A_244 : i32
      %add3A_246 = arith.constant 80 : i32
      %add3A_247 = arith.addi %mul3A_245, %add3A_246 : i32
      %get3A_248 = arith.index_cast %add3A_181 : i32 to index
      %get3A_249 = arith.constant 80 : index
      %get3A_250 = tpu.vector_load %arg9[%get3A_248, %get3A_249] {strides = array<i32>} : memref<80x128xi32, #tpu.memory_space<vmem>>, vector<16xi32>,
      %gather3A_251 = tpu.vector_load_idx %arg10[%get3A_250] : memref<10112xf32, #tpu.memory_space<vmem>>[vector<16xi32>], vector<16xf32>,
      %get3A_252 = arith.index_cast %add3A_247 : i32 to index
      %get3A_253 = tpu.vector_load %arg8[%get3A_252] {strides = array<i32>} : memref<10240xi32, #tpu.memory_space<vmem>>, vector<16xi32>,
      tpu.vector_store_idx %arg11[%get3A_253], %gather3A_251 {add = true} : memref<10112xf32, #tpu.memory_space<vmem>>[vector<16xi32>], vector<16xf32>,
      %mul3A_254 = arith.constant 128 : i32
      %mul3A_255 = arith.muli %add3A_181, %mul3A_254 : i32
      %add3A_256 = arith.constant 96 : i32
      %add3A_257 = arith.addi %mul3A_255, %add3A_256 : i32
      %get3A_258 = arith.index_cast %add3A_181 : i32 to index
      %get3A_259 = arith.constant 96 : index
      %get3A_260 = tpu.vector_load %arg9[%get3A_258, %get3A_259] {strides = array<i32>} : memref<80x128xi32, #tpu.memory_space<vmem>>, vector<16xi32>,
      %gather3A_261 = tpu.vector_load_idx %arg10[%get3A_260] : memref<10112xf32, #tpu.memory_space<vmem>>[vector<16xi32>], vector<16xf32>,
      %get3A_262 = arith.index_cast %add3A_257 : i32 to index
      %get3A_263 = tpu.vector_load %arg8[%get3A_262] {strides = array<i32>} : memref<10240xi32, #tpu.memory_space<vmem>>, vector<16xi32>,
      tpu.vector_store_idx %arg11[%get3A_263], %gather3A_261 {add = true} : memref<10112xf32, #tpu.memory_space<vmem>>[vector<16xi32>], vector<16xf32>,
      %mul3A_264 = arith.constant 128 : i32
      %mul3A_265 = arith.muli %add3A_181, %mul3A_264 : i32
      %add3A_266 = arith.constant 112 : i32
      %add3A_267 = arith.addi %mul3A_265, %add3A_266 : i32
      %get3A_268 = arith.index_cast %add3A_181 : i32 to index
      %get3A_269 = arith.constant 112 : index
      %get3A_270 = tpu.vector_load %arg9[%get3A_268, %get3A_269] {strides = array<i32>} : memref<80x128xi32, #tpu.memory_space<vmem>>, vector<16xi32>,
      %gather3A_271 = tpu.vector_load_idx %arg10[%get3A_270] : memref<10112xf32, #tpu.memory_space<vmem>>[vector<16xi32>], vector<16xf32>,
      %get3A_272 = arith.index_cast %add3A_267 : i32 to index
      %get3A_273 = tpu.vector_load %arg8[%get3A_272] {strides = array<i32>} : memref<10240xi32, #tpu.memory_space<vmem>>, vector<16xi32>,
      tpu.vector_store_idx %arg11[%get3A_273], %gather3A_271 {add = true} : memref<10112xf32, #tpu.memory_space<vmem>>[vector<16xi32>], vector<16xf32>,
      %ge3A_274 = arith.constant 2 : i32
      %ge3A_275 = arith.cmpi sge, %add3A_181, %ge3A_274 : i32
      %convert_element_type3A_276 = arith.extui %ge3A_275 : i1 to i32
      %cond3A_277 = arith.constant 0 : i32
      %cond3A_278 = arith.cmpi ne, %convert_element_type3A_276, %cond3A_277 : i32
      scf.if %cond3A_278 {
        %sub3A = arith.constant 2 : i32
        %sub3A_502 = arith.subi %add3A_181, %sub3A : i32
        %dma_wait3A_503 = arith.constant 0 : i32
        %dma_wait3A_504 = tpu.memref_slice %arg9[%sub3A_502, %dma_wait3A_503] : memref<80x128xi32, #tpu.memory_space<vmem>> -> memref<1x128xi32, #tpu.memory_space<vmem>>
        %dma_wait3A_505 = tpu.memref_squeeze %dma_wait3A_504 : memref<1x128xi32, #tpu.memory_space<vmem>> -> memref<128xi32, #tpu.memory_space<vmem>>
        %dma_wait3A_506 = arith.constant 0 : i32
        %dma_wait3A_507 = arith.constant 0 : i32
        %dma_wait3A_508 = tpu.memref_slice %arg17[%dma_wait3A_506, %dma_wait3A_507] : memref<10112x32xf32, #tpu.memory_space<vmem_shared>> -> memref<10112x32xf32, #tpu.memory_space<vmem_shared>>
        tpu.wait_indirect_dma semaphore(%arg25 : memref<!tpu.dma_semaphore, #tpu.memory_space<semaphore_mem>>) src(%arg15 : memref<128x32xf32, #tpu.memory_space<vmem>>) dst(%dma_wait3A_508 : memref<10112x32xf32, #tpu.memory_space<vmem_shared>>)
      } else {
      }
      %add3A_279 = arith.constant 2 : i32
      %add3A_280 = arith.addi %add3A_181, %add3A_279 : i32
      %lt3A_281 = arith.constant 80 : i32
      %lt3A_282 = arith.cmpi slt, %add3A_280, %lt3A_281 : i32
      %convert_element_type3A_283 = arith.extui %lt3A_282 : i1 to i32
      %cond3A_284 = arith.constant 0 : i32
      %cond3A_285 = arith.cmpi ne, %convert_element_type3A_283, %cond3A_284 : i32
      scf.if %cond3A_285 {
        %add3A_502 = arith.constant 2 : i32
        %add3A_503 = arith.addi %add3A_181, %add3A_502 : i32
        %mul3A_504 = arith.constant 128 : i32
        %mul3A_505 = arith.muli %add3A_503, %mul3A_504 : i32
        %dma_start3A_506 = tpu.memref_slice %arg8[%mul3A_505] : memref<10240xi32, #tpu.memory_space<vmem>> -> memref<128xi32, #tpu.memory_space<vmem>>
        %dma_start3A_507 = arith.constant 0 : i32
        %dma_start3A_508 = arith.constant 0 : i32
        %dma_start3A_509 = tpu.memref_slice %arg4[%dma_start3A_507, %dma_start3A_508] : memref<10112x32xf32, #tpu.memory_space<hbm>> -> memref<10112x32xf32, #tpu.memory_space<hbm>>
        tpu.enqueue_indirect_dma source(%dma_start3A_509 : memref<10112x32xf32, #tpu.memory_space<hbm>>) target(%arg15 : memref<128x32xf32, #tpu.memory_space<vmem>>) offsets(%dma_start3A_506 : memref<128xi32, #tpu.memory_space<vmem>>) semaphore(%arg21 : memref<!tpu.dma_semaphore, #tpu.memory_space<semaphore_mem>>)
      } else {
      }
      %mul3A_286 = arith.constant 4 : i32
      %mul3A_287 = arith.muli %scan3A_75, %mul3A_286 : i32
      %add3A_288 = arith.constant 2 : i32
      %add3A_289 = arith.addi %mul3A_287, %add3A_288 : i32
      %mul3A_290 = arith.constant 128 : i32
      %mul3A_291 = arith.muli %add3A_289, %mul3A_290 : i32
      %dma_wait3A_292 = tpu.memref_slice %arg8[%mul3A_291] : memref<10240xi32, #tpu.memory_space<vmem>> -> memref<128xi32, #tpu.memory_space<vmem>>
      %dma_wait3A_293 = arith.constant 0 : i32
      %dma_wait3A_294 = arith.constant 0 : i32
      %dma_wait3A_295 = tpu.memref_slice %arg4[%dma_wait3A_293, %dma_wait3A_294] : memref<10112x32xf32, #tpu.memory_space<hbm>> -> memref<10112x32xf32, #tpu.memory_space<hbm>>
      tpu.wait_indirect_dma semaphore(%arg20 : memref<!tpu.dma_semaphore, #tpu.memory_space<semaphore_mem>>) src(%dma_wait3A_295 : memref<10112x32xf32, #tpu.memory_space<hbm>>) dst(%arg14 : memref<128x32xf32, #tpu.memory_space<vmem>>)
      %dma_start3A_296 = arith.constant 0 : i32
      %dma_start3A_297 = tpu.memref_slice %arg9[%add3A_289, %dma_start3A_296] : memref<80x128xi32, #tpu.memory_space<vmem>> -> memref<1x128xi32, #tpu.memory_space<vmem>>
      %dma_start3A_298 = tpu.memref_squeeze %dma_start3A_297 : memref<1x128xi32, #tpu.memory_space<vmem>> -> memref<128xi32, #tpu.memory_space<vmem>>
      %dma_start3A_299 = arith.constant 0 : i32
      %dma_start3A_300 = arith.constant 0 : i32
      %dma_start3A_301 = tpu.memref_slice %arg17[%dma_start3A_299, %dma_start3A_300] : memref<10112x32xf32, #tpu.memory_space<vmem_shared>> -> memref<10112x32xf32, #tpu.memory_space<vmem_shared>>
      tpu.enqueue_indirect_dma source(%arg14 : memref<128x32xf32, #tpu.memory_space<vmem>>) target(%dma_start3A_301 : memref<10112x32xf32, #tpu.memory_space<vmem_shared>>) offsets(%dma_start3A_298 : memref<128xi32, #tpu.memory_space<vmem>>) semaphore(%arg24 : memref<!tpu.dma_semaphore, #tpu.memory_space<semaphore_mem>>) {add = true}
      %mul3A_302 = arith.constant 128 : i32
      %mul3A_303 = arith.muli %add3A_289, %mul3A_302 : i32
      %add3A_304 = arith.constant 0 : i32
      %add3A_305 = arith.addi %mul3A_303, %add3A_304 : i32
      %get3A_306 = arith.index_cast %add3A_289 : i32 to index
      %get3A_307 = arith.constant 0 : index
      %get3A_308 = tpu.vector_load %arg9[%get3A_306, %get3A_307] {strides = array<i32>} : memref<80x128xi32, #tpu.memory_space<vmem>>, vector<16xi32>,
      %gather3A_309 = tpu.vector_load_idx %arg10[%get3A_308] : memref<10112xf32, #tpu.memory_space<vmem>>[vector<16xi32>], vector<16xf32>,
      %get3A_310 = arith.index_cast %add3A_305 : i32 to index
      %get3A_311 = tpu.vector_load %arg8[%get3A_310] {strides = array<i32>} : memref<10240xi32, #tpu.memory_space<vmem>>, vector<16xi32>,
      tpu.vector_store_idx %arg11[%get3A_311], %gather3A_309 {add = true} : memref<10112xf32, #tpu.memory_space<vmem>>[vector<16xi32>], vector<16xf32>,
      %mul3A_312 = arith.constant 128 : i32
      %mul3A_313 = arith.muli %add3A_289, %mul3A_312 : i32
      %add3A_314 = arith.constant 16 : i32
      %add3A_315 = arith.addi %mul3A_313, %add3A_314 : i32
      %get3A_316 = arith.index_cast %add3A_289 : i32 to index
      %get3A_317 = arith.constant 16 : index
      %get3A_318 = tpu.vector_load %arg9[%get3A_316, %get3A_317] {strides = array<i32>} : memref<80x128xi32, #tpu.memory_space<vmem>>, vector<16xi32>,
      %gather3A_319 = tpu.vector_load_idx %arg10[%get3A_318] : memref<10112xf32, #tpu.memory_space<vmem>>[vector<16xi32>], vector<16xf32>,
      %get3A_320 = arith.index_cast %add3A_315 : i32 to index
      %get3A_321 = tpu.vector_load %arg8[%get3A_320] {strides = array<i32>} : memref<10240xi32, #tpu.memory_space<vmem>>, vector<16xi32>,
      tpu.vector_store_idx %arg11[%get3A_321], %gather3A_319 {add = true} : memref<10112xf32, #tpu.memory_space<vmem>>[vector<16xi32>], vector<16xf32>,
      %mul3A_322 = arith.constant 128 : i32
      %mul3A_323 = arith.muli %add3A_289, %mul3A_322 : i32
      %add3A_324 = arith.constant 32 : i32
      %add3A_325 = arith.addi %mul3A_323, %add3A_324 : i32
      %get3A_326 = arith.index_cast %add3A_289 : i32 to index
      %get3A_327 = arith.constant 32 : index
      %get3A_328 = tpu.vector_load %arg9[%get3A_326, %get3A_327] {strides = array<i32>} : memref<80x128xi32, #tpu.memory_space<vmem>>, vector<16xi32>,
      %gather3A_329 = tpu.vector_load_idx %arg10[%get3A_328] : memref<10112xf32, #tpu.memory_space<vmem>>[vector<16xi32>], vector<16xf32>,
      %get3A_330 = arith.index_cast %add3A_325 : i32 to index
      %get3A_331 = tpu.vector_load %arg8[%get3A_330] {strides = array<i32>} : memref<10240xi32, #tpu.memory_space<vmem>>, vector<16xi32>,
      tpu.vector_store_idx %arg11[%get3A_331], %gather3A_329 {add = true} : memref<10112xf32, #tpu.memory_space<vmem>>[vector<16xi32>], vector<16xf32>,
      %mul3A_332 = arith.constant 128 : i32
      %mul3A_333 = arith.muli %add3A_289, %mul3A_332 : i32
      %add3A_334 = arith.constant 48 : i32
      %add3A_335 = arith.addi %mul3A_333, %add3A_334 : i32
      %get3A_336 = arith.index_cast %add3A_289 : i32 to index
      %get3A_337 = arith.constant 48 : index
      %get3A_338 = tpu.vector_load %arg9[%get3A_336, %get3A_337] {strides = array<i32>} : memref<80x128xi32, #tpu.memory_space<vmem>>, vector<16xi32>,
      %gather3A_339 = tpu.vector_load_idx %arg10[%get3A_338] : memref<10112xf32, #tpu.memory_space<vmem>>[vector<16xi32>], vector<16xf32>,
      %get3A_340 = arith.index_cast %add3A_335 : i32 to index
      %get3A_341 = tpu.vector_load %arg8[%get3A_340] {strides = array<i32>} : memref<10240xi32, #tpu.memory_space<vmem>>, vector<16xi32>,
      tpu.vector_store_idx %arg11[%get3A_341], %gather3A_339 {add = true} : memref<10112xf32, #tpu.memory_space<vmem>>[vector<16xi32>], vector<16xf32>,
      %mul3A_342 = arith.constant 128 : i32
      %mul3A_343 = arith.muli %add3A_289, %mul3A_342 : i32
      %add3A_344 = arith.constant 64 : i32
      %add3A_345 = arith.addi %mul3A_343, %add3A_344 : i32
      %get3A_346 = arith.index_cast %add3A_289 : i32 to index
      %get3A_347 = arith.constant 64 : index
      %get3A_348 = tpu.vector_load %arg9[%get3A_346, %get3A_347] {strides = array<i32>} : memref<80x128xi32, #tpu.memory_space<vmem>>, vector<16xi32>,
      %gather3A_349 = tpu.vector_load_idx %arg10[%get3A_348] : memref<10112xf32, #tpu.memory_space<vmem>>[vector<16xi32>], vector<16xf32>,
      %get3A_350 = arith.index_cast %add3A_345 : i32 to index
      %get3A_351 = tpu.vector_load %arg8[%get3A_350] {strides = array<i32>} : memref<10240xi32, #tpu.memory_space<vmem>>, vector<16xi32>,
      tpu.vector_store_idx %arg11[%get3A_351], %gather3A_349 {add = true} : memref<10112xf32, #tpu.memory_space<vmem>>[vector<16xi32>], vector<16xf32>,
      %mul3A_352 = arith.constant 128 : i32
      %mul3A_353 = arith.muli %add3A_289, %mul3A_352 : i32
      %add3A_354 = arith.constant 80 : i32
      %add3A_355 = arith.addi %mul3A_353, %add3A_354 : i32
      %get3A_356 = arith.index_cast %add3A_289 : i32 to index
      %get3A_357 = arith.constant 80 : index
      %get3A_358 = tpu.vector_load %arg9[%get3A_356, %get3A_357] {strides = array<i32>} : memref<80x128xi32, #tpu.memory_space<vmem>>, vector<16xi32>,
      %gather3A_359 = tpu.vector_load_idx %arg10[%get3A_358] : memref<10112xf32, #tpu.memory_space<vmem>>[vector<16xi32>], vector<16xf32>,
      %get3A_360 = arith.index_cast %add3A_355 : i32 to index
      %get3A_361 = tpu.vector_load %arg8[%get3A_360] {strides = array<i32>} : memref<10240xi32, #tpu.memory_space<vmem>>, vector<16xi32>,
      tpu.vector_store_idx %arg11[%get3A_361], %gather3A_359 {add = true} : memref<10112xf32, #tpu.memory_space<vmem>>[vector<16xi32>], vector<16xf32>,
      %mul3A_362 = arith.constant 128 : i32
      %mul3A_363 = arith.muli %add3A_289, %mul3A_362 : i32
      %add3A_364 = arith.constant 96 : i32
      %add3A_365 = arith.addi %mul3A_363, %add3A_364 : i32
      %get3A_366 = arith.index_cast %add3A_289 : i32 to index
      %get3A_367 = arith.constant 96 : index
      %get3A_368 = tpu.vector_load %arg9[%get3A_366, %get3A_367] {strides = array<i32>} : memref<80x128xi32, #tpu.memory_space<vmem>>, vector<16xi32>,
      %gather3A_369 = tpu.vector_load_idx %arg10[%get3A_368] : memref<10112xf32, #tpu.memory_space<vmem>>[vector<16xi32>], vector<16xf32>,
      %get3A_370 = arith.index_cast %add3A_365 : i32 to index
      %get3A_371 = tpu.vector_load %arg8[%get3A_370] {strides = array<i32>} : memref<10240xi32, #tpu.memory_space<vmem>>, vector<16xi32>,
      tpu.vector_store_idx %arg11[%get3A_371], %gather3A_369 {add = true} : memref<10112xf32, #tpu.memory_space<vmem>>[vector<16xi32>], vector<16xf32>,
      %mul3A_372 = arith.constant 128 : i32
      %mul3A_373 = arith.muli %add3A_289, %mul3A_372 : i32
      %add3A_374 = arith.constant 112 : i32
      %add3A_375 = arith.addi %mul3A_373, %add3A_374 : i32
      %get3A_376 = arith.index_cast %add3A_289 : i32 to index
      %get3A_377 = arith.constant 112 : index
      %get3A_378 = tpu.vector_load %arg9[%get3A_376, %get3A_377] {strides = array<i32>} : memref<80x128xi32, #tpu.memory_space<vmem>>, vector<16xi32>,
      %gather3A_379 = tpu.vector_load_idx %arg10[%get3A_378] : memref<10112xf32, #tpu.memory_space<vmem>>[vector<16xi32>], vector<16xf32>,
      %get3A_380 = arith.index_cast %add3A_375 : i32 to index
      %get3A_381 = tpu.vector_load %arg8[%get3A_380] {strides = array<i32>} : memref<10240xi32, #tpu.memory_space<vmem>>, vector<16xi32>,
      tpu.vector_store_idx %arg11[%get3A_381], %gather3A_379 {add = true} : memref<10112xf32, #tpu.memory_space<vmem>>[vector<16xi32>], vector<16xf32>,
      %ge3A_382 = arith.constant 2 : i32
      %ge3A_383 = arith.cmpi sge, %add3A_289, %ge3A_382 : i32
      %convert_element_type3A_384 = arith.extui %ge3A_383 : i1 to i32
      %cond3A_385 = arith.constant 0 : i32
      %cond3A_386 = arith.cmpi ne, %convert_element_type3A_384, %cond3A_385 : i32
      scf.if %cond3A_386 {
        %sub3A = arith.constant 2 : i32
        %sub3A_502 = arith.subi %add3A_289, %sub3A : i32
        %dma_wait3A_503 = arith.constant 0 : i32
        %dma_wait3A_504 = tpu.memref_slice %arg9[%sub3A_502, %dma_wait3A_503] : memref<80x128xi32, #tpu.memory_space<vmem>> -> memref<1x128xi32, #tpu.memory_space<vmem>>
        %dma_wait3A_505 = tpu.memref_squeeze %dma_wait3A_504 : memref<1x128xi32, #tpu.memory_space<vmem>> -> memref<128xi32, #tpu.memory_space<vmem>>
        %dma_wait3A_506 = arith.constant 0 : i32
        %dma_wait3A_507 = arith.constant 0 : i32
        %dma_wait3A_508 = tpu.memref_slice %arg17[%dma_wait3A_506, %dma_wait3A_507] : memref<10112x32xf32, #tpu.memory_space<vmem_shared>> -> memref<10112x32xf32, #tpu.memory_space<vmem_shared>>
        tpu.wait_indirect_dma semaphore(%arg22 : memref<!tpu.dma_semaphore, #tpu.memory_space<semaphore_mem>>) src(%arg12 : memref<128x32xf32, #tpu.memory_space<vmem>>) dst(%dma_wait3A_508 : memref<10112x32xf32, #tpu.memory_space<vmem_shared>>)
      } else {
      }
      %add3A_387 = arith.constant 2 : i32
      %add3A_388 = arith.addi %add3A_289, %add3A_387 : i32
      %lt3A_389 = arith.constant 80 : i32
      %lt3A_390 = arith.cmpi slt, %add3A_388, %lt3A_389 : i32
      %convert_element_type3A_391 = arith.extui %lt3A_390 : i1 to i32
      %cond3A_392 = arith.constant 0 : i32
      %cond3A_393 = arith.cmpi ne, %convert_element_type3A_391, %cond3A_392 : i32
      scf.if %cond3A_393 {
        %add3A_502 = arith.constant 2 : i32
        %add3A_503 = arith.addi %add3A_289, %add3A_502 : i32
        %mul3A_504 = arith.constant 128 : i32
        %mul3A_505 = arith.muli %add3A_503, %mul3A_504 : i32
        %dma_start3A_506 = tpu.memref_slice %arg8[%mul3A_505] : memref<10240xi32, #tpu.memory_space<vmem>> -> memref<128xi32, #tpu.memory_space<vmem>>
        %dma_start3A_507 = arith.constant 0 : i32
        %dma_start3A_508 = arith.constant 0 : i32
        %dma_start3A_509 = tpu.memref_slice %arg4[%dma_start3A_507, %dma_start3A_508] : memref<10112x32xf32, #tpu.memory_space<hbm>> -> memref<10112x32xf32, #tpu.memory_space<hbm>>
        tpu.enqueue_indirect_dma source(%dma_start3A_509 : memref<10112x32xf32, #tpu.memory_space<hbm>>) target(%arg12 : memref<128x32xf32, #tpu.memory_space<vmem>>) offsets(%dma_start3A_506 : memref<128xi32, #tpu.memory_space<vmem>>) semaphore(%arg18 : memref<!tpu.dma_semaphore, #tpu.memory_space<semaphore_mem>>)
      } else {
      }
      %mul3A_394 = arith.constant 4 : i32
      %mul3A_395 = arith.muli %scan3A_75, %mul3A_394 : i32
      %add3A_396 = arith.constant 3 : i32
      %add3A_397 = arith.addi %mul3A_395, %add3A_396 : i32
      %mul3A_398 = arith.constant 128 : i32
      %mul3A_399 = arith.muli %add3A_397, %mul3A_398 : i32
      %dma_wait3A_400 = tpu.memref_slice %arg8[%mul3A_399] : memref<10240xi32, #tpu.memory_space<vmem>> -> memref<128xi32, #tpu.memory_space<vmem>>
      %dma_wait3A_401 = arith.constant 0 : i32
      %dma_wait3A_402 = arith.constant 0 : i32
      %dma_wait3A_403 = tpu.memref_slice %arg4[%dma_wait3A_401, %dma_wait3A_402] : memref<10112x32xf32, #tpu.memory_space<hbm>> -> memref<10112x32xf32, #tpu.memory_space<hbm>>
      tpu.wait_indirect_dma semaphore(%arg21 : memref<!tpu.dma_semaphore, #tpu.memory_space<semaphore_mem>>) src(%dma_wait3A_403 : memref<10112x32xf32, #tpu.memory_space<hbm>>) dst(%arg15 : memref<128x32xf32, #tpu.memory_space<vmem>>)
      %dma_start3A_404 = arith.constant 0 : i32
      %dma_start3A_405 = tpu.memref_slice %arg9[%add3A_397, %dma_start3A_404] : memref<80x128xi32, #tpu.memory_space<vmem>> -> memref<1x128xi32, #tpu.memory_space<vmem>>
      %dma_start3A_406 = tpu.memref_squeeze %dma_start3A_405 : memref<1x128xi32, #tpu.memory_space<vmem>> -> memref<128xi32, #tpu.memory_space<vmem>>
      %dma_start3A_407 = arith.constant 0 : i32
      %dma_start3A_408 = arith.constant 0 : i32
      %dma_start3A_409 = tpu.memref_slice %arg17[%dma_start3A_407, %dma_start3A_408] : memref<10112x32xf32, #tpu.memory_space<vmem_shared>> -> memref<10112x32xf32, #tpu.memory_space<vmem_shared>>
      tpu.enqueue_indirect_dma source(%arg15 : memref<128x32xf32, #tpu.memory_space<vmem>>) target(%dma_start3A_409 : memref<10112x32xf32, #tpu.memory_space<vmem_shared>>) offsets(%dma_start3A_406 : memref<128xi32, #tpu.memory_space<vmem>>) semaphore(%arg25 : memref<!tpu.dma_semaphore, #tpu.memory_space<semaphore_mem>>) {add = true}
      %mul3A_410 = arith.constant 128 : i32
      %mul3A_411 = arith.muli %add3A_397, %mul3A_410 : i32
      %add3A_412 = arith.constant 0 : i32
      %add3A_413 = arith.addi %mul3A_411, %add3A_412 : i32
      %get3A_414 = arith.index_cast %add3A_397 : i32 to index
      %get3A_415 = arith.constant 0 : index
      %get3A_416 = tpu.vector_load %arg9[%get3A_414, %get3A_415] {strides = array<i32>} : memref<80x128xi32, #tpu.memory_space<vmem>>, vector<16xi32>,
      %gather3A_417 = tpu.vector_load_idx %arg10[%get3A_416] : memref<10112xf32, #tpu.memory_space<vmem>>[vector<16xi32>], vector<16xf32>,
      %get3A_418 = arith.index_cast %add3A_413 : i32 to index
      %get3A_419 = tpu.vector_load %arg8[%get3A_418] {strides = array<i32>} : memref<10240xi32, #tpu.memory_space<vmem>>, vector<16xi32>,
      tpu.vector_store_idx %arg11[%get3A_419], %gather3A_417 {add = true} : memref<10112xf32, #tpu.memory_space<vmem>>[vector<16xi32>], vector<16xf32>,
      %mul3A_420 = arith.constant 128 : i32
      %mul3A_421 = arith.muli %add3A_397, %mul3A_420 : i32
      %add3A_422 = arith.constant 16 : i32
      %add3A_423 = arith.addi %mul3A_421, %add3A_422 : i32
      %get3A_424 = arith.index_cast %add3A_397 : i32 to index
      %get3A_425 = arith.constant 16 : index
      %get3A_426 = tpu.vector_load %arg9[%get3A_424, %get3A_425] {strides = array<i32>} : memref<80x128xi32, #tpu.memory_space<vmem>>, vector<16xi32>,
      %gather3A_427 = tpu.vector_load_idx %arg10[%get3A_426] : memref<10112xf32, #tpu.memory_space<vmem>>[vector<16xi32>], vector<16xf32>,
      %get3A_428 = arith.index_cast %add3A_423 : i32 to index
      %get3A_429 = tpu.vector_load %arg8[%get3A_428] {strides = array<i32>} : memref<10240xi32, #tpu.memory_space<vmem>>, vector<16xi32>,
      tpu.vector_store_idx %arg11[%get3A_429], %gather3A_427 {add = true} : memref<10112xf32, #tpu.memory_space<vmem>>[vector<16xi32>], vector<16xf32>,
      %mul3A_430 = arith.constant 128 : i32
      %mul3A_431 = arith.muli %add3A_397, %mul3A_430 : i32
      %add3A_432 = arith.constant 32 : i32
      %add3A_433 = arith.addi %mul3A_431, %add3A_432 : i32
      %get3A_434 = arith.index_cast %add3A_397 : i32 to index
      %get3A_435 = arith.constant 32 : index
      %get3A_436 = tpu.vector_load %arg9[%get3A_434, %get3A_435] {strides = array<i32>} : memref<80x128xi32, #tpu.memory_space<vmem>>, vector<16xi32>,
      %gather3A_437 = tpu.vector_load_idx %arg10[%get3A_436] : memref<10112xf32, #tpu.memory_space<vmem>>[vector<16xi32>], vector<16xf32>,
      %get3A_438 = arith.index_cast %add3A_433 : i32 to index
      %get3A_439 = tpu.vector_load %arg8[%get3A_438] {strides = array<i32>} : memref<10240xi32, #tpu.memory_space<vmem>>, vector<16xi32>,
      tpu.vector_store_idx %arg11[%get3A_439], %gather3A_437 {add = true} : memref<10112xf32, #tpu.memory_space<vmem>>[vector<16xi32>], vector<16xf32>,
      %mul3A_440 = arith.constant 128 : i32
      %mul3A_441 = arith.muli %add3A_397, %mul3A_440 : i32
      %add3A_442 = arith.constant 48 : i32
      %add3A_443 = arith.addi %mul3A_441, %add3A_442 : i32
      %get3A_444 = arith.index_cast %add3A_397 : i32 to index
      %get3A_445 = arith.constant 48 : index
      %get3A_446 = tpu.vector_load %arg9[%get3A_444, %get3A_445] {strides = array<i32>} : memref<80x128xi32, #tpu.memory_space<vmem>>, vector<16xi32>,
      %gather3A_447 = tpu.vector_load_idx %arg10[%get3A_446] : memref<10112xf32, #tpu.memory_space<vmem>>[vector<16xi32>], vector<16xf32>,
      %get3A_448 = arith.index_cast %add3A_443 : i32 to index
      %get3A_449 = tpu.vector_load %arg8[%get3A_448] {strides = array<i32>} : memref<10240xi32, #tpu.memory_space<vmem>>, vector<16xi32>,
      tpu.vector_store_idx %arg11[%get3A_449], %gather3A_447 {add = true} : memref<10112xf32, #tpu.memory_space<vmem>>[vector<16xi32>], vector<16xf32>,
      %mul3A_450 = arith.constant 128 : i32
      %mul3A_451 = arith.muli %add3A_397, %mul3A_450 : i32
      %add3A_452 = arith.constant 64 : i32
      %add3A_453 = arith.addi %mul3A_451, %add3A_452 : i32
      %get3A_454 = arith.index_cast %add3A_397 : i32 to index
      %get3A_455 = arith.constant 64 : index
      %get3A_456 = tpu.vector_load %arg9[%get3A_454, %get3A_455] {strides = array<i32>} : memref<80x128xi32, #tpu.memory_space<vmem>>, vector<16xi32>,
      %gather3A_457 = tpu.vector_load_idx %arg10[%get3A_456] : memref<10112xf32, #tpu.memory_space<vmem>>[vector<16xi32>], vector<16xf32>,
      %get3A_458 = arith.index_cast %add3A_453 : i32 to index
      %get3A_459 = tpu.vector_load %arg8[%get3A_458] {strides = array<i32>} : memref<10240xi32, #tpu.memory_space<vmem>>, vector<16xi32>,
      tpu.vector_store_idx %arg11[%get3A_459], %gather3A_457 {add = true} : memref<10112xf32, #tpu.memory_space<vmem>>[vector<16xi32>], vector<16xf32>,
      %mul3A_460 = arith.constant 128 : i32
      %mul3A_461 = arith.muli %add3A_397, %mul3A_460 : i32
      %add3A_462 = arith.constant 80 : i32
      %add3A_463 = arith.addi %mul3A_461, %add3A_462 : i32
      %get3A_464 = arith.index_cast %add3A_397 : i32 to index
      %get3A_465 = arith.constant 80 : index
      %get3A_466 = tpu.vector_load %arg9[%get3A_464, %get3A_465] {strides = array<i32>} : memref<80x128xi32, #tpu.memory_space<vmem>>, vector<16xi32>,
      %gather3A_467 = tpu.vector_load_idx %arg10[%get3A_466] : memref<10112xf32, #tpu.memory_space<vmem>>[vector<16xi32>], vector<16xf32>,
      %get3A_468 = arith.index_cast %add3A_463 : i32 to index
      %get3A_469 = tpu.vector_load %arg8[%get3A_468] {strides = array<i32>} : memref<10240xi32, #tpu.memory_space<vmem>>, vector<16xi32>,
      tpu.vector_store_idx %arg11[%get3A_469], %gather3A_467 {add = true} : memref<10112xf32, #tpu.memory_space<vmem>>[vector<16xi32>], vector<16xf32>,
      %mul3A_470 = arith.constant 128 : i32
      %mul3A_471 = arith.muli %add3A_397, %mul3A_470 : i32
      %add3A_472 = arith.constant 96 : i32
      %add3A_473 = arith.addi %mul3A_471, %add3A_472 : i32
      %get3A_474 = arith.index_cast %add3A_397 : i32 to index
      %get3A_475 = arith.constant 96 : index
      %get3A_476 = tpu.vector_load %arg9[%get3A_474, %get3A_475] {strides = array<i32>} : memref<80x128xi32, #tpu.memory_space<vmem>>, vector<16xi32>,
      %gather3A_477 = tpu.vector_load_idx %arg10[%get3A_476] : memref<10112xf32, #tpu.memory_space<vmem>>[vector<16xi32>], vector<16xf32>,
      %get3A_478 = arith.index_cast %add3A_473 : i32 to index
      %get3A_479 = tpu.vector_load %arg8[%get3A_478] {strides = array<i32>} : memref<10240xi32, #tpu.memory_space<vmem>>, vector<16xi32>,
      tpu.vector_store_idx %arg11[%get3A_479], %gather3A_477 {add = true} : memref<10112xf32, #tpu.memory_space<vmem>>[vector<16xi32>], vector<16xf32>,
      %mul3A_480 = arith.constant 128 : i32
      %mul3A_481 = arith.muli %add3A_397, %mul3A_480 : i32
      %add3A_482 = arith.constant 112 : i32
      %add3A_483 = arith.addi %mul3A_481, %add3A_482 : i32
      %get3A_484 = arith.index_cast %add3A_397 : i32 to index
      %get3A_485 = arith.constant 112 : index
      %get3A_486 = tpu.vector_load %arg9[%get3A_484, %get3A_485] {strides = array<i32>} : memref<80x128xi32, #tpu.memory_space<vmem>>, vector<16xi32>,
      %gather3A_487 = tpu.vector_load_idx %arg10[%get3A_486] : memref<10112xf32, #tpu.memory_space<vmem>>[vector<16xi32>], vector<16xf32>,
      %get3A_488 = arith.index_cast %add3A_483 : i32 to index
      %get3A_489 = tpu.vector_load %arg8[%get3A_488] {strides = array<i32>} : memref<10240xi32, #tpu.memory_space<vmem>>, vector<16xi32>,
      tpu.vector_store_idx %arg11[%get3A_489], %gather3A_487 {add = true} : memref<10112xf32, #tpu.memory_space<vmem>>[vector<16xi32>], vector<16xf32>,
      %ge3A_490 = arith.constant 2 : i32
      %ge3A_491 = arith.cmpi sge, %add3A_397, %ge3A_490 : i32
      %convert_element_type3A_492 = arith.extui %ge3A_491 : i1 to i32
      %cond3A_493 = arith.constant 0 : i32
      %cond3A_494 = arith.cmpi ne, %convert_element_type3A_492, %cond3A_493 : i32
      scf.if %cond3A_494 {
        %sub3A = arith.constant 2 : i32
        %sub3A_502 = arith.subi %add3A_397, %sub3A : i32
        %dma_wait3A_503 = arith.constant 0 : i32
        %dma_wait3A_504 = tpu.memref_slice %arg9[%sub3A_502, %dma_wait3A_503] : memref<80x128xi32, #tpu.memory_space<vmem>> -> memref<1x128xi32, #tpu.memory_space<vmem>>
        %dma_wait3A_505 = tpu.memref_squeeze %dma_wait3A_504 : memref<1x128xi32, #tpu.memory_space<vmem>> -> memref<128xi32, #tpu.memory_space<vmem>>
        %dma_wait3A_506 = arith.constant 0 : i32
        %dma_wait3A_507 = arith.constant 0 : i32
        %dma_wait3A_508 = tpu.memref_slice %arg17[%dma_wait3A_506, %dma_wait3A_507] : memref<10112x32xf32, #tpu.memory_space<vmem_shared>> -> memref<10112x32xf32, #tpu.memory_space<vmem_shared>>
        tpu.wait_indirect_dma semaphore(%arg23 : memref<!tpu.dma_semaphore, #tpu.memory_space<semaphore_mem>>) src(%arg13 : memref<128x32xf32, #tpu.memory_space<vmem>>) dst(%dma_wait3A_508 : memref<10112x32xf32, #tpu.memory_space<vmem_shared>>)
      } else {
      }
      %add3A_495 = arith.constant 2 : i32
      %add3A_496 = arith.addi %add3A_397, %add3A_495 : i32
      %lt3A_497 = arith.constant 80 : i32
      %lt3A_498 = arith.cmpi slt, %add3A_496, %lt3A_497 : i32
      %convert_element_type3A_499 = arith.extui %lt3A_498 : i1 to i32
      %cond3A_500 = arith.constant 0 : i32
      %cond3A_501 = arith.cmpi ne, %convert_element_type3A_499, %cond3A_500 : i32
      scf.if %cond3A_501 {
        %add3A_502 = arith.constant 2 : i32
        %add3A_503 = arith.addi %add3A_397, %add3A_502 : i32
        %mul3A_504 = arith.constant 128 : i32
        %mul3A_505 = arith.muli %add3A_503, %mul3A_504 : i32
        %dma_start3A_506 = tpu.memref_slice %arg8[%mul3A_505] : memref<10240xi32, #tpu.memory_space<vmem>> -> memref<128xi32, #tpu.memory_space<vmem>>
        %dma_start3A_507 = arith.constant 0 : i32
        %dma_start3A_508 = arith.constant 0 : i32
        %dma_start3A_509 = tpu.memref_slice %arg4[%dma_start3A_507, %dma_start3A_508] : memref<10112x32xf32, #tpu.memory_space<hbm>> -> memref<10112x32xf32, #tpu.memory_space<hbm>>
        tpu.enqueue_indirect_dma source(%dma_start3A_509 : memref<10112x32xf32, #tpu.memory_space<hbm>>) target(%arg13 : memref<128x32xf32, #tpu.memory_space<vmem>>) offsets(%dma_start3A_506 : memref<128xi32, #tpu.memory_space<vmem>>) semaphore(%arg19 : memref<!tpu.dma_semaphore, #tpu.memory_space<semaphore_mem>>)
      } else {
      }
    }
    %scan3A_55 = arith.constant 20 : i32
    %dma_wait3A_56 = arith.constant 78 : i32
    %dma_wait3A_57 = arith.constant 0 : i32
    %dma_wait3A_58 = tpu.memref_slice %arg9[%dma_wait3A_56, %dma_wait3A_57] : memref<80x128xi32, #tpu.memory_space<vmem>> -> memref<1x128xi32, #tpu.memory_space<vmem>>
    %dma_wait3A_59 = tpu.memref_squeeze %dma_wait3A_58 : memref<1x128xi32, #tpu.memory_space<vmem>> -> memref<128xi32, #tpu.memory_space<vmem>>
    %dma_wait3A_60 = arith.constant 0 : i32
    %dma_wait3A_61 = arith.constant 0 : i32
    %dma_wait3A_62 = tpu.memref_slice %arg17[%dma_wait3A_60, %dma_wait3A_61] : memref<10112x32xf32, #tpu.memory_space<vmem_shared>> -> memref<10112x32xf32, #tpu.memory_space<vmem_shared>>
    tpu.wait_indirect_dma semaphore(%arg24 : memref<!tpu.dma_semaphore, #tpu.memory_space<semaphore_mem>>) src(%arg14 : memref<128x32xf32, #tpu.memory_space<vmem>>) dst(%dma_wait3A_62 : memref<10112x32xf32, #tpu.memory_space<vmem_shared>>)
    %dma_wait3A_63 = arith.constant 79 : i32
    %dma_wait3A_64 = arith.constant 0 : i32
    %dma_wait3A_65 = tpu.memref_slice %arg9[%dma_wait3A_63, %dma_wait3A_64] : memref<80x128xi32, #tpu.memory_space<vmem>> -> memref<1x128xi32, #tpu.memory_space<vmem>>
    %dma_wait3A_66 = tpu.memref_squeeze %dma_wait3A_65 : memref<1x128xi32, #tpu.memory_space<vmem>> -> memref<128xi32, #tpu.memory_space<vmem>>
    %dma_wait3A_67 = arith.constant 0 : i32
    %dma_wait3A_68 = arith.constant 0 : i32
    %dma_wait3A_69 = tpu.memref_slice %arg17[%dma_wait3A_67, %dma_wait3A_68] : memref<10112x32xf32, #tpu.memory_space<vmem_shared>> -> memref<10112x32xf32, #tpu.memory_space<vmem_shared>>
    tpu.wait_indirect_dma semaphore(%arg25 : memref<!tpu.dma_semaphore, #tpu.memory_space<semaphore_mem>>) src(%arg15 : memref<128x32xf32, #tpu.memory_space<vmem>>) dst(%dma_wait3A_69 : memref<10112x32xf32, #tpu.memory_space<vmem_shared>>)
    %barrier3A_70 = arith.constant 0 : index
    tpu.barrier barrier_id(%barrier3A_70)
    %mul3A_71 = arith.constant 632 : i32
    %mul3A_72 = arith.muli %arg1, %mul3A_71 : i32
    "tpu.region"() ({
      %run_scoped3A = tpu.sem_alloc : memref<!tpu.dma_semaphore, #tpu.memory_space<semaphore_mem>>
      %dma_start3A_75 = arith.constant 0 : i32
      %dma_start3A_76 = tpu.memref_slice %arg17[%mul3A_72, %dma_start3A_75] : memref<10112x32xf32, #tpu.memory_space<vmem_shared>> -> memref<632x32xf32, #tpu.memory_space<vmem_shared>>
      %dma_start3A_77 = arith.constant 0 : i32
      %dma_start3A_78 = tpu.memref_slice %arg17[%mul3A_72, %dma_start3A_77] : memref<10112x32xf32, #tpu.memory_space<vmem_shared>> -> memref<632x32xf32, #tpu.memory_space<vmem_shared>>
      tpu.enqueue_dma source(%dma_start3A_78 : memref<632x32xf32, #tpu.memory_space<vmem_shared>>) target(%arg16 : memref<632x32xf32, #tpu.memory_space<vmem>>) target_semaphore(%run_scoped3A : memref<!tpu.dma_semaphore, #tpu.memory_space<semaphore_mem>>)
      %dma_wait3A_79 = arith.constant 0 : i32
      %dma_wait3A_80 = tpu.memref_slice %arg17[%mul3A_72, %dma_wait3A_79] : memref<10112x32xf32, #tpu.memory_space<vmem_shared>> -> memref<632x32xf32, #tpu.memory_space<vmem_shared>>
      %dma_wait3A_81 = arith.constant 0 : i32
      %dma_wait3A_82 = tpu.memref_slice %arg17[%mul3A_72, %dma_wait3A_81] : memref<10112x32xf32, #tpu.memory_space<vmem_shared>> -> memref<632x32xf32, #tpu.memory_space<vmem_shared>>
      tpu.wait_dma2 semaphore(%run_scoped3A : memref<!tpu.dma_semaphore, #tpu.memory_space<semaphore_mem>>) src(%dma_wait3A_82 : memref<632x32xf32, #tpu.memory_space<vmem_shared>>) dst(%arg16 : memref<632x32xf32, #tpu.memory_space<vmem>>)
      tpu.yield
    }) : () -> ()
    %mul3A_73 = arith.constant 632 : i32
    %mul3A_74 = arith.muli %arg1, %mul3A_73 : i32
    "tpu.region"() ({
      %run_scoped3A = tpu.sem_alloc : memref<!tpu.dma_semaphore, #tpu.memory_space<semaphore_mem>>
      %dma_start3A_75 = arith.constant 0 : i32
      %dma_start3A_76 = tpu.memref_slice %arg6[%arg0, %mul3A_74, %dma_start3A_75] : memref<2x10112x32xf32, #tpu.memory_space<hbm>> -> memref<1x632x32xf32, #tpu.memory_space<hbm>>
      %dma_start3A_77 = tpu.memref_squeeze %dma_start3A_76 : memref<1x632x32xf32, #tpu.memory_space<hbm>> -> memref<632x32xf32, #tpu.memory_space<hbm>>
      %dma_start3A_78 = arith.constant 0 : i32
      %dma_start3A_79 = tpu.memref_slice %arg6[%arg0, %mul3A_74, %dma_start3A_78] : memref<2x10112x32xf32, #tpu.memory_space<hbm>> -> memref<1x632x32xf32, #tpu.memory_space<hbm>>
      %dma_start3A_80 = tpu.memref_squeeze %dma_start3A_79 : memref<1x632x32xf32, #tpu.memory_space<hbm>> -> memref<632x32xf32, #tpu.memory_space<hbm>>
      tpu.enqueue_dma source(%arg16 : memref<632x32xf32, #tpu.memory_space<vmem>>) target(%dma_start3A_80 : memref<632x32xf32, #tpu.memory_space<hbm>>) target_semaphore(%run_scoped3A : memref<!tpu.dma_semaphore, #tpu.memory_space<semaphore_mem>>)
      %dma_wait3A_81 = arith.constant 0 : i32
      %dma_wait3A_82 = tpu.memref_slice %arg6[%arg0, %mul3A_74, %dma_wait3A_81] : memref<2x10112x32xf32, #tpu.memory_space<hbm>> -> memref<1x632x32xf32, #tpu.memory_space<hbm>>
      %dma_wait3A_83 = tpu.memref_squeeze %dma_wait3A_82 : memref<1x632x32xf32, #tpu.memory_space<hbm>> -> memref<632x32xf32, #tpu.memory_space<hbm>>
      %dma_wait3A_84 = arith.constant 0 : i32
      %dma_wait3A_85 = tpu.memref_slice %arg6[%arg0, %mul3A_74, %dma_wait3A_84] : memref<2x10112x32xf32, #tpu.memory_space<hbm>> -> memref<1x632x32xf32, #tpu.memory_space<hbm>>
      %dma_wait3A_86 = tpu.memref_squeeze %dma_wait3A_85 : memref<1x632x32xf32, #tpu.memory_space<hbm>> -> memref<632x32xf32, #tpu.memory_space<hbm>>
      tpu.wait_dma2 semaphore(%run_scoped3A : memref<!tpu.dma_semaphore, #tpu.memory_space<semaphore_mem>>) src(%arg16 : memref<632x32xf32, #tpu.memory_space<vmem>>) dst(%dma_wait3A_86 : memref<632x32xf32, #tpu.memory_space<hbm>>)
      tpu.yield
    }) : () -> ()
    "tpu.region"() ({
      %run_scoped3A = tpu.sem_alloc : memref<!tpu.dma_semaphore, #tpu.memory_space<semaphore_mem>>
      %dma_start3A_75 = arith.constant 0 : i32
      %dma_start3A_76 = tpu.memref_slice %arg7[%add3A, %dma_start3A_75] : memref<32x10112xf32, #tpu.memory_space<hbm>> -> memref<1x10112xf32, #tpu.memory_space<hbm>>
      %dma_start3A_77 = tpu.memref_squeeze %dma_start3A_76 : memref<1x10112xf32, #tpu.memory_space<hbm>> -> memref<10112xf32, #tpu.memory_space<hbm>>
      %dma_start3A_78 = arith.constant 0 : i32
      %dma_start3A_79 = tpu.memref_slice %arg7[%add3A, %dma_start3A_78] : memref<32x10112xf32, #tpu.memory_space<hbm>> -> memref<1x10112xf32, #tpu.memory_space<hbm>>
      %dma_start3A_80 = tpu.memref_squeeze %dma_start3A_79 : memref<1x10112xf32, #tpu.memory_space<hbm>> -> memref<10112xf32, #tpu.memory_space<hbm>>
      tpu.enqueue_dma source(%arg11 : memref<10112xf32, #tpu.memory_space<vmem>>) target(%dma_start3A_80 : memref<10112xf32, #tpu.memory_space<hbm>>) target_semaphore(%run_scoped3A : memref<!tpu.dma_semaphore, #tpu.memory_space<semaphore_mem>>)
      %dma_wait3A_81 = arith.constant 0 : i32
      %dma_wait3A_82 = tpu.memref_slice %arg7[%add3A, %dma_wait3A_81] : memref<32x10112xf32, #tpu.memory_space<hbm>> -> memref<1x10112xf32, #tpu.memory_space<hbm>>
      %dma_wait3A_83 = tpu.memref_squeeze %dma_wait3A_82 : memref<1x10112xf32, #tpu.memory_space<hbm>> -> memref<10112xf32, #tpu.memory_space<hbm>>
      %dma_wait3A_84 = arith.constant 0 : i32
      %dma_wait3A_85 = tpu.memref_slice %arg7[%add3A, %dma_wait3A_84] : memref<32x10112xf32, #tpu.memory_space<hbm>> -> memref<1x10112xf32, #tpu.memory_space<hbm>>
      %dma_wait3A_86 = tpu.memref_squeeze %dma_wait3A_85 : memref<1x10112xf32, #tpu.memory_space<hbm>> -> memref<10112xf32, #tpu.memory_space<hbm>>
      tpu.wait_dma2 semaphore(%run_scoped3A : memref<!tpu.dma_semaphore, #tpu.memory_space<semaphore_mem>>) src(%arg11 : memref<10112xf32, #tpu.memory_space<vmem>>) dst(%dma_wait3A_86 : memref<10112xf32, #tpu.memory_space<hbm>>)
      tpu.yield
    }) : () -> ()
    return
  }
}

module attributes {stable_mosaic.version = 14 : i64} {
  func.func @_t2_body(%arg0: memref<10000x128xf32, #tpu.memory_space<vmem>>, %arg1: memref<128x32xf32, #tpu.memory_space<vmem>>, %arg2: memref<32x10112xf32, #tpu.memory_space<vmem>>, %arg3: memref<1024x128xf32, #tpu.memory_space<vmem>>, %arg4: memref<128x32xf32, #tpu.memory_space<vmem>>, %arg5: memref<1x32xf32, #tpu.memory_space<vmem>>, %arg6: memref<32x10000xi32, #tpu.memory_space<vmem>>, %arg7: memref<32x10000xi32, #tpu.memory_space<vmem>>, %arg8: memref<10112x32xf32, #tpu.memory_space<vmem>>, %arg9: memref<10112x1xf32, #tpu.memory_space<vmem>>, %arg10: memref<1024x32xf32, #tpu.memory_space<vmem>>, %arg11: memref<32x10240xi32, #tpu.memory_space<vmem>>, %arg12: memref<32x10240xi32, #tpu.memory_space<vmem>>) attributes {dimension_semantics = [], scalar_prefetch = 0 : i64, scratch_operands = 0 : i64, tpu.core_type = #tpu.core_type<tc>} {
    %broadcast_in_dim3A = arith.constant 1.000000e+00 : f32
    %broadcast_in_dim3A_0 = vector.broadcast %broadcast_in_dim3A : f32 to vector<32x1xf32>
    %get3A = arith.constant 0 : index
    %get3A_1 = arith.constant 0 : index
    %get3A_2 = vector.load %arg2[%get3A, %get3A_1] : memref<32x10112xf32, #tpu.memory_space<vmem>>, vector<32x10112xf32>
    %dot_general3A = arith.constant dense<0.000000e+00> : vector<10112x1xf32>
    %dot_general3A_3 = tpu.matmul %get3A_2, %broadcast_in_dim3A_0, %dot_general3A {dimension_numbers = #tpu.dot_dimension_numbers<[0], [0], [1], [1], [0, 1, 1, 1], [], []>, transpose_lhs_hint = false} : vector<32x10112xf32>, vector<32x1xf32>, vector<10112x1xf32> -> vector<10112x1xf32>
    %add3A = arith.constant 1.000000e+00 : f32
    %add3A_4 = vector.broadcast %add3A : f32 to vector<10112x1xf32>
    %add3A_5 = arith.addf %dot_general3A_3, %add3A_4 : vector<10112x1xf32>
    %rsqrt3A = math.rsqrt %add3A_5 : vector<10112x1xf32>
    %swap3A = arith.constant 0 : index
    %swap3A_6 = arith.constant 0 : index
    %swap3A_7 = vector.load %arg9[%swap3A, %swap3A_6] : memref<10112x1xf32, #tpu.memory_space<vmem>>, vector<10112x1xf32>
    tpu.vector_store %arg9[%swap3A, %swap3A_6], %rsqrt3A {strides = array<i32>} : memref<10112x1xf32, #tpu.memory_space<vmem>>, vector<10112x1xf32>,
    %get3A_8 = arith.constant 0 : index
    %get3A_9 = arith.constant 0 : index
    %get3A_10 = vector.load %arg0[%get3A_8, %get3A_9] : memref<10000x128xf32, #tpu.memory_space<vmem>>, vector<10000x128xf32>
    %get3A_11 = arith.constant 0 : index
    %get3A_12 = arith.constant 0 : index
    %get3A_13 = vector.load %arg1[%get3A_11, %get3A_12] : memref<128x32xf32, #tpu.memory_space<vmem>>, vector<128x32xf32>
    %dot_general3A_14 = arith.constant dense<0.000000e+00> : vector<10000x32xf32>
    %dot_general3A_15 = tpu.matmul %get3A_10, %get3A_13, %dot_general3A_14 {dimension_numbers = #tpu.dot_dimension_numbers<[1], [0], [0], [1], [0, 0, 1, 1], [], []>, transpose_lhs_hint = false} : vector<10000x128xf32>, vector<128x32xf32>, vector<10000x32xf32> -> vector<10000x32xf32>
    %slice3A = vector.extract_strided_slice %rsqrt3A {offsets = [0, 0], sizes = [10000, 1], strides = [1, 1]} : vector<10112x1xf32> to vector<10000x1xf32>
    %mul3A = vector.broadcast %slice3A : vector<10000x1xf32> to vector<10000x32xf32>
    %mul3A_16 = arith.mulf %dot_general3A_15, %mul3A : vector<10000x32xf32>
    %swap3A_17 = arith.constant 0 : index
    %swap3A_18 = arith.constant 0 : index
    %swap3A_19 = vector.load %arg8[%swap3A_17, %swap3A_18] : memref<10112x32xf32, #tpu.memory_space<vmem>>, vector<10000x32xf32>
    tpu.vector_store %arg8[%swap3A_17, %swap3A_18], %mul3A_16 {strides = array<i32>} : memref<10112x32xf32, #tpu.memory_space<vmem>>, vector<10000x32xf32>,
    %broadcast_in_dim3A_20 = arith.constant 0.000000e+00 : f32
    %broadcast_in_dim3A_21 = vector.broadcast %broadcast_in_dim3A_20 : f32 to vector<112x32xf32>
    %swap3A_22 = arith.constant 10000 : index
    %swap3A_23 = arith.constant 0 : index
    %swap3A_24 = vector.load %arg8[%swap3A_22, %swap3A_23] : memref<10112x32xf32, #tpu.memory_space<vmem>>, vector<112x32xf32>
    tpu.vector_store %arg8[%swap3A_22, %swap3A_23], %broadcast_in_dim3A_21 {strides = array<i32>} : memref<10112x32xf32, #tpu.memory_space<vmem>>, vector<112x32xf32>,
    %get3A_25 = arith.constant 0 : index
    %get3A_26 = arith.constant 0 : index
    %get3A_27 = vector.load %arg3[%get3A_25, %get3A_26] : memref<1024x128xf32, #tpu.memory_space<vmem>>, vector<1024x128xf32>
    %get3A_28 = arith.constant 0 : index
    %get3A_29 = arith.constant 0 : index
    %get3A_30 = vector.load %arg4[%get3A_28, %get3A_29] : memref<128x32xf32, #tpu.memory_space<vmem>>, vector<128x32xf32>
    %dot_general3A_31 = arith.constant dense<0.000000e+00> : vector<1024x32xf32>
    %dot_general3A_32 = tpu.matmul %get3A_27, %get3A_30, %dot_general3A_31 {dimension_numbers = #tpu.dot_dimension_numbers<[1], [0], [0], [1], [0, 0, 1, 1], [], []>, transpose_lhs_hint = false} : vector<1024x128xf32>, vector<128x32xf32>, vector<1024x32xf32> -> vector<1024x32xf32>
    %get3A_33 = arith.constant 0 : index
    %get3A_34 = arith.constant 0 : index
    %get3A_35 = vector.load %arg5[%get3A_33, %get3A_34] : memref<1x32xf32, #tpu.memory_space<vmem>>, vector<1x32xf32>
    %add3A_36 = vector.broadcast %get3A_35 : vector<1x32xf32> to vector<1024x32xf32>
    %add3A_37 = arith.addf %dot_general3A_32, %add3A_36 : vector<1024x32xf32>
    %max3A = arith.constant 0.000000e+00 : f32
    %max3A_38 = vector.broadcast %max3A : f32 to vector<1024x32xf32>
    %max3A_39 = arith.maximumf %add3A_37, %max3A_38 : vector<1024x32xf32>
    %swap3A_40 = arith.constant 0 : index
    %swap3A_41 = arith.constant 0 : index
    %swap3A_42 = vector.load %arg10[%swap3A_40, %swap3A_41] : memref<1024x32xf32, #tpu.memory_space<vmem>>, vector<1024x32xf32>
    tpu.vector_store %arg10[%swap3A_40, %swap3A_41], %max3A_39 {strides = array<i32>} : memref<1024x32xf32, #tpu.memory_space<vmem>>, vector<1024x32xf32>,
    %broadcast_in_dim3A_43 = arith.constant 10000 : i32
    %broadcast_in_dim3A_44 = vector.broadcast %broadcast_in_dim3A_43 : i32 to vector<32x240xi32>
    %get3A_45 = arith.constant 0 : index
    %get3A_46 = arith.constant 0 : index
    %get3A_47 = vector.load %arg6[%get3A_45, %get3A_46] : memref<32x10000xi32, #tpu.memory_space<vmem>>, vector<32x10000xi32>
    %swap3A_48 = arith.constant 0 : index
    %swap3A_49 = arith.constant 0 : index
    %swap3A_50 = vector.load %arg11[%swap3A_48, %swap3A_49] : memref<32x10240xi32, #tpu.memory_space<vmem>>, vector<32x10000xi32>
    tpu.vector_store %arg11[%swap3A_48, %swap3A_49], %get3A_47 {strides = array<i32>} : memref<32x10240xi32, #tpu.memory_space<vmem>>, vector<32x10000xi32>,
    %swap3A_51 = arith.constant 0 : index
    %swap3A_52 = arith.constant 10000 : index
    %swap3A_53 = vector.load %arg11[%swap3A_51, %swap3A_52] : memref<32x10240xi32, #tpu.memory_space<vmem>>, vector<32x240xi32>
    tpu.vector_store %arg11[%swap3A_51, %swap3A_52], %broadcast_in_dim3A_44 {strides = array<i32>} : memref<32x10240xi32, #tpu.memory_space<vmem>>, vector<32x240xi32>,
    %get3A_54 = arith.constant 0 : index
    %get3A_55 = arith.constant 0 : index
    %get3A_56 = vector.load %arg7[%get3A_54, %get3A_55] : memref<32x10000xi32, #tpu.memory_space<vmem>>, vector<32x10000xi32>
    %swap3A_57 = arith.constant 0 : index
    %swap3A_58 = arith.constant 0 : index
    %swap3A_59 = vector.load %arg12[%swap3A_57, %swap3A_58] : memref<32x10240xi32, #tpu.memory_space<vmem>>, vector<32x10000xi32>
    tpu.vector_store %arg12[%swap3A_57, %swap3A_58], %get3A_56 {strides = array<i32>} : memref<32x10240xi32, #tpu.memory_space<vmem>>, vector<32x10000xi32>,
    %swap3A_60 = arith.constant 0 : index
    %swap3A_61 = arith.constant 10000 : index
    %swap3A_62 = vector.load %arg12[%swap3A_60, %swap3A_61] : memref<32x10240xi32, #tpu.memory_space<vmem>>, vector<32x240xi32>
    tpu.vector_store %arg12[%swap3A_60, %swap3A_61], %broadcast_in_dim3A_44 {strides = array<i32>} : memref<32x10240xi32, #tpu.memory_space<vmem>>, vector<32x240xi32>,
    return
  }
}

module attributes {stable_mosaic.version = 14 : i64} {
  func.func @_tgru_body(%arg0: memref<1024x50x32xf32, #tpu.memory_space<vmem>>, %arg1: memref<96x32xf32, #tpu.memory_space<vmem>>, %arg2: memref<96x32xf32, #tpu.memory_space<vmem>>, %arg3: memref<1x96xf32, #tpu.memory_space<vmem>>, %arg4: memref<1x96xf32, #tpu.memory_space<vmem>>, %arg5: memref<1024x32xf32, #tpu.memory_space<vmem>>) attributes {dimension_semantics = [], scalar_prefetch = 0 : i64, scratch_operands = 0 : i64, tpu.core_type = #tpu.core_type<tc>} {
    %get3A = arith.constant 0 : index
    %get3A_0 = arith.constant 0 : index
    %get3A_1 = vector.load %arg1[%get3A, %get3A_0] : memref<96x32xf32, #tpu.memory_space<vmem>>, vector<96x32xf32>
    %get3A_2 = arith.constant 0 : index
    %get3A_3 = arith.constant 0 : index
    %get3A_4 = vector.load %arg2[%get3A_2, %get3A_3] : memref<96x32xf32, #tpu.memory_space<vmem>>, vector<96x32xf32>
    %get3A_5 = arith.constant 0 : index
    %get3A_6 = arith.constant 0 : index
    %get3A_7 = vector.load %arg3[%get3A_5, %get3A_6] : memref<1x96xf32, #tpu.memory_space<vmem>>, vector<1x96xf32>
    %get3A_8 = arith.constant 0 : index
    %get3A_9 = arith.constant 0 : index
    %get3A_10 = vector.load %arg4[%get3A_8, %get3A_9] : memref<1x96xf32, #tpu.memory_space<vmem>>, vector<1x96xf32>
    %broadcast_in_dim3A = arith.constant 0.000000e+00 : f32
    %broadcast_in_dim3A_11 = vector.broadcast %broadcast_in_dim3A : f32 to vector<1024x32xf32>
    %scan3A = arith.constant 0 : i32
    %scan3A_12 = arith.constant 50 : i32
    %scan3A_13 = arith.addi %scan3A, %scan3A_12 : i32
    %scan3A_14 = arith.constant 1 : i32
    %scan3A_15 = scf.for %scan3A_19 = %scan3A to %scan3A_13 step %scan3A_14 iter_args(%scan3A_20 = %broadcast_in_dim3A_11) -> (vector<1024x32xf32>)  : i32 {
      %get3A_21 = arith.constant 0 : index
      %get3A_22 = arith.index_cast %scan3A_19 : i32 to index
      %get3A_23 = arith.constant 0 : index
      %get3A_24 = vector.load %arg0[%get3A_21, %get3A_22, %get3A_23] : memref<1024x50x32xf32, #tpu.memory_space<vmem>>, vector<1024x1x32xf32>
      %get3A_25 = vector.shape_cast %get3A_24 : vector<1024x1x32xf32> to vector<1024x32xf32>
      %dot_general3A = arith.constant dense<0.000000e+00> : vector<1024x96xf32>
      %dot_general3A_26 = tpu.matmul %get3A_25, %get3A_1, %dot_general3A {dimension_numbers = #tpu.dot_dimension_numbers<[1], [1], [0], [0], [0, 0, 1, 0], [], []>, transpose_lhs_hint = false} : vector<1024x32xf32>, vector<96x32xf32>, vector<1024x96xf32> -> vector<1024x96xf32>
      %add3A = vector.broadcast %get3A_7 : vector<1x96xf32> to vector<1024x96xf32>
      %add3A_27 = arith.addf %dot_general3A_26, %add3A : vector<1024x96xf32>
      %dot_general3A_28 = arith.constant dense<0.000000e+00> : vector<1024x96xf32>
      %dot_general3A_29 = tpu.matmul %scan3A_20, %get3A_4, %dot_general3A_28 {dimension_numbers = #tpu.dot_dimension_numbers<[1], [1], [0], [0], [0, 0, 1, 0], [], []>, transpose_lhs_hint = false} : vector<1024x32xf32>, vector<96x32xf32>, vector<1024x96xf32> -> vector<1024x96xf32>
      %add3A_30 = vector.broadcast %get3A_10 : vector<1x96xf32> to vector<1024x96xf32>
      %add3A_31 = arith.addf %dot_general3A_29, %add3A_30 : vector<1024x96xf32>
      %slice3A = vector.extract_strided_slice %add3A_27 {offsets = [0, 0], sizes = [1024, 32], strides = [1, 1]} : vector<1024x96xf32> to vector<1024x32xf32>
      %slice3A_32 = vector.extract_strided_slice %add3A_31 {offsets = [0, 0], sizes = [1024, 32], strides = [1, 1]} : vector<1024x96xf32> to vector<1024x32xf32>
      %add3A_33 = arith.addf %slice3A, %slice3A_32 : vector<1024x32xf32>
      %logistic3A = arith.negf %add3A_33 : vector<1024x32xf32>
      %logistic3A_34 = math.exp %logistic3A : vector<1024x32xf32>
      %logistic3A_35 = arith.constant 1.000000e+00 : f32
      %logistic3A_36 = vector.broadcast %logistic3A_35 : f32 to vector<1024x32xf32>
      %logistic3A_37 = arith.addf %logistic3A_36, %logistic3A_34 : vector<1024x32xf32>
      %logistic3A_38 = arith.divf %logistic3A_36, %logistic3A_37 : vector<1024x32xf32>
      %slice3A_39 = vector.extract_strided_slice %add3A_27 {offsets = [0, 32], sizes = [1024, 32], strides = [1, 1]} : vector<1024x96xf32> to vector<1024x32xf32>
      %slice3A_40 = vector.extract_strided_slice %add3A_31 {offsets = [0, 32], sizes = [1024, 32], strides = [1, 1]} : vector<1024x96xf32> to vector<1024x32xf32>
      %add3A_41 = arith.addf %slice3A_39, %slice3A_40 : vector<1024x32xf32>
      %logistic3A_42 = arith.negf %add3A_41 : vector<1024x32xf32>
      %logistic3A_43 = math.exp %logistic3A_42 : vector<1024x32xf32>
      %logistic3A_44 = arith.constant 1.000000e+00 : f32
      %logistic3A_45 = vector.broadcast %logistic3A_44 : f32 to vector<1024x32xf32>
      %logistic3A_46 = arith.addf %logistic3A_45, %logistic3A_43 : vector<1024x32xf32>
      %logistic3A_47 = arith.divf %logistic3A_45, %logistic3A_46 : vector<1024x32xf32>
      %slice3A_48 = vector.extract_strided_slice %add3A_27 {offsets = [0, 64], sizes = [1024, 32], strides = [1, 1]} : vector<1024x96xf32> to vector<1024x32xf32>
      %slice3A_49 = vector.extract_strided_slice %add3A_31 {offsets = [0, 64], sizes = [1024, 32], strides = [1, 1]} : vector<1024x96xf32> to vector<1024x32xf32>
      %mul3A = arith.mulf %logistic3A_38, %slice3A_49 : vector<1024x32xf32>
      %add3A_50 = arith.addf %slice3A_48, %mul3A : vector<1024x32xf32>
      %tanh3A = math.tanh %add3A_50 : vector<1024x32xf32>
      %sub3A = arith.constant 1.000000e+00 : f32
      %sub3A_51 = vector.broadcast %sub3A : f32 to vector<1024x32xf32>
      %sub3A_52 = arith.subf %sub3A_51, %logistic3A_47 : vector<1024x32xf32>
      %mul3A_53 = arith.mulf %sub3A_52, %tanh3A : vector<1024x32xf32>
      %mul3A_54 = arith.mulf %logistic3A_47, %scan3A_20 : vector<1024x32xf32>
      %add3A_55 = arith.addf %mul3A_53, %mul3A_54 : vector<1024x32xf32>
      scf.yield %add3A_55 : vector<1024x32xf32>
    }
    %scan3A_16 = arith.constant 50 : i32
    %swap3A = arith.constant 0 : index
    %swap3A_17 = arith.constant 0 : index
    %swap3A_18 = vector.load %arg5[%swap3A, %swap3A_17] : memref<1024x32xf32, #tpu.memory_space<vmem>>, vector<1024x32xf32>
    tpu.vector_store %arg5[%swap3A, %swap3A_17], %scan3A_15 {strides = array<i32>} : memref<1024x32xf32, #tpu.memory_space<vmem>>, vector<1024x32xf32>,
    return
  }
}

module attributes {stable_mosaic.version = 14 : i64} {
  func.func @_t5_body(%arg0: memref<2x10112x32xf32, #tpu.memory_space<vmem>>, %arg1: memref<32x10112xf32, #tpu.memory_space<vmem>>, %arg2: memref<10112x32xf32, #tpu.memory_space<vmem>>, %arg3: memref<10112x1xf32, #tpu.memory_space<vmem>>, %arg4: memref<32x10112xf32, #tpu.memory_space<vmem>>, %arg5: memref<1x32xf32, #tpu.memory_space<vmem>>, %arg6: memref<32x32xf32, #tpu.memory_space<vmem>>, %arg7: memref<1x32xf32, #tpu.memory_space<vmem>>, %arg8: memref<1024x32xf32, #tpu.memory_space<vmem>>, %arg9: memref<1024x32xf32, #tpu.memory_space<vmem>>, %arg10: memref<96x32xf32, #tpu.memory_space<vmem>>, %arg11: memref<1x32xf32, #tpu.memory_space<vmem>>, %arg12: memref<32x2xf32, #tpu.memory_space<vmem>>, %arg13: memref<1x2xf32, #tpu.memory_space<vmem>>, %arg14: memref<1024x2xf32, #tpu.memory_space<vmem>>, %arg15: memref<1024x32xf32, #tpu.memory_space<vmem>>) attributes {dimension_semantics = [], scalar_prefetch = 0 : i64, scratch_operands = 0 : i64, tpu.core_type = #tpu.core_type<tc>} {
    %get3A = arith.constant 0 : index
    %get3A_0 = arith.constant 0 : index
    %get3A_1 = arith.constant 0 : index
    %get3A_2 = vector.load %arg0[%get3A, %get3A_0, %get3A_1] : memref<2x10112x32xf32, #tpu.memory_space<vmem>>, vector<1x10112x32xf32>
    %get3A_3 = vector.shape_cast %get3A_2 : vector<1x10112x32xf32> to vector<10112x32xf32>
    %get3A_4 = arith.constant 1 : index
    %get3A_5 = arith.constant 0 : index
    %get3A_6 = arith.constant 0 : index
    %get3A_7 = vector.load %arg0[%get3A_4, %get3A_5, %get3A_6] : memref<2x10112x32xf32, #tpu.memory_space<vmem>>, vector<1x10112x32xf32>
    %get3A_8 = vector.shape_cast %get3A_7 : vector<1x10112x32xf32> to vector<10112x32xf32>
    %add3A = arith.addf %get3A_3, %get3A_8 : vector<10112x32xf32>
    %get3A_9 = arith.constant 0 : index
    %get3A_10 = arith.constant 0 : index
    %get3A_11 = vector.load %arg3[%get3A_9, %get3A_10] : memref<10112x1xf32, #tpu.memory_space<vmem>>, vector<10112x1xf32>
    %get3A_12 = arith.constant 0 : index
    %get3A_13 = arith.constant 0 : index
    %get3A_14 = vector.load %arg2[%get3A_12, %get3A_13] : memref<10112x32xf32, #tpu.memory_space<vmem>>, vector<10112x32xf32>
    %add3A_15 = arith.addf %add3A, %get3A_14 : vector<10112x32xf32>
    %mul3A = vector.broadcast %get3A_11 : vector<10112x1xf32> to vector<10112x32xf32>
    %mul3A_16 = arith.mulf %mul3A, %add3A_15 : vector<10112x32xf32>
    %get3A_17 = arith.constant 0 : index
    %get3A_18 = arith.constant 0 : index
    %get3A_19 = vector.load %arg5[%get3A_17, %get3A_18] : memref<1x32xf32, #tpu.memory_space<vmem>>, vector<1x32xf32>
    %add3A_20 = vector.broadcast %get3A_19 : vector<1x32xf32> to vector<10112x32xf32>
    %add3A_21 = arith.addf %mul3A_16, %add3A_20 : vector<10112x32xf32>
    %max3A = arith.constant 0.000000e+00 : f32
    %max3A_22 = vector.broadcast %max3A : f32 to vector<10112x32xf32>
    %max3A_23 = arith.maximumf %add3A_21, %max3A_22 : vector<10112x32xf32>
    %broadcast_in_dim3A = arith.constant 1.000000e+00 : f32
    %broadcast_in_dim3A_24 = vector.broadcast %broadcast_in_dim3A : f32 to vector<1x32xf32>
    %get3A_25 = arith.constant 0 : index
    %get3A_26 = arith.constant 0 : index
    %get3A_27 = vector.load %arg4[%get3A_25, %get3A_26] : memref<32x10112xf32, #tpu.memory_space<vmem>>, vector<32x10112xf32>
    %dot_general3A = arith.constant dense<0.000000e+00> : vector<1x10112xf32>
    %dot_general3A_28 = tpu.matmul %broadcast_in_dim3A_24, %get3A_27, %dot_general3A {dimension_numbers = #tpu.dot_dimension_numbers<[1], [0], [0], [1], [0, 0, 1, 1], [], []>, transpose_lhs_hint = false} : vector<1x32xf32>, vector<32x10112xf32>, vector<1x10112xf32> -> vector<1x10112xf32>
    %add3A_29 = arith.constant 1.000000e+00 : f32
    %add3A_30 = vector.broadcast %add3A_29 : f32 to vector<1x10112xf32>
    %add3A_31 = arith.addf %dot_general3A_28, %add3A_30 : vector<1x10112xf32>
    %rsqrt3A = math.rsqrt %add3A_31 : vector<1x10112xf32>
    %get3A_32 = arith.constant 0 : index
    %get3A_33 = arith.constant 0 : index
    %get3A_34 = vector.load %arg1[%get3A_32, %get3A_33] : memref<32x10112xf32, #tpu.memory_space<vmem>>, vector<32x10112xf32>
    %dot_general3A_35 = arith.constant dense<0.000000e+00> : vector<1x10112xf32>
    %dot_general3A_36 = tpu.matmul %broadcast_in_dim3A_24, %get3A_34, %dot_general3A_35 {dimension_numbers = #tpu.dot_dimension_numbers<[1], [0], [0], [1], [0, 0, 1, 1], [], []>, transpose_lhs_hint = false} : vector<1x32xf32>, vector<32x10112xf32>, vector<1x10112xf32> -> vector<1x10112xf32>
    %add3A_37 = arith.addf %dot_general3A_36, %rsqrt3A : vector<1x10112xf32>
    %iota3A = tpu.iota {dimensions = array<i32: 1>} : vector<1x10112xi32>
    %lt3A = arith.constant 10000 : i32
    %lt3A_38 = vector.broadcast %lt3A : i32 to vector<1x10112xi32>
    %lt3A_39 = arith.cmpi slt, %iota3A, %lt3A_38 : vector<1x10112xi32>
    %mul3A_40 = arith.mulf %rsqrt3A, %add3A_37 : vector<1x10112xf32>
    %jit3A = arith.constant 0.000000e+00 : f32
    %broadcast_in_dim3A_41 = vector.broadcast %jit3A : f32 to vector<1x10112xf32>
    %select_n3A = arith.select %lt3A_39, %mul3A_40, %broadcast_in_dim3A_41 : vector<1x10112xi1>, vector<1x10112xf32>
    %dot_general3A_42 = arith.constant dense<0.000000e+00> : vector<1x32xf32>
    %dot_general3A_43 = tpu.matmul %select_n3A, %max3A_23, %dot_general3A_42 {dimension_numbers = #tpu.dot_dimension_numbers<[1], [0], [0], [1], [0, 0, 1, 1], [], []>, transpose_lhs_hint = false} : vector<1x10112xf32>, vector<10112x32xf32>, vector<1x32xf32> -> vector<1x32xf32>
    %get3A_44 = arith.constant 0 : index
    %get3A_45 = arith.constant 0 : index
    %get3A_46 = vector.load %arg6[%get3A_44, %get3A_45] : memref<32x32xf32, #tpu.memory_space<vmem>>, vector<32x32xf32>
    %dot_general3A_47 = arith.constant dense<0.000000e+00> : vector<1x32xf32>
    %dot_general3A_48 = tpu.matmul %dot_general3A_43, %get3A_46, %dot_general3A_47 {dimension_numbers = #tpu.dot_dimension_numbers<[1], [0], [0], [1], [0, 0, 1, 1], [], []>, transpose_lhs_hint = false} : vector<1x32xf32>, vector<32x32xf32>, vector<1x32xf32> -> vector<1x32xf32>
    %mul3A_49 = arith.constant 9.99999974E-5 : f32
    %mul3A_50 = vector.broadcast %mul3A_49 : f32 to vector<1x32xf32>
    %mul3A_51 = arith.mulf %dot_general3A_48, %mul3A_50 : vector<1x32xf32>
    %get3A_52 = arith.constant 0 : index
    %get3A_53 = arith.constant 0 : index
    %get3A_54 = vector.load %arg7[%get3A_52, %get3A_53] : memref<1x32xf32, #tpu.memory_space<vmem>>, vector<1x32xf32>
    %add3A_55 = arith.addf %mul3A_51, %get3A_54 : vector<1x32xf32>
    %get3A_56 = arith.constant 0 : index
    %get3A_57 = arith.constant 0 : index
    %get3A_58 = vector.load %arg10[%get3A_56, %get3A_57] : memref<96x32xf32, #tpu.memory_space<vmem>>, vector<96x32xf32>
    %get3A_59 = arith.constant 0 : index
    %get3A_60 = arith.constant 0 : index
    %get3A_61 = vector.load %arg8[%get3A_59, %get3A_60] : memref<1024x32xf32, #tpu.memory_space<vmem>>, vector<1024x32xf32>
    %slice3A = vector.extract_strided_slice %get3A_58 {offsets = [0, 0], sizes = [32, 32], strides = [1, 1]} : vector<96x32xf32> to vector<32x32xf32>
    %dot_general3A_62 = arith.constant dense<0.000000e+00> : vector<1024x32xf32>
    %dot_general3A_63 = tpu.matmul %get3A_61, %slice3A, %dot_general3A_62 {dimension_numbers = #tpu.dot_dimension_numbers<[1], [0], [0], [1], [0, 0, 1, 1], [], []>, transpose_lhs_hint = false} : vector<1024x32xf32>, vector<32x32xf32>, vector<1024x32xf32> -> vector<1024x32xf32>
    %slice3A_64 = vector.extract_strided_slice %get3A_58 {offsets = [32, 0], sizes = [32, 32], strides = [1, 1]} : vector<96x32xf32> to vector<32x32xf32>
    %dot_general3A_65 = arith.constant dense<0.000000e+00> : vector<1x32xf32>
    %dot_general3A_66 = tpu.matmul %add3A_55, %slice3A_64, %dot_general3A_65 {dimension_numbers = #tpu.dot_dimension_numbers<[1], [0], [0], [1], [0, 0, 1, 1], [], []>, transpose_lhs_hint = false} : vector<1x32xf32>, vector<32x32xf32>, vector<1x32xf32> -> vector<1x32xf32>
    %add3A_67 = vector.broadcast %dot_general3A_66 : vector<1x32xf32> to vector<1024x32xf32>
    %add3A_68 = arith.addf %dot_general3A_63, %add3A_67 : vector<1024x32xf32>
    %get3A_69 = arith.constant 0 : index
    %get3A_70 = arith.constant 0 : index
    %get3A_71 = vector.load %arg9[%get3A_69, %get3A_70] : memref<1024x32xf32, #tpu.memory_space<vmem>>, vector<1024x32xf32>
    %slice3A_72 = vector.extract_strided_slice %get3A_58 {offsets = [64, 0], sizes = [32, 32], strides = [1, 1]} : vector<96x32xf32> to vector<32x32xf32>
    %dot_general3A_73 = arith.constant dense<0.000000e+00> : vector<1024x32xf32>
    %dot_general3A_74 = tpu.matmul %get3A_71, %slice3A_72, %dot_general3A_73 {dimension_numbers = #tpu.dot_dimension_numbers<[1], [0], [0], [1], [0, 0, 1, 1], [], []>, transpose_lhs_hint = false} : vector<1024x32xf32>, vector<32x32xf32>, vector<1024x32xf32> -> vector<1024x32xf32>
    %add3A_75 = arith.addf %add3A_68, %dot_general3A_74 : vector<1024x32xf32>
    %get3A_76 = arith.constant 0 : index
    %get3A_77 = arith.constant 0 : index
    %get3A_78 = vector.load %arg11[%get3A_76, %get3A_77] : memref<1x32xf32, #tpu.memory_space<vmem>>, vector<1x32xf32>
    %add3A_79 = vector.broadcast %get3A_78 : vector<1x32xf32> to vector<1024x32xf32>
    %add3A_80 = arith.addf %add3A_75, %add3A_79 : vector<1024x32xf32>
    %max3A_81 = arith.constant 0.000000e+00 : f32
    %max3A_82 = vector.broadcast %max3A_81 : f32 to vector<1024x32xf32>
    %max3A_83 = arith.maximumf %add3A_80, %max3A_82 : vector<1024x32xf32>
    %get3A_84 = arith.constant 0 : index
    %get3A_85 = arith.constant 0 : index
    %get3A_86 = vector.load %arg12[%get3A_84, %get3A_85] : memref<32x2xf32, #tpu.memory_space<vmem>>, vector<32x2xf32>
    %dot_general3A_87 = arith.constant dense<0.000000e+00> : vector<1024x2xf32>
    %dot_general3A_88 = tpu.matmul %max3A_83, %get3A_86, %dot_general3A_87 {dimension_numbers = #tpu.dot_dimension_numbers<[1], [0], [0], [1], [0, 0, 1, 1], [], []>, transpose_lhs_hint = false} : vector<1024x32xf32>, vector<32x2xf32>, vector<1024x2xf32> -> vector<1024x2xf32>
    %get3A_89 = arith.constant 0 : index
    %get3A_90 = arith.constant 0 : index
    %get3A_91 = vector.load %arg13[%get3A_89, %get3A_90] : memref<1x2xf32, #tpu.memory_space<vmem>>, vector<1x2xf32>
    %add3A_92 = vector.broadcast %get3A_91 : vector<1x2xf32> to vector<1024x2xf32>
    %add3A_93 = arith.addf %dot_general3A_88, %add3A_92 : vector<1024x2xf32>
    %swap3A = arith.constant 0 : index
    %swap3A_94 = arith.constant 0 : index
    %swap3A_95 = vector.load %arg14[%swap3A, %swap3A_94] : memref<1024x2xf32, #tpu.memory_space<vmem>>, vector<1024x2xf32>
    tpu.vector_store %arg14[%swap3A, %swap3A_94], %add3A_93 {strides = array<i32>} : memref<1024x2xf32, #tpu.memory_space<vmem>>, vector<1024x2xf32>,
    %broadcast_in_dim3A_96 = arith.constant 0.000000e+00 : f32
    %broadcast_in_dim3A_97 = vector.broadcast %broadcast_in_dim3A_96 : f32 to vector<1024x32xf32>
    %swap3A_98 = arith.constant 0 : index
    %swap3A_99 = arith.constant 0 : index
    %swap3A_100 = vector.load %arg15[%swap3A_98, %swap3A_99] : memref<1024x32xf32, #tpu.memory_space<vmem>>, vector<1024x32xf32>
    tpu.vector_store %arg15[%swap3A_98, %swap3A_99], %broadcast_in_dim3A_97 {strides = array<i32>} : memref<1024x32xf32, #tpu.memory_space<vmem>>, vector<1024x32xf32>,
    return
  }
}

</mosaic_0001>

<sc_bundles>
// kernel: kernel.11.cloned.1.call-start
scs
__scs_entry_jumppad:
0x0: {  	(pc) =	sbr.rel $0x88, $3  }
0x1: {  	(tag) =	ssettag $0x0;
	lr =	simm.s32 $0x1  }
0x2: {  	[smem:$0x3F8E] =	sst lr;
	_ =	strace $0xD0000000  }
0x3: {  	_ = 	snop  }
0x4: {  	_ = 	snop  }
0x5: {  	_ = 	snop  }
0x6: {  	_ = 	snop  }
0x7: {  	_ = 	snop  }
__scs_overlays_trampoline_lowered:
0x8: {  	[smem:$0x3F9D] =	sst s0  }
0x9: {  	[smem:$0x3F9E] =	sst s1  }
0xa: {  	[smem:$0x3F9F] =	sst s2  }
0xb: {  	[smem:$0x3FA0] =	sst s3  }
0xc: {  	[smem:$0x3FA1] =	sst s4  }
0xd: {  	[smem:$0x3FA2] =	sst s5  }
0xe: {  	[smem:$0x3FA3] =	sst s6  }
0xf: {  	[smem:$0x3FA4] =	sst s7  }
0x10: {  	[smem:$0x3FA5] =	sst s8  }
0x11: {  	[smem:$0x3FA6] =	sst s9;
	s0 =	simm.s32 @!p0 $0x0  }
0x12: {  	s1 =	sld [smem:$0x3F8C];
	s0 =	simm.s32 @p0 $0x1  }
0x13: {  	[smem:$0x3FA7] =	sst s0;
	s0 =	simm.s32 @!p1 $0x0  }
0x14: {  	s2 =	sld [smem:$0x3F8B];
	s0 =	simm.s32 @p1 $0x1  }
0x15: {  	[smem:$0x3FA8] =	sst s0;
	s0 =	simm.s32 @!p2 $0x0  }
0x16: {  	s3 =	sld [smem:$0x3FDB];
	s0 =	simm.s32 @p2 $0x1  }
0x17: {  	s4 =	simm.s32 $0x1BF5;
	[smem:$0x3FAA] =	sst s0  }
0x18: {  	s0 =	sld [smem:$0x3F8D];
	_ =	swait.ge [sflag:s4], $0x0  }
0x19: {  	s7 =	sld [smem:$0x3F8E]  }
0x1a: {  	s8 =	sadd.s32 $0xFFFFE003, lr  }
0x1b: {  	s9 =	sadd.s32 $0xFFFFFEF7, lr;
	s5 =	simm.s32 $0xFFFFFFFF;
	p2 =	slt.u32 s8, $0xFFFFF086  }
0x1c: {  	p1 =	slt.u32 s9, $0xF7A;
	s5 =	simm.s32 @!p2 $0x0  }
0x1d: {  	s5 =	simm.s32 @p1 $0x1;
	p0 =	seq.s32 s7, s2  }
0x1e: {  	s7 =	smul.u32 @!p0 $0xF7A, s2;
	p2 =	seq.s32 @!p0 s5, $0x0  }
0x1f: {  	s9 =	smul.u32 $0xF7A, s1;
	s8 =	simm.s32 @!p0 $0x1BF5;
	p2 =	por !p2, p0  }
0x20: {  	[sflag:s8] =	ssyncset.s32 @!p0 $0xFFFFF086;
	s6 =	sadd.s32 @!p0 s3, s7;
	s7 =	simm.s32 @!p0 $0x108  }
0x21: {  	s3 =	sadd.s32 s3, s9;
	s6 =	sadd.s32 @!p0 $0x88, s6;
	s7 =	simm.s32 @p2 $0x1082  }
0x22: {  	[simem:s7], [sflag:s8] =	dma.local @!p0 [hbm:s6], $0xF7A  }
0x23: {  	s9 =	sor.u32 $0xD0000000, s2;
	s6 =	simm.s32 $0x108;
	_ =	swait.ge @!p0 [sflag:s8], $0x0  }
0x24: {  	s3 =	sadd.s32 $0x88, s3;
	s6 =	simm.s32 @!p1 $0x1082;
	[sflag:s4] =	ssyncset.s32 $0xFFFFF086  }
0x25: {  	[simem:s6], [sflag:s4] =	dma.local [hbm:s3], $0xF7A  }
0x26: {  	[smem:$0x3F8E] =	sst s1;
	(tag) =	ssettag s2;
	_ =	strace s9  }
0x27: {  	s1 =	sld [smem:$0x3F9E]  }
0x28: {  	s2 =	sld [smem:$0x3F9F]  }
0x29: {  	s4 =	sld [smem:$0x3FA1]  }
0x2a: {  	p0 =	seq.s32 s5, $0x0;
	s5 =	sld [smem:$0x3FA2]  }
0x2b: {  	s6 =	sld [smem:$0x3FA3]  }
0x2c: {  	s7 =	sld [smem:$0x3FA4]  }
0x2d: {  	s3 =	simm.s32 $0x108;
	s8 =	sld [smem:$0x3FA5]  }
0x2e: {  	s3 =	simm.s32 @!p0 $0x1082;
	s9 =	sld [smem:$0x3FA6]  }
0x2f: {  	lr =	sadd.s32 s0, s3;
	s0 =	sld [smem:$0x3F9D]  }
0x30: {  	s3 =	sld [smem:$0x3FA0]  }
0x31: {  	[smem:$0x3FA9] =	sst s10  }
0x32: {  	s10 =	sld [smem:$0x3FA7];
	_ =	sdelay $0x3  }
0x33: {  	p0 =	seq.s32 s10, $0x1;
	s10 =	sld [smem:$0x3FA9];
	_ =	sdelay $0x3  }
0x34: {  	[smem:$0x3FA9] =	sst s10  }
0x35: {  	s10 =	sld [smem:$0x3FA8];
	_ =	sdelay $0x3  }
0x36: {  	p1 =	seq.s32 s10, $0x1;
	s10 =	sld [smem:$0x3FA9];
	_ =	sdelay $0x3  }
0x37: {  	[smem:$0x3FA9] =	sst s10  }
0x38: {  	s10 =	sld [smem:$0x3FAA]  }
0x39: {  	_ = 	snop;
	(pc) =	sbr.ind lr, $3  }
0x3a: {  	_ = 	snop  }
0x3b: {  	_ = 	snop  }
0x3c: {  	p2 =	seq.s32 s10, $0x1;
	s10 =	sld [smem:$0x3FA9]  }
0x3d: {  	_ =	shalt  }
0x3e: {  	_ =	shalt  }
0x3f: {  	_ =	shalt  }
0x40: {  	_ =	shalt  }
0x41: {  	_ =	shalt  }
0x42: {  	_ =	shalt  }
0x43: {  	_ =	shalt  }
0x44: {  	_ =	shalt  }
0x45: {  	_ =	shalt  }
0x46: {  	_ =	shalt  }
0x47: {  	_ =	shalt  }
0x48: {  	_ =	shalt  }
0x49: {  	_ =	shalt  }
0x4a: {  	_ =	shalt  }
0x4b: {  	_ =	shalt  }
0x4c: {  	_ =	shalt  }
0x4d: {  	_ =	shalt  }
0x4e: {  	_ =	shalt  }
0x4f: {  	_ =	shalt  }
0x50: {  	_ =	shalt  }
0x51: {  	_ =	shalt  }
0x52: {  	_ =	shalt  }
0x53: {  	_ =	shalt  }
0x54: {  	_ =	shalt  }
0x55: {  	_ =	shalt  }
0x56: {  	_ =	shalt  }
0x57: {  	_ =	shalt  }
0x58: {  	_ =	shalt  }
0x59: {  	_ =	shalt  }
0x5a: {  	_ =	shalt  }
0x5b: {  	_ =	shalt  }
0x5c: {  	_ =	shalt  }
0x5d: {  	_ =	shalt  }
0x5e: {  	_ =	shalt  }
0x5f: {  	_ =	shalt  }
0x60: {  	_ =	shalt  }
0x61: {  	_ =	shalt  }
0x62: {  	_ =	shalt  }
0x63: {  	_ =	shalt  }
0x64: {  	_ =	shalt  }
0x65: {  	_ =	shalt  }
0x66: {  	_ =	shalt  }
0x67: {  	_ =	shalt  }
0x68: {  	_ =	shalt  }
0x69: {  	_ =	shalt  }
0x6a: {  	_ =	shalt  }
0x6b: {  	_ =	shalt  }
0x6c: {  	_ =	shalt  }
0x6d: {  	_ =	shalt  }
0x6e: {  	_ =	shalt  }
0x6f: {  	_ =	shalt  }
0x70: {  	_ =	shalt  }
0x71: {  	_ =	shalt  }
0x72: {  	_ =	shalt  }
0x73: {  	_ =	shalt  }
0x74: {  	_ =	shalt  }
0x75: {  	_ =	shalt  }
0x76: {  	_ =	shalt  }
0x77: {  	_ =	shalt  }
0x78: {  	_ =	shalt  }
0x79: {  	_ =	shalt  }
0x7a: {  	_ =	shalt  }
0x7b: {  	_ =	shalt  }
0x7c: {  	_ =	shalt  }
0x7d: {  	_ =	shalt  }
0x7e: {  	_ =	shalt  }
0x7f: {  	_ =	shalt  }
0x80: {  	_ =	shalt  }
0x81: {  	_ =	shalt  }
0x82: {  	_ =	shalt  }
0x83: {  	_ =	shalt  }
0x84: {  	_ =	shalt  }
0x85: {  	_ =	shalt  }
0x86: {  	_ =	shalt  }
0x87: {  	_ =	shalt  }
.Lfunc_end0:
.L_simem_size_0:
called_computation.1_lowered:
.L_overlay_start_0:
0x88: {  	s2 =	sld [smem:$0x3FD9]  }
0x89: {  	s3 =	sld [smem:$0x3FFE];
	_ =	sdelay $0x1  }
0x8a: {  	s1 =	srdreg.scid  }
0x8b: {  	s0 =	sand.u32 $0x1, s1  }
0x8c: {  	s17 =	sshll.u32 s0, $0xA;
	s2 =	sadd.s32 s3, s2  }
0x8d: {  	s2 =	sadd.s32 s2, s17  }
0x8e: {  	[smem:$0x3FB5] =	sst s2  }
0x8f: {  	_ = 	snop  }
0x90: {  	(tm) =	ssettm $0x1  }
0x91: {  	s18 =	sld [smem:$0x3FFB];
	_ =	sdelay $0x3  }
0x92: {  	_ =	strace s18  }
0x93: {  	s2 =	sld [smem:$0x3FFC];
	_ =	sdelay $0x3  }
0x94: {  	_ =	strace s2  }
0x95: {  	s2 =	sld [smem:$0x3FFD];
	_ =	sdelay $0x3  }
0x96: {  	_ =	strace s2  }
0x97: {  	_ =	strace $0x8FFFFFFF  }
0x98: {  	s19 =	sld [smem:$0x3FDB];
	_ =	sdelay $0x1  }
0x99: {  	s20 =	simm.s32 $_scs_section_size  }
0x9a: {  	s4 =	simm.s32 $_size__tile_overlayer_lowered;
	s5 =	simm.s32 $_tile_overlayer_lowered  }
0x9b: {  	s6 =	simm.s32 $0x1BFF;
	s21 =	sshll.u32 s5, $0x1;
	s3 =	sadd.s32 s20, s19  }
0x9c: {  	s22 =	simm.s32 $0x0;
	s4 =	sshll.u32 s4, $0x1;
	s5 =	sadd.s32 s21, s3  }
0x9d: {  	[timem:s22], [sflag:s6] =	dma.local [hbm:s5], s4  }
0x9e: {  	_ =	swait.ge [sflag:s6], s4  }
0x9f: {  	s4 =	ssub.s32 $0x0, s4;
	[sflag:s6] =	ssyncset.done $0x0  }
0xa0: {  	[sflag:s6] =	ssyncadd.s32 s4;
	_ =	sdelay $0x1  }
0xa1: {  	s23 =	simm.s32 $0x1B8B  }
0xa2: {  	_ =	swait.ge [sflag:s23], $0x1  }
0xa3: {  	[sflag:s23] =	ssyncset.done $0x0  }
0xa4: {  	[sflag:s23] =	ssyncadd.s32 $0xFFFFFFFF  }
0xa5: {  	s4 =	sld [smem:$0x0]  }
0xa6: {  	s5 =	sand.u32 $0xFFFFFFFE, s1  }
0xa7: {  	p0 =	sne.s32 s1, s5  }
0xa8: {  	s5 =	sshll.u32 @p0 s5, $0xE  }
0xa9: {  	s5 =	sadd.s32 @p0 $0x11B8D, s5;
	s6 =	sshll.u32 @p0 s4, $0x11  }
0xaa: {  	s5 =	sor.u32 @p0 s6, s5  }
0xab: {  	[sflag:s5] =	ssyncadd.remote.s32 @p0 $0x1;
	_ =	sdelay $0x1  }
0xac: {  	s5 =	simm.s32 @p0 $0x1B8D  }
0xad: {  	_ =	swait.eq @p0 [sflag:s5], $0x1  }
0xae: {  	[sflag:s5] =	ssyncadd.s32 @p0 $0xFFFFFFFF  }
0xaf: {  	s6 =	sshll.u32 @!p0 s1, $0xE  }
0xb0: {  	s6 =	sor.u32 @!p0 $0x4000, s6;
	s5 =	simm.s32 @!p0 $0x1B8D  }
0xb1: {  	s4 =	sshll.u32 @!p0 s4, $0x11;
	s6 =	sadd.s32 @!p0 $0x11B8D, s6;
	_ =	swait.eq @!p0 [sflag:s5], $0x1  }
0xb2: {  	s4 =	sor.u32 @!p0 s4, s6;
	[sflag:s5] =	ssyncadd.s32 @!p0 $0xFFFFFFFF  }
0xb3: {  	s25 =	simm.s32 $0x1B8E;
	s24 =	sld [smem:$0x3FFE];
	[sflag:s4] =	ssyncadd.remote.s32 @!p0 $0x1  }
0xb4: {  	s26 =	simm.s32 $execute0_lowered;
	[smem:$0x3FD2] =	sst s25  }
0xb5: {  	s5 =	sshll.u32 s26, $0x1;
	_ =	strace $0x80000049;
	[dreg:$0x1] =	wrdreg $0xFFFFFFFF  }
0xb6: {  	s28 =	simm.s32 $_size_execute0_lowered;
	s3 =	sadd.s32 s3, s5;
	[dreg:$0x0] =	wrdreg $0x0  }
0xb7: {  	s5 =	sshll.u32 s28, $0x1;
	[dreg:$0x2] =	wrdreg s3  }
0xb8: {  	[dreg:$0x3] =	wrdreg s5  }
0xb9: {  	[dreg:$0x4] =	wrdreg $0xC0  }
0xba: {  	_ =	task [dreg:s22], $0x5FFFF  }
0xbb: {  	[dreg:$0x1] =	wrdreg $0xFFFFFFFF  }
0xbc: {  	[dreg:$0x0] =	wrdreg $0x60  }
0xbd: {  	[dreg:$0x2] =	wrdreg s24  }
0xbe: {  	[dreg:$0x3] =	wrdreg $0x9  }
0xbf: {  	_ =	task.clear_ibuf [dreg:s22], $0x4FFFF;
	_ =	strace $0x90000049  }
0xc0: {  	s29 =	simm.s32 $0x9;
	_ =	strace $0x8000004B  }
0xc1: {  	_ =	swait.ge [sflag:s29], $0x1  }
0xc2: {  	[sflag:s29] =	ssyncadd.s32 $0xFFFFFFFF  }
0xc3: {  	_ =	strace $0x9000004B  }
0xc4: {  	_ =	sfence  }
0xc5: {  	s30 =	sld [smem:$0x0];
	_ =	sdelay $0x2  }
0xc6: {  	s31 =	sshll.u32 s1, $0xD;
	s1 =	sshrl.u32 s1, $0x2  }
0xc7: {  	s4 =	sand.u32 $0x4000, s31;
	s1 =	sadd.s32 s1, s30  }
0xc8: {  	s0 =	sor.u32 s4, s0;
	s1 =	sshll.u32 s1, $0x11  }
0xc9: {  	s0 =	sor.u32 s1, s0  }
0xca: {  	s0 =	sadd.s32 $0x8F2B, s0  }
0xcb: {  	[sflag:s0] =	ssyncadd.remote.s32 $0x1  }
0xcc: {  	_ =	sfence.sel $0xFFFF  }
0xcd: {  	[dreg:$0x0] =	wrdreg $0xFFFFFFFF;
	(pc) =	sbr.abs _section_cstart, $3  }
0xce: {  	[dreg:$0x1] =	wrdreg $0xFFFFFFFF  }
0xcf: {  	_ =	task.clear_ibuf [dreg:s22], $0x2FFFF;
	_ =	strace $0x9FFFFFFF  }
0xd0: {  	(tm) =	ssettm $0x7FFFFFFF  }
0xd1: {  	_ =	shalt  }
tec
execute0_lowered:
.L_overlay_start_1:
0x0: {  	(tag) =	ssettag $0x1  }
0x1: {  	s0 =	srdreg.scid  }
0x2: {  	s1 =	sand.u32 $0x1, s0  }
0x3: {  	s6 =	stileid.u32;
	s2 =	sshll.u32 s1, $0x4  }
0x4: {  	s4 =	rddreg [dreg:$0x0];
	s3 =	sor.u32 s6, s2;
	s2 =	simm.s32 $0x0  }
0x5: {  	s7 =	simm.s32 $0x1040;
	[smem:$0x7FF] =	sst s2  }
0x6: {  	s8 =	simm.s32 $0xA0;
	_ =	strace $0x8000004A;
	[dreg:$0x4] =	wrdreg s7  }
0x7: {  	s9 =	simm.s32 $0x1A40;
	[dreg:$0x5] =	wrdreg s8  }
0x8: {  	s10 =	simm.s32 $0xF0;
	[dreg:$0x6] =	wrdreg s9  }
0x9: {  	s11 =	simm.s32 $0x2440;
	[dreg:$0x7] =	wrdreg s10  }
0xa: {  	s12 =	simm.s32 $0x140;
	[dreg:$0x8] =	wrdreg s11  }
0xb: {  	s13 =	simm.s32 $0x2E40;
	[dreg:$0x9] =	wrdreg s12  }
0xc: {  	s14 =	simm.s32 $0x190;
	[dreg:$0xa] =	wrdreg s13  }
0xd: {  	s15 =	simm.s32 $0x3840;
	[dreg:$0xb] =	wrdreg s14  }
0xe: {  	s16 =	simm.s32 $0x1E0;
	[dreg:$0xc] =	wrdreg s15  }
0xf: {  	s17 =	simm.s32 $0x4240;
	[dreg:$0xd] =	wrdreg s16  }
0x10: {  	s18 =	simm.s32 $0x230;
	s5 =	smul.u32 $0xC8, s3;
	[dreg:$0xe] =	wrdreg s17  }
0x11: {  	s19 =	simm.s32 $0x4C40;
	s3 =	smul.u32 $0x1900, s3;
	[dreg:$0xf] =	wrdreg s18  }
0x12: {  	s6 =	simm.s32 $0x280;
	[dreg:$0x10] =	wrdreg s19;
	s5 =	sadd.s32 s5, s4  }
0x13: {  	[dreg:$0x11] =	wrdreg s6;
	s3 =	sadd.s32 s3, s4;
	s5 =	sadd.s32 $0x17200, s5  }
0x14: {  	s3 =	sadd.s32 $0x18C00, s3;
	[dreg:$0x2] =	wrdreg s5  }
0x15: {  	[dreg:$0x3] =	wrdreg s3  }
0x16: {  	s3 =	simm.s32 $0x2;
	s5 =	rddreg [dreg:$0x2]  }
0x17: {  	[tilespmem:s2], [sflag:$0x2] =	stream.linear.gather [hbm4b:s5+s2], $0x640, $0x38;
	[tilespmem:$0xCE40] =	vst v63  }
0x18: {  	_ =	swait.ge [sflag:s3], $0x640  }
0x19: {  	s7 =	rddreg [dreg:$0x10]  }
0x1a: {  	s8 =	rddreg [dreg:$0xe]  }
0x1b: {  	s9 =	rddreg [dreg:$0xc]  }
0x1c: {  	s6 =	simm.s32 $0x50;
	s10 =	rddreg [dreg:$0xa]  }
0x1d: {  	s4 =	sadd.s32 $0x19DC00, s4;
	s11 =	rddreg [dreg:$0x5];
	[sflag:s3] =	ssyncset.done $0x0  }
0x1e: {  	s5 =	simm.s32 $0x640;
	s12 =	rddreg [dreg:$0x4];
	[sflag:s3] =	ssyncadd.s32 $0xFFFFF9C0  }
0x1f: {  	[tilespmem:s5], [sflag:$0x1] =	stream.indirect.gather [hbm4b:s4+s6], $0x20, s2, s6, $0xb8;
	[tilespmem:$0xCE40] =	vst v63  }
0x20: {  	s13 =	rddreg [dreg:$0x6]  }
0x21: {  	[tilespmem:s12], [sflag:$0x1] =	stream.indirect.gather [hbm4b:s4+s6], $0x20, s6, s6, $0xb8;
	[tilespmem:$0xCE40] =	vst v63  }
0x22: {  	s14 =	rddreg [dreg:$0x8]  }
0x23: {  	[tilespmem:s13], [sflag:$0x1] =	stream.indirect.gather [hbm4b:s4+s6], $0x20, s11, s6, $0xb8;
	[tilespmem:$0xCE40] =	vst v63  }
0x24: {  	s20 =	rddreg [dreg:$0x7]  }
0x25: {  	[tilespmem:s14], [sflag:$0x1] =	stream.indirect.gather [hbm4b:s4+s6], $0x20, s20, s6, $0xb8;
	[tilespmem:$0xCE40] =	vst v63  }
0x26: {  	s21 =	rddreg [dreg:$0x9]  }
0x27: {  	[tilespmem:s10], [sflag:$0x1] =	stream.indirect.gather [hbm4b:s4+s6], $0x20, s21, s6, $0xb8;
	[tilespmem:$0xCE40] =	vst v63  }
0x28: {  	s22 =	rddreg [dreg:$0xb]  }
0x29: {  	[tilespmem:s9], [sflag:$0x1] =	stream.indirect.gather [hbm4b:s4+s6], $0x20, s22, s6, $0xb8;
	[tilespmem:$0xCE40] =	vst v63  }
0x2a: {  	s23 =	rddreg [dreg:$0xd]  }
0x2b: {  	[tilespmem:s8], [sflag:$0x1] =	stream.indirect.gather [hbm4b:s4+s6], $0x20, s23, s6, $0xb8;
	[tilespmem:$0xCE40] =	vst v63  }
0x2c: {  	s24 =	rddreg [dreg:$0xf]  }
0x2d: {  	[tilespmem:s7], [sflag:$0x1] =	stream.indirect.gather [hbm4b:s4+s6], $0x20, s24, s6, $0xb8;
	[tilespmem:$0xCE40] =	vst v63  }
0x2e: {  	s26 =	simm.s32 $0x5640;
	s25 =	rddreg [dreg:$0x11]  }
0x2f: {  	[tilespmem:s26], [sflag:$0x1] =	stream.indirect.gather [hbm4b:s4+s6], $0x20, s25, s6, $0xb8;
	[tilespmem:$0xCE40] =	vst v63  }
0x30: {  	s8 =	simm.s32 $0x6040;
	s7 =	simm.s32 $0x2D0  }
0x31: {  	[tilespmem:s8], [sflag:$0x1] =	stream.indirect.gather [hbm4b:s4+s6], $0x20, s7, s6, $0xb8;
	[tilespmem:$0xCE40] =	vst v63  }
0x32: {  	s10 =	simm.s32 $0x6A40;
	s9 =	simm.s32 $0x320  }
0x33: {  	[tilespmem:s10], [sflag:$0x1] =	stream.indirect.gather [hbm4b:s4+s6], $0x20, s9, s6, $0xb8;
	[tilespmem:$0xCE40] =	vst v63  }
0x34: {  	s12 =	simm.s32 $0x7440;
	s11 =	simm.s32 $0x370  }
0x35: {  	[tilespmem:s12], [sflag:$0x1] =	stream.indirect.gather [hbm4b:s4+s6], $0x20, s11, s6, $0xb8;
	[tilespmem:$0xCE40] =	vst v63  }
0x36: {  	s15 =	simm.s32 $0x7E40;
	s14 =	simm.s32 $0x3C0  }
0x37: {  	[tilespmem:s15], [sflag:$0x1] =	stream.indirect.gather [hbm4b:s4+s6], $0x20, s14, s6, $0xb8;
	[tilespmem:$0xCE40] =	vst v63  }
0x38: {  	s16 =	simm.s32 $0x410;
	s17 =	simm.s32 $0x8840  }
0x39: {  	[tilespmem:s17], [sflag:$0x1] =	stream.indirect.gather [hbm4b:s4+s6], $0x20, s16, s6, $0xb8;
	[tilespmem:$0xCE40] =	vst v63  }
0x3a: {  	s18 =	simm.s32 $0x460;
	s19 =	simm.s32 $0x9240  }
0x3b: {  	[tilespmem:s19], [sflag:$0x1] =	stream.indirect.gather [hbm4b:s4+s6], $0x20, s18, s6, $0xb8;
	[tilespmem:$0xCE40] =	vst v63  }
0x3c: {  	s20 =	simm.s32 $0x4B0;
	s21 =	simm.s32 $0x9C40  }
0x3d: {  	[tilespmem:s21], [sflag:$0x1] =	stream.indirect.gather [hbm4b:s4+s6], $0x20, s20, s6, $0xb8;
	[tilespmem:$0xCE40] =	vst v63  }
0x3e: {  	s22 =	simm.s32 $0x500;
	s23 =	simm.s32 $0xA640  }
0x3f: {  	[tilespmem:s23], [sflag:$0x1] =	stream.indirect.gather [hbm4b:s4+s6], $0x20, s22, s6, $0xb8;
	[tilespmem:$0xCE40] =	vst v63  }
0x40: {  	s24 =	simm.s32 $0x550;
	s25 =	simm.s32 $0xB040  }
0x41: {  	[tilespmem:s25], [sflag:$0x1] =	stream.indirect.gather [hbm4b:s4+s6], $0x20, s24, s6, $0xb8;
	[tilespmem:$0xCE40] =	vst v63  }
0x42: {  	s28 =	simm.s32 $0xBA40;
	s26 =	simm.s32 $0x5A0  }
0x43: {  	[tilespmem:s28], [sflag:$0x1] =	stream.indirect.gather [hbm4b:s4+s6], $0x20, s26, s6, $0xb8;
	[tilespmem:$0xCE40] =	vst v63  }
0x44: {  	s30 =	simm.s32 $0x5F0;
	s31 =	simm.s32 $0xC440;
	s29 =	simm.s32 $0x1  }
0x45: {  	[tilespmem:s31], [sflag:$0x1] =	stream.indirect.gather [hbm4b:s4+s6], $0x20, s30, s6, $0xb8;
	[tilespmem:$0xCE40] =	vst v63  }
0x46: {  	_ =	swait.ge [sflag:s29], $0xA00  }
0x47: {  	[sflag:s29] =	ssyncset.done $0x0  }
0x48: {  	[sflag:s29] =	ssyncadd.s32 $0xFFFFF600  }
0x49: {  	_ =	swait.ge [sflag:s29], $0xA00  }
0x4a: {  	[sflag:s29] =	ssyncset.done $0x0  }
0x4b: {  	[sflag:s29] =	ssyncadd.s32 $0xFFFFF600  }
0x4c: {  	_ =	swait.ge [sflag:s29], $0xA00  }
0x4d: {  	[sflag:s29] =	ssyncset.done $0x0  }
0x4e: {  	[sflag:s29] =	ssyncadd.s32 $0xFFFFF600  }
0x4f: {  	_ =	swait.ge [sflag:s29], $0xA00  }
0x50: {  	[sflag:s29] =	ssyncset.done $0x0  }
0x51: {  	[sflag:s29] =	ssyncadd.s32 $0xFFFFF600  }
0x52: {  	_ =	swait.ge [sflag:s29], $0xA00  }
0x53: {  	[sflag:s29] =	ssyncset.done $0x0  }
0x54: {  	[sflag:s29] =	ssyncadd.s32 $0xFFFFF600  }
0x55: {  	_ =	swait.ge [sflag:s29], $0xA00  }
0x56: {  	[sflag:s29] =	ssyncset.done $0x0  }
0x57: {  	[sflag:s29] =	ssyncadd.s32 $0xFFFFF600  }
0x58: {  	_ =	swait.ge [sflag:s29], $0xA00  }
0x59: {  	[sflag:s29] =	ssyncset.done $0x0  }
0x5a: {  	[sflag:s29] =	ssyncadd.s32 $0xFFFFF600  }
0x5b: {  	_ =	swait.ge [sflag:s29], $0xA00  }
0x5c: {  	[sflag:s29] =	ssyncset.done $0x0  }
0x5d: {  	[sflag:s29] =	ssyncadd.s32 $0xFFFFF600  }
0x5e: {  	_ =	swait.ge [sflag:s29], $0xA00  }
0x5f: {  	[sflag:s29] =	ssyncset.done $0x0  }
0x60: {  	[sflag:s29] =	ssyncadd.s32 $0xFFFFF600  }
0x61: {  	_ =	swait.ge [sflag:s29], $0xA00  }
0x62: {  	[sflag:s29] =	ssyncset.done $0x0  }
0x63: {  	[sflag:s29] =	ssyncadd.s32 $0xFFFFF600  }
0x64: {  	_ =	swait.ge [sflag:s29], $0xA00  }
0x65: {  	[sflag:s29] =	ssyncset.done $0x0  }
0x66: {  	[sflag:s29] =	ssyncadd.s32 $0xFFFFF600  }
0x67: {  	_ =	swait.ge [sflag:s29], $0xA00  }
0x68: {  	[sflag:s29] =	ssyncset.done $0x0  }
0x69: {  	[sflag:s29] =	ssyncadd.s32 $0xFFFFF600  }
0x6a: {  	_ =	swait.ge [sflag:s29], $0xA00  }
0x6b: {  	[sflag:s29] =	ssyncset.done $0x0  }
0x6c: {  	[sflag:s29] =	ssyncadd.s32 $0xFFFFF600  }
0x6d: {  	_ =	swait.ge [sflag:s29], $0xA00  }
0x6e: {  	[sflag:s29] =	ssyncset.done $0x0  }
0x6f: {  	[sflag:s29] =	ssyncadd.s32 $0xFFFFF600  }
0x70: {  	_ =	swait.ge [sflag:s29], $0xA00  }
0x71: {  	[sflag:s29] =	ssyncset.done $0x0  }
0x72: {  	[sflag:s29] =	ssyncadd.s32 $0xFFFFF600  }
0x73: {  	_ =	swait.ge [sflag:s29], $0xA00  }
0x74: {  	[sflag:s29] =	ssyncset.done $0x0  }
0x75: {  	[sflag:s29] =	ssyncadd.s32 $0xFFFFF600  }
0x76: {  	s1 =	ssub.s32 $0x2, s1;
	_ =	swait.ge [sflag:s29], $0xA00  }
0x77: {  	s13 =	sshrl.u32 s1, $0x1;
	[sflag:s29] =	ssyncset.done $0x0  }
0x78: {  	s0 =	ssub.s32 s1, s13;
	[sflag:s29] =	ssyncadd.s32 $0xFFFFF600  }
0x79: {  	s0 =	smax.u32 s0, $0x1;
	_ =	swait.ge [sflag:s29], $0xA00  }
0x7a: {  	p0 =	sne.s32 s0, $0x1;
	[sflag:s29] =	ssyncset.done $0x0  }
.Ltmp0:
0x7b: {  	[sflag:s29] =	ssyncadd.s32 $0xFFFFF600;
	(pc) =	sbr.rel @!p0 .LBB2_2-.Ltmp0, $4  }
0x7c: {  	_ =	swait.ge [sflag:s29], $0xA00  }
0x7d: {  	[sflag:s29] =	ssyncset.done $0x0  }
0x7e: {  	[sflag:s29] =	ssyncadd.s32 $0xFFFFF600  }
0x7f: {  	s1 =	sadd.s32 $0xFFFFFFFF, s0;
	_ =	swait.ge [sflag:s29], $0xA00  }
.LBB2_1:
0x80: {  	[sflag:s29] =	ssyncset.done $0x0  }
0x81: {  	s0 =	rddreg [dreg:$0x3];
	[sflag:s29] =	ssyncadd.s32 $0xFFFFF600  }
0x82: {  	[hbm4b:s0+s2] =	stream.linear.scatter [tilespmem:s5], [sflag:$0x2], $0xC800, $0x38;
	[tilespmem:$0xCE40] =	vst v63  }
0x83: {  	_ =	swait.ge [sflag:s3], $0xC800  }
0x84: {  	[sflag:s3] =	ssyncset.done $0x0  }
0x85: {  	s11 =	rddreg [dreg:$0x2];
	[sflag:s3] =	ssyncadd.s32 $0xFFFF3800  }
0x86: {  	[tilespmem:s2], [sflag:$0x2] =	stream.linear.gather [hbm4b:s11+s2], $0x640, $0x38;
	[tilespmem:$0xCE40] =	vst v63  }
0x87: {  	_ =	swait.ge [sflag:s3], $0x640  }
0x88: {  	s0 =	rddreg [dreg:$0x10]  }
0x89: {  	s7 =	rddreg [dreg:$0xe]  }
0x8a: {  	s8 =	rddreg [dreg:$0xc]  }
0x8b: {  	s9 =	rddreg [dreg:$0xa]  }
0x8c: {  	s10 =	rddreg [dreg:$0x5];
	[sflag:s3] =	ssyncset.done $0x0  }
0x8d: {  	s11 =	rddreg [dreg:$0x4];
	[sflag:s3] =	ssyncadd.s32 $0xFFFFF9C0  }
0x8e: {  	[tilespmem:s5], [sflag:$0x1] =	stream.indirect.gather [hbm4b:s4+s6], $0x20, s2, s6, $0xb8;
	[tilespmem:$0xCE40] =	vst v63  }
0x8f: {  	s12 =	rddreg [dreg:$0x6]  }
0x90: {  	[tilespmem:s11], [sflag:$0x1] =	stream.indirect.gather [hbm4b:s4+s6], $0x20, s6, s6, $0xb8;
	[tilespmem:$0xCE40] =	vst v63  }
0x91: {  	s13 =	rddreg [dreg:$0x8]  }
0x92: {  	[tilespmem:s12], [sflag:$0x1] =	stream.indirect.gather [hbm4b:s4+s6], $0x20, s10, s6, $0xb8;
	[tilespmem:$0xCE40] =	vst v63  }
0x93: {  	s11 =	rddreg [dreg:$0x7]  }
0x94: {  	[tilespmem:s13], [sflag:$0x1] =	stream.indirect.gather [hbm4b:s4+s6], $0x20, s11, s6, $0xb8;
	[tilespmem:$0xCE40] =	vst v63  }
0x95: {  	s12 =	rddreg [dreg:$0x9]  }
0x96: {  	[tilespmem:s9], [sflag:$0x1] =	stream.indirect.gather [hbm4b:s4+s6], $0x20, s12, s6, $0xb8;
	[tilespmem:$0xCE40] =	vst v63  }
0x97: {  	s13 =	rddreg [dreg:$0xb]  }
0x98: {  	[tilespmem:s8], [sflag:$0x1] =	stream.indirect.gather [hbm4b:s4+s6], $0x20, s13, s6, $0xb8;
	[tilespmem:$0xCE40] =	vst v63  }
0x99: {  	s10 =	rddreg [dreg:$0xd]  }
0x9a: {  	[tilespmem:s7], [sflag:$0x1] =	stream.indirect.gather [hbm4b:s4+s6], $0x20, s10, s6, $0xb8;
	[tilespmem:$0xCE40] =	vst v63  }
0x9b: {  	s11 =	rddreg [dreg:$0xf]  }
0x9c: {  	[tilespmem:s0], [sflag:$0x1] =	stream.indirect.gather [hbm4b:s4+s6], $0x20, s11, s6, $0xb8;
	[tilespmem:$0xCE40] =	vst v63  }
0x9d: {  	s12 =	rddreg [dreg:$0x11];
	s13 =	simm.s32 $0x5640  }
0x9e: {  	[tilespmem:s13], [sflag:$0x1] =	stream.indirect.gather [hbm4b:s4+s6], $0x20, s12, s6, $0xb8;
	[tilespmem:$0xCE40] =	vst v63  }
0x9f: {  	s9 =	simm.s32 $0x6040;
	s8 =	simm.s32 $0x2D0  }
0xa0: {  	[tilespmem:s9], [sflag:$0x1] =	stream.indirect.gather [hbm4b:s4+s6], $0x20, s8, s6, $0xb8;
	[tilespmem:$0xCE40] =	vst v63  }
0xa1: {  	s10 =	simm.s32 $0x320;
	s11 =	simm.s32 $0x6A40  }
0xa2: {  	[tilespmem:s11], [sflag:$0x1] =	stream.indirect.gather [hbm4b:s4+s6], $0x20, s10, s6, $0xb8;
	[tilespmem:$0xCE40] =	vst v63  }
0xa3: {  	s12 =	simm.s32 $0x370;
	s13 =	simm.s32 $0x7440  }
0xa4: {  	[tilespmem:s13], [sflag:$0x1] =	stream.indirect.gather [hbm4b:s4+s6], $0x20, s12, s6, $0xb8;
	[tilespmem:$0xCE40] =	vst v63  }
0xa5: {  	_ = 	snop  }
0xa6: {  	[tilespmem:s15], [sflag:$0x1] =	stream.indirect.gather [hbm4b:s4+s6], $0x20, s14, s6, $0xb8;
	[tilespmem:$0xCE40] =	vst v63  }
0xa7: {  	_ = 	snop  }
0xa8: {  	[tilespmem:s17], [sflag:$0x1] =	stream.indirect.gather [hbm4b:s4+s6], $0x20, s16, s6, $0xb8;
	[tilespmem:$0xCE40] =	vst v63  }
0xa9: {  	_ = 	snop  }
0xaa: {  	[tilespmem:s19], [sflag:$0x1] =	stream.indirect.gather [hbm4b:s4+s6], $0x20, s18, s6, $0xb8;
	[tilespmem:$0xCE40] =	vst v63  }
0xab: {  	_ = 	snop  }
0xac: {  	[tilespmem:s21], [sflag:$0x1] =	stream.indirect.gather [hbm4b:s4+s6], $0x20, s20, s6, $0xb8;
	[tilespmem:$0xCE40] =	vst v63  }
0xad: {  	_ = 	snop  }
0xae: {  	[tilespmem:s23], [sflag:$0x1] =	stream.indirect.gather [hbm4b:s4+s6], $0x20, s22, s6, $0xb8;
	[tilespmem:$0xCE40] =	vst v63  }
0xaf: {  	_ = 	snop  }
0xb0: {  	[tilespmem:s25], [sflag:$0x1] =	stream.indirect.gather [hbm4b:s4+s6], $0x20, s24, s6, $0xb8;
	[tilespmem:$0xCE40] =	vst v63  }
0xb1: {  	_ = 	snop  }
0xb2: {  	[tilespmem:s28], [sflag:$0x1] =	stream.indirect.gather [hbm4b:s4+s6], $0x20, s26, s6, $0xb8;
	[tilespmem:$0xCE40] =	vst v63  }
0xb3: {  	_ = 	snop  }
0xb4: {  	[tilespmem:s31], [sflag:$0x1] =	stream.indirect.gather [hbm4b:s4+s6], $0x20, s30, s6, $0xb8;
	[tilespmem:$0xCE40] =	vst v63  }
0xb5: {  	_ =	swait.ge [sflag:s29], $0xA00  }
0xb6: {  	[sflag:s29] =	ssyncset.done $0x0  }
0xb7: {  	[sflag:s29] =	ssyncadd.s32 $0xFFFFF600  }
0xb8: {  	_ =	swait.ge [sflag:s29], $0xA00  }
0xb9: {  	[sflag:s29] =	ssyncset.done $0x0  }
0xba: {  	[sflag:s29] =	ssyncadd.s32 $0xFFFFF600  }
0xbb: {  	_ =	swait.ge [sflag:s29], $0xA00  }
0xbc: {  	[sflag:s29] =	ssyncset.done $0x0  }
0xbd: {  	[sflag:s29] =	ssyncadd.s32 $0xFFFFF600  }
0xbe: {  	_ =	swait.ge [sflag:s29], $0xA00  }
0xbf: {  	[sflag:s29] =	ssyncset.done $0x0  }
0xc0: {  	[sflag:s29] =	ssyncadd.s32 $0xFFFFF600  }
0xc1: {  	_ =	swait.ge [sflag:s29], $0xA00  }
0xc2: {  	[sflag:s29] =	ssyncset.done $0x0  }
0xc3: {  	[sflag:s29] =	ssyncadd.s32 $0xFFFFF600  }
0xc4: {  	_ =	swait.ge [sflag:s29], $0xA00  }
0xc5: {  	[sflag:s29] =	ssyncset.done $0x0  }
0xc6: {  	[sflag:s29] =	ssyncadd.s32 $0xFFFFF600  }
0xc7: {  	_ =	swait.ge [sflag:s29], $0xA00  }
0xc8: {  	[sflag:s29] =	ssyncset.done $0x0  }
0xc9: {  	[sflag:s29] =	ssyncadd.s32 $0xFFFFF600  }
0xca: {  	_ =	swait.ge [sflag:s29], $0xA00  }
0xcb: {  	[sflag:s29] =	ssyncset.done $0x0  }
0xcc: {  	[sflag:s29] =	ssyncadd.s32 $0xFFFFF600  }
0xcd: {  	_ =	swait.ge [sflag:s29], $0xA00  }
0xce: {  	[sflag:s29] =	ssyncset.done $0x0  }
0xcf: {  	[sflag:s29] =	ssyncadd.s32 $0xFFFFF600  }
0xd0: {  	_ =	swait.ge [sflag:s29], $0xA00  }
0xd1: {  	[sflag:s29] =	ssyncset.done $0x0  }
0xd2: {  	[sflag:s29] =	ssyncadd.s32 $0xFFFFF600  }
0xd3: {  	_ =	swait.ge [sflag:s29], $0xA00  }
0xd4: {  	[sflag:s29] =	ssyncset.done $0x0  }
0xd5: {  	[sflag:s29] =	ssyncadd.s32 $0xFFFFF600  }
0xd6: {  	_ =	swait.ge [sflag:s29], $0xA00  }
0xd7: {  	[sflag:s29] =	ssyncset.done $0x0  }
0xd8: {  	[sflag:s29] =	ssyncadd.s32 $0xFFFFF600  }
0xd9: {  	_ =	swait.ge [sflag:s29], $0xA00  }
0xda: {  	[sflag:s29] =	ssyncset.done $0x0  }
0xdb: {  	[sflag:s29] =	ssyncadd.s32 $0xFFFFF600  }
0xdc: {  	_ =	swait.ge [sflag:s29], $0xA00  }
0xdd: {  	[sflag:s29] =	ssyncset.done $0x0  }
0xde: {  	[sflag:s29] =	ssyncadd.s32 $0xFFFFF600  }
0xdf: {  	_ =	swait.ge [sflag:s29], $0xA00  }
0xe0: {  	[sflag:s29] =	ssyncset.done $0x0  }
0xe1: {  	[sflag:s29] =	ssyncadd.s32 $0xFFFFF600  }
0xe2: {  	_ =	swait.ge [sflag:s29], $0xA00  }
0xe3: {  	[sflag:s29] =	ssyncset.done $0x0  }
0xe4: {  	[sflag:s29] =	ssyncadd.s32 $0xFFFFF600  }
0xe5: {  	_ =	swait.ge [sflag:s29], $0xA00  }
0xe6: {  	[sflag:s29] =	ssyncset.done $0x0  }
0xe7: {  	[sflag:s29] =	ssyncadd.s32 $0xFFFFF600  }
0xe8: {  	_ =	swait.ge [sflag:s29], $0xA00  }
0xe9: {  	p0 =	sne.s32 s1, $0x1;
	[sflag:s29] =	ssyncset.done $0x0  }
.Ltmp1:
0xea: {  	[sflag:s29] =	ssyncadd.s32 $0xFFFFF600;
	(pc) =	sbr.rel @p0 .LBB2_1-.Ltmp1, $4  }
0xeb: {  	_ =	swait.ge [sflag:s29], $0xA00  }
0xec: {  	[sflag:s29] =	ssyncset.done $0x0  }
0xed: {  	[sflag:s29] =	ssyncadd.s32 $0xFFFFF600  }
0xee: {  	s1 =	sadd.s32 $0xFFFFFFFF, s1;
	_ =	swait.ge [sflag:s29], $0xA00  }
.LBB2_2:
0xef: {  	[sflag:s29] =	ssyncset.done $0x0  }
0xf0: {  	s0 =	rddreg [dreg:$0x3];
	[sflag:s29] =	ssyncadd.s32 $0xFFFFF600  }
0xf1: {  	[hbm4b:s0+s2] =	stream.linear.scatter [tilespmem:s5], [sflag:$0x2], $0xC800, $0x38;
	[tilespmem:$0xCE40] =	vst v63  }
0xf2: {  	_ =	swait.ge [sflag:s3], $0xC800  }
0xf3: {  	[sflag:s3] =	ssyncset.done $0x0  }
0xf4: {  	[sflag:s3] =	ssyncadd.s32 $0xFFFF3800  }
0xf5: {  	_ =	sfence.sel $0x180000  }
0xf6: {  	[bflag:$0x0] =	sbarrier.arrive $0xFFFF  }
0xf7: {  	_ =	strace $0x9000004A  }
0xf8: {  	s31 =	stileid.u32;
	[bflag:$0x2] =	sbarrier.arrive $0xFFFF  }
0xf9: {  	p0 =	sne.s32 s31, $0x0;
	s0 =	rddreg [dreg:$0x1]  }
0xfa: {  	s0 =	sadd.s32 @!p0 $0x100000, s0  }
0xfb: {  	[sflag:s0] =	ssyncadd.tile.s32 @!p0 $0x1;
	_ =	shalt  }
.Lfunc_end2:
_tile_overlayer_lowered:
.L_overlay_start_2:
0xfc: {  	(tag) =	ssettag $0x2  }
0xfd: {  	s0 =	rddreg [dreg:$0x0];
	s2 =	stileid.u32  }
0xfe: {  	s1 =	rddreg [dreg:$0x1];
	p0 =	sne.s32 s2, $0x0  }
0xff: {  	s3 =	rddreg [dreg:$0x2];
	[bflag:$0x3] =	sbarrier.arrive $0xFFFF;
	s2 =	simm.s32 @!p0 $0x1C02  }
0x100: {  	[timem:s3], [sflag:s2] =	dma.local @!p0 [hbm:s0], s1  }
0x101: {  	s0 =	simm.s32 @!p0 $0x2  }
0x102: {  	_ =	swait.ge @!p0 [sflag:s0], s1  }
0x103: {  	s1 =	ssub.s32 @!p0 $0x0, s1;
	[sflag:s0] =	ssyncset.done @!p0 $0x0  }
0x104: {  	[sflag:s0] =	ssyncadd.s32 @!p0 s1  }
0x105: {  	[bflag:$0x3] =	sbarrier.arrive $0xFFFF  }
0x106: {  	_ =	shalt  }

// kernel: kernel.14.cloned.1.call-start
scs
__scs_entry_jumppad:
0x0: {  	(pc) =	sbr.rel $0x88, $3  }
0x1: {  	(tag) =	ssettag $0x0;
	lr =	simm.s32 $0x1  }
0x2: {  	[smem:$0x3F8E] =	sst lr;
	_ =	strace $0xD0000000  }
0x3: {  	_ = 	snop  }
0x4: {  	_ = 	snop  }
0x5: {  	_ = 	snop  }
0x6: {  	_ = 	snop  }
0x7: {  	_ = 	snop  }
__scs_overlays_trampoline_lowered:
0x8: {  	[smem:$0x3F9D] =	sst s0  }
0x9: {  	[smem:$0x3F9E] =	sst s1  }
0xa: {  	[smem:$0x3F9F] =	sst s2  }
0xb: {  	[smem:$0x3FA0] =	sst s3  }
0xc: {  	[smem:$0x3FA1] =	sst s4  }
0xd: {  	[smem:$0x3FA2] =	sst s5  }
0xe: {  	[smem:$0x3FA3] =	sst s6  }
0xf: {  	[smem:$0x3FA4] =	sst s7  }
0x10: {  	[smem:$0x3FA5] =	sst s8  }
0x11: {  	[smem:$0x3FA6] =	sst s9;
	s0 =	simm.s32 @!p0 $0x0  }
0x12: {  	s1 =	sld [smem:$0x3F8C];
	s0 =	simm.s32 @p0 $0x1  }
0x13: {  	[smem:$0x3FA7] =	sst s0;
	s0 =	simm.s32 @!p1 $0x0  }
0x14: {  	s2 =	sld [smem:$0x3F8B];
	s0 =	simm.s32 @p1 $0x1  }
0x15: {  	[smem:$0x3FA8] =	sst s0;
	s0 =	simm.s32 @!p2 $0x0  }
0x16: {  	s3 =	sld [smem:$0x3FDB];
	s0 =	simm.s32 @p2 $0x1  }
0x17: {  	s4 =	simm.s32 $0x1BF5;
	[smem:$0x3FAA] =	sst s0  }
0x18: {  	s0 =	sld [smem:$0x3F8D];
	_ =	swait.ge [sflag:s4], $0x0  }
0x19: {  	s7 =	sld [smem:$0x3F8E]  }
0x1a: {  	s8 =	sadd.s32 $0xFFFFE003, lr  }
0x1b: {  	s9 =	sadd.s32 $0xFFFFFEF7, lr;
	s5 =	simm.s32 $0xFFFFFFFF;
	p2 =	slt.u32 s8, $0xFFFFF086  }
0x1c: {  	p1 =	slt.u32 s9, $0xF7A;
	s5 =	simm.s32 @!p2 $0x0  }
0x1d: {  	s5 =	simm.s32 @p1 $0x1;
	p0 =	seq.s32 s7, s2  }
0x1e: {  	s7 =	smul.u32 @!p0 $0xF7A, s2;
	p2 =	seq.s32 @!p0 s5, $0x0  }
0x1f: {  	s9 =	smul.u32 $0xF7A, s1;
	s8 =	simm.s32 @!p0 $0x1BF5;
	p2 =	por !p2, p0  }
0x20: {  	[sflag:s8] =	ssyncset.s32 @!p0 $0xFFFFF086;
	s6 =	sadd.s32 @!p0 s3, s7;
	s7 =	simm.s32 @!p0 $0x108  }
0x21: {  	s3 =	sadd.s32 s3, s9;
	s6 =	sadd.s32 @!p0 $0x88, s6;
	s7 =	simm.s32 @p2 $0x1082  }
0x22: {  	[simem:s7], [sflag:s8] =	dma.local @!p0 [hbm:s6], $0xF7A  }
0x23: {  	s9 =	sor.u32 $0xD0000000, s2;
	s6 =	simm.s32 $0x108;
	_ =	swait.ge @!p0 [sflag:s8], $0x0  }
0x24: {  	s3 =	sadd.s32 $0x88, s3;
	s6 =	simm.s32 @!p1 $0x1082;
	[sflag:s4] =	ssyncset.s32 $0xFFFFF086  }
0x25: {  	[simem:s6], [sflag:s4] =	dma.local [hbm:s3], $0xF7A  }
0x26: {  	[smem:$0x3F8E] =	sst s1;
	(tag) =	ssettag s2;
	_ =	strace s9  }
0x27: {  	s1 =	sld [smem:$0x3F9E]  }
0x28: {  	s2 =	sld [smem:$0x3F9F]  }
0x29: {  	s4 =	sld [smem:$0x3FA1]  }
0x2a: {  	p0 =	seq.s32 s5, $0x0;
	s5 =	sld [smem:$0x3FA2]  }
0x2b: {  	s6 =	sld [smem:$0x3FA3]  }
0x2c: {  	s7 =	sld [smem:$0x3FA4]  }
0x2d: {  	s3 =	simm.s32 $0x108;
	s8 =	sld [smem:$0x3FA5]  }
0x2e: {  	s3 =	simm.s32 @!p0 $0x1082;
	s9 =	sld [smem:$0x3FA6]  }
0x2f: {  	lr =	sadd.s32 s0, s3;
	s0 =	sld [smem:$0x3F9D]  }
0x30: {  	s3 =	sld [smem:$0x3FA0]  }
0x31: {  	[smem:$0x3FA9] =	sst s10  }
0x32: {  	s10 =	sld [smem:$0x3FA7];
	_ =	sdelay $0x3  }
0x33: {  	p0 =	seq.s32 s10, $0x1;
	s10 =	sld [smem:$0x3FA9];
	_ =	sdelay $0x3  }
0x34: {  	[smem:$0x3FA9] =	sst s10  }
0x35: {  	s10 =	sld [smem:$0x3FA8];
	_ =	sdelay $0x3  }
0x36: {  	p1 =	seq.s32 s10, $0x1;
	s10 =	sld [smem:$0x3FA9];
	_ =	sdelay $0x3  }
0x37: {  	[smem:$0x3FA9] =	sst s10  }
0x38: {  	s10 =	sld [smem:$0x3FAA]  }
0x39: {  	_ = 	snop;
	(pc) =	sbr.ind lr, $3  }
0x3a: {  	_ = 	snop  }
0x3b: {  	_ = 	snop  }
0x3c: {  	p2 =	seq.s32 s10, $0x1;
	s10 =	sld [smem:$0x3FA9]  }
0x3d: {  	_ =	shalt  }
0x3e: {  	_ =	shalt  }
0x3f: {  	_ =	shalt  }
0x40: {  	_ =	shalt  }
0x41: {  	_ =	shalt  }
0x42: {  	_ =	shalt  }
0x43: {  	_ =	shalt  }
0x44: {  	_ =	shalt  }
0x45: {  	_ =	shalt  }
0x46: {  	_ =	shalt  }
0x47: {  	_ =	shalt  }
0x48: {  	_ =	shalt  }
0x49: {  	_ =	shalt  }
0x4a: {  	_ =	shalt  }
0x4b: {  	_ =	shalt  }
0x4c: {  	_ =	shalt  }
0x4d: {  	_ =	shalt  }
0x4e: {  	_ =	shalt  }
0x4f: {  	_ =	shalt  }
0x50: {  	_ =	shalt  }
0x51: {  	_ =	shalt  }
0x52: {  	_ =	shalt  }
0x53: {  	_ =	shalt  }
0x54: {  	_ =	shalt  }
0x55: {  	_ =	shalt  }
0x56: {  	_ =	shalt  }
0x57: {  	_ =	shalt  }
0x58: {  	_ =	shalt  }
0x59: {  	_ =	shalt  }
0x5a: {  	_ =	shalt  }
0x5b: {  	_ =	shalt  }
0x5c: {  	_ =	shalt  }
0x5d: {  	_ =	shalt  }
0x5e: {  	_ =	shalt  }
0x5f: {  	_ =	shalt  }
0x60: {  	_ =	shalt  }
0x61: {  	_ =	shalt  }
0x62: {  	_ =	shalt  }
0x63: {  	_ =	shalt  }
0x64: {  	_ =	shalt  }
0x65: {  	_ =	shalt  }
0x66: {  	_ =	shalt  }
0x67: {  	_ =	shalt  }
0x68: {  	_ =	shalt  }
0x69: {  	_ =	shalt  }
0x6a: {  	_ =	shalt  }
0x6b: {  	_ =	shalt  }
0x6c: {  	_ =	shalt  }
0x6d: {  	_ =	shalt  }
0x6e: {  	_ =	shalt  }
0x6f: {  	_ =	shalt  }
0x70: {  	_ =	shalt  }
0x71: {  	_ =	shalt  }
0x72: {  	_ =	shalt  }
0x73: {  	_ =	shalt  }
0x74: {  	_ =	shalt  }
0x75: {  	_ =	shalt  }
0x76: {  	_ =	shalt  }
0x77: {  	_ =	shalt  }
0x78: {  	_ =	shalt  }
0x79: {  	_ =	shalt  }
0x7a: {  	_ =	shalt  }
0x7b: {  	_ =	shalt  }
0x7c: {  	_ =	shalt  }
0x7d: {  	_ =	shalt  }
0x7e: {  	_ =	shalt  }
0x7f: {  	_ =	shalt  }
0x80: {  	_ =	shalt  }
0x81: {  	_ =	shalt  }
0x82: {  	_ =	shalt  }
0x83: {  	_ =	shalt  }
0x84: {  	_ =	shalt  }
0x85: {  	_ =	shalt  }
0x86: {  	_ =	shalt  }
0x87: {  	_ =	shalt  }
.Lfunc_end0:
.L_simem_size_0:
called_computation.2_lowered:
.L_overlay_start_0:
0x88: {  	s2 =	sld [smem:$0x3FD9]  }
0x89: {  	s3 =	sld [smem:$0x3FFE];
	_ =	sdelay $0x1  }
0x8a: {  	s1 =	srdreg.scid  }
0x8b: {  	s0 =	sand.u32 $0x1, s1  }
0x8c: {  	s15 =	sshll.u32 s0, $0xA;
	s2 =	sadd.s32 s3, s2  }
0x8d: {  	s2 =	sadd.s32 s2, s15  }
0x8e: {  	[smem:$0x3FB5] =	sst s2  }
0x8f: {  	_ = 	snop  }
0x90: {  	s2 =	sld [smem:$0x3FD0];
	_ =	sdelay $0x2  }
0x91: {  	s16 =	simm.s32 $0xB;
	s4 =	simm.s32 $0x10  }
0x92: {  	[smem:s4], [sflag:s16] =	dma.local [hbm:s2], $0x1  }
0x93: {  	_ =	swait.eq [sflag:s16], $0x1  }
0x94: {  	[sflag:s16] =	ssyncset.done $0x0  }
0x95: {  	[sflag:s16] =	ssyncadd.s32 $0xFFFFFFFF  }
0x96: {  	s17 =	sld [smem:$0x11];
	(tm) =	ssettm $0x1  }
0x97: {  	s18 =	sld [smem:$0x3FFB];
	_ =	sdelay $0x3  }
0x98: {  	_ =	strace s18  }
0x99: {  	s2 =	sld [smem:$0x3FFC];
	_ =	sdelay $0x3  }
0x9a: {  	_ =	strace s2  }
0x9b: {  	s2 =	sld [smem:$0x3FFD];
	_ =	sdelay $0x3  }
0x9c: {  	_ =	strace s2  }
0x9d: {  	_ =	strace $0x8FFFFFFF  }
0x9e: {  	s19 =	sld [smem:$0x3FDB];
	_ =	sdelay $0x1  }
0x9f: {  	s20 =	simm.s32 $_scs_section_size  }
0xa0: {  	s5 =	simm.s32 $_size__tile_overlayer_lowered;
	s6 =	simm.s32 $_tile_overlayer_lowered  }
0xa1: {  	s7 =	simm.s32 $0x1BFF;
	s21 =	sshll.u32 s6, $0x1;
	s4 =	sadd.s32 s20, s19  }
0xa2: {  	s22 =	simm.s32 $0x0;
	s5 =	sshll.u32 s5, $0x1;
	s6 =	sadd.s32 s21, s4  }
0xa3: {  	[timem:s22], [sflag:s7] =	dma.local [hbm:s6], s5  }
0xa4: {  	_ =	swait.ge [sflag:s7], s5  }
0xa5: {  	s5 =	ssub.s32 $0x0, s5;
	[sflag:s7] =	ssyncset.done $0x0  }
0xa6: {  	[sflag:s7] =	ssyncadd.s32 s5;
	_ =	sdelay $0x1  }
0xa7: {  	s23 =	simm.s32 $0x1B8B  }
0xa8: {  	_ =	swait.ge [sflag:s23], $0x1  }
0xa9: {  	[sflag:s23] =	ssyncset.done $0x0  }
0xaa: {  	[sflag:s23] =	ssyncadd.s32 $0xFFFFFFFF  }
0xab: {  	s5 =	sld [smem:$0x0]  }
0xac: {  	s6 =	sand.u32 $0xFFFFFFFE, s1  }
0xad: {  	p0 =	sne.s32 s1, s6  }
0xae: {  	s6 =	sshll.u32 @p0 s6, $0xE  }
0xaf: {  	s6 =	sadd.s32 @p0 $0x11B8D, s6;
	s7 =	sshll.u32 @p0 s5, $0x11  }
0xb0: {  	s6 =	sor.u32 @p0 s7, s6  }
0xb1: {  	[sflag:s6] =	ssyncadd.remote.s32 @p0 $0x1;
	_ =	sdelay $0x1  }
0xb2: {  	s6 =	simm.s32 @p0 $0x1B8D  }
0xb3: {  	_ =	swait.eq @p0 [sflag:s6], $0x1  }
0xb4: {  	[sflag:s6] =	ssyncadd.s32 @p0 $0xFFFFFFFF  }
0xb5: {  	s7 =	sshll.u32 @!p0 s1, $0xE  }
0xb6: {  	s7 =	sor.u32 @!p0 $0x4000, s7;
	s6 =	simm.s32 @!p0 $0x1B8D  }
0xb7: {  	s5 =	sshll.u32 @!p0 s5, $0x11;
	s7 =	sadd.s32 @!p0 $0x11B8D, s7;
	_ =	swait.eq @!p0 [sflag:s6], $0x1  }
0xb8: {  	s5 =	sor.u32 @!p0 s5, s7;
	[sflag:s6] =	ssyncadd.s32 @!p0 $0xFFFFFFFF  }
0xb9: {  	s25 =	simm.s32 $0x1B8E;
	s24 =	sld [smem:$0x3FFE];
	[sflag:s5] =	ssyncadd.remote.s32 @!p0 $0x1  }
0xba: {  	s26 =	simm.s32 $execute0_lowered;
	[smem:$0x3FD2] =	sst s25  }
0xbb: {  	s6 =	sshll.u32 s26, $0x1;
	_ =	strace $0x8000004C;
	[dreg:$0x1] =	wrdreg $0xFFFFFFFF  }
0xbc: {  	s28 =	simm.s32 $_size_execute0_lowered;
	s4 =	sadd.s32 s4, s6;
	[dreg:$0x0] =	wrdreg $0x0  }
0xbd: {  	s6 =	sshll.u32 s28, $0x1;
	[dreg:$0x2] =	wrdreg s4  }
0xbe: {  	[dreg:$0x3] =	wrdreg s6  }
0xbf: {  	[dreg:$0x4] =	wrdreg $0xC0  }
0xc0: {  	_ =	task [dreg:s22], $0x5FFFF  }
0xc1: {  	[dreg:$0x1] =	wrdreg $0xFFFFFFFF  }
0xc2: {  	[dreg:$0x0] =	wrdreg $0x60  }
0xc3: {  	[dreg:$0x2] =	wrdreg s24  }
0xc4: {  	[dreg:$0x3] =	wrdreg s17  }
0xc5: {  	[dreg:$0x4] =	wrdreg $0x12E000  }
0xc6: {  	[dreg:$0x5] =	wrdreg $0xA  }
0xc7: {  	_ =	task.clear_ibuf [dreg:s22], $0x6FFFF;
	_ =	strace $0x9000004C  }
0xc8: {  	s29 =	simm.s32 $0xA;
	_ =	strace $0x8000004E  }
0xc9: {  	_ =	swait.ge [sflag:s29], $0x1  }
0xca: {  	[sflag:s29] =	ssyncadd.s32 $0xFFFFFFFF  }
0xcb: {  	_ =	strace $0x9000004E  }
0xcc: {  	_ =	sfence  }
0xcd: {  	s30 =	sld [smem:$0x0];
	_ =	sdelay $0x2  }
0xce: {  	s31 =	sshll.u32 s1, $0xD;
	s1 =	sshrl.u32 s1, $0x2  }
0xcf: {  	s4 =	sand.u32 $0x4000, s31;
	s1 =	sadd.s32 s1, s30  }
0xd0: {  	s0 =	sor.u32 s4, s0;
	s1 =	sshll.u32 s1, $0x11  }
0xd1: {  	s0 =	sor.u32 s1, s0  }
0xd2: {  	s0 =	sadd.s32 $0x8F2B, s0  }
0xd3: {  	[sflag:s0] =	ssyncadd.remote.s32 $0x1  }
0xd4: {  	_ =	sfence.sel $0xFFFF  }
0xd5: {  	[dreg:$0x0] =	wrdreg $0xFFFFFFFF;
	(pc) =	sbr.abs _section_cstart, $3  }
0xd6: {  	[dreg:$0x1] =	wrdreg $0xFFFFFFFF  }
0xd7: {  	_ =	task.clear_ibuf [dreg:s22], $0x2FFFF;
	_ =	strace $0x9FFFFFFF  }
0xd8: {  	(tm) =	ssettm $0x7FFFFFFF  }
0xd9: {  	_ =	shalt  }
tec
execute0_lowered:
.L_overlay_start_1:
0x0: {  	(tag) =	ssettag $0x1  }
0x1: {  	s0 =	srdreg.scid;
	s2 =	rddreg [dreg:$0x0]  }
0x2: {  	s4 =	stileid.u32;
	s3 =	rddreg [dreg:$0x2]  }
0x3: {  	s13 =	simm.s32 $0x5000;
	s14 =	simm.s32 $0xDF00;
	s15 =	simm.s32 $0x9  }
0x4: {  	s16 =	simm.s32 $0x1;
	s17 =	simm.s32 $0x2;
	s18 =	simm.s32 $0x3  }
0x5: {  	s19 =	simm.s32 $0x80;
	s20 =	simm.s32 $0x9F00;
	s21 =	simm.s32 $0xAF00  }
0x6: {  	s22 =	simm.s32 $0x7780;
	s23 =	simm.s32 $0xBF00;
	s28 =	simm.s32 $0x6  }
0x7: {  	s29 =	simm.s32 $0x7;
	s30 =	simm.s32 $0x8;
	s0 =	sand.u32 $0x1, s0  }
0x8: {  	s31 =	simm.s32 $0x0;
	s8 =	smul.u32 $0x4F00, s4;
	s1 =	sshll.u32 s0, $0x4  }
0x9: {  	s6 =	smul.u32 $0x4F000, s0;
	s0 =	ssub.s32 $0x2, s0;
	s1 =	sor.u32 s4, s1  }
0xa: {  	s4 =	simm.s32 $0x0;
	s25 =	sshrl.u32 s0, $0x1;
	s5 =	smul.u32 $0x500, s1  }
0xb: {  	[smem:$0x7FF] =	sst s4;
	s24 =	sadd.s32 s8, s6;
	s1 =	smul.u32 $0x4F0, s1  }
0xc: {  	s0 =	ssub.s32 s0, s25;
	s8 =	sadd.s32 s8, s3;
	s25 =	simm.s32 $0x5  }
.Ltmp0:
0xd: {  	_ =	strace $0x8000004D;
	s6 =	sshrl.u32 s24, $0x3;
	(pc) =	sbr.rel .LBB2_1-.Ltmp0, $4  }
0xe: {  	s11 =	smax.u32 s0, $0x1;
	s24 =	simm.s32 $0xCF00;
	s7 =	sadd.s32 s5, s2  }
0xf: {  	s5 =	sadd.s32 $0x3600, s2;
	s9 =	sadd.s32 s6, s2;
	s1 =	sadd.s32 s1, s2  }
0x10: {  	s26 =	sadd.s32 $0x7C400, s7;
	s7 =	sadd.s32 $0x72400, s7;
	s9 =	sadd.s32 $0x4AC00, s9  }
0x11: {  	v0 =	vimm.f32 $0.0e+00;
	s10 =	sadd.s32 $0xD400, s1;
	[dreg:$0x4] =	wrdreg s26;
	s26 =	simm.s32 $0x4  }
.LBB2_8:
0x12: {  	_ =	swait.ge [sflag:s29], $0x1000  }
0x13: {  	[sflag:s29] =	ssyncset.done $0x0  }
0x14: {  	[sflag:s29] =	ssyncadd.s32 $0xFFFFF000  }
0x15: {  	_ =	swait.ge [sflag:s30], $0x1000  }
0x16: {  	[sflag:s30] =	ssyncset.done $0x0  }
0x17: {  	[sflag:s30] =	ssyncadd.s32 $0xFFFFF000  }
0x18: {  	[bflag:$0x0] =	sbarrier.arrive $0xFFFF  }
0x19: {  	[tilespmem:s14], [sflag:$0x9] =	stream.linear.gather [spmem:s8], $0x4F00, $0x38;
	[tilespmem:$0x17D00] =	vst v63  }
0x1a: {  	_ =	swait.ge [sflag:s15], $0x4F00  }
0x1b: {  	[sflag:s15] =	ssyncset.done $0x0  }
0x1c: {  	[sflag:s15] =	ssyncadd.s32 $0xFFFFB100  }
0x1d: {  	[hbm4b:s9+s4] =	stream.linear.scatter [tilespmem:s14], [sflag:$0x9], $0x4F00, $0x38;
	[tilespmem:$0x17D00] =	vst v63  }
0x1e: {  	s31 =	sadd.s32 $0x1, s31;
	_ =	swait.ge [sflag:s15], $0x4F00  }
0x1f: {  	p0 =	sne.s32 s31, s11;
	[sflag:s15] =	ssyncset.done $0x0  }
.Ltmp1:
0x20: {  	[sflag:s15] =	ssyncadd.s32 $0xFFFFB100;
	(pc) =	sbr.rel @!p0 .LBB2_9-.Ltmp1, $4  }
0x21: {  	[hbm4b:s10+s4] =	stream.linear.scatter [tilespmem:s22], [sflag:$0x9], $0x2780, $0x38;
	[tilespmem:$0x17D00] =	vst v63  }
0x22: {  	_ =	swait.ge [sflag:s15], $0x2780  }
0x23: {  	[sflag:s15] =	ssyncset.done $0x0  }
0x24: {  	[sflag:s15] =	ssyncadd.s32 $0xFFFFD880  }
.LBB2_1:
0x25: {  	s0 =	rddreg [dreg:$0x4]  }
0x26: {  	[tilespmem:s4], [sflag:$0x1] =	stream.linear.gather [hbm4b:s0+s4], $0x2800, $0x38;
	[tilespmem:$0x17D00] =	vst v63  }
0x27: {  	s6 =	simm.s32 $0x2800  }
0x28: {  	[tilespmem:s6], [sflag:$0x2] =	stream.linear.gather [hbm4b:s7+s4], $0x2800, $0x38;
	[tilespmem:$0x17D00] =	vst v63  }
0x29: {  	s12 =	rddreg [dreg:$0x1];
	s0 =	simm.s32 $0x0  }
0x2a: {  	[tilespmem:s13], [sflag:$0x3] =	stream.linear.gather [hbm4b:s12+s4], $0x2780, $0x38;
	[tilespmem:$0x17D00] =	vst v63  }
.LBB2_2:
0x2b: {  	p0 =	sne.s32 s0, $0x9DC0  }
.Ltmp2:
0x2c: {  	_ = 	snop;
	(pc) =	sbr.rel @p0 .LBB2_2-.Ltmp2, $3  }
0x2d: {  	_ =	sdelay $0x1  }
0x2e: {  	s1 =	sshra.s32 s0, $0x2  }
0x2f: {  	s0 =	sadd.s32 $0x40, s0;
	[tilespmem:s1+$0x7780] =	vst v0  }
0x30: {  	s0 =	simm.s32 $0x0  }
0x31: {  	s1 =	sand.u32 $0x1FF80, s0  }
0x32: {  	s2 =	sand.u32 $0x10, s0;
	s12 =	sshrl.u32 s1, $0x2  }
0x33: {  	s1 =	simm.s32 $0x40;
	s2 =	sor.u32 s2, s12  }
.LBB2_4:
0x34: {  	p0 =	sne.s32 s1, $0x13BC0  }
0x35: {  	[tilespmem:s2+$0xDF00] =	vst v0;
	s0 =	sadd.s32 $0x10, s0;
	s2 =	smov.u32 s1;
	s1 =	sadd.s32 $0x40, s1  }
.Ltmp3:
0x36: {  	(pc) =	sbr.rel @p0 .LBB2_4-.Ltmp3, $4  }
0x37: {  	_ = 	snop  }
0x38: {  	s2 =	sand.u32 $0x1FF80, s2  }
0x39: {  	s12 =	sand.u32 $0x10, s0;
	s2 =	sshrl.u32 s2, $0x2  }
0x3a: {  	s2 =	sor.u32 s12, s2  }
0x3b: {  	[tilespmem:s2+$0xDF00] =	vst v0  }
0x3c: {  	[spmem:s8] =	stream.linear.scatter [tilespmem:s14], [sflag:$0x9], $0x4F00, $0x38;
	[tilespmem:$0x17D00] =	vst v63  }
0x3d: {  	_ =	swait.ge [sflag:s15], $0x4F00  }
0x3e: {  	[sflag:s15] =	ssyncset.done $0x0  }
0x3f: {  	[sflag:s15] =	ssyncadd.s32 $0xFFFFB100  }
0x40: {  	_ =	swait.ge [sflag:s16], $0x2800  }
0x41: {  	[sflag:s16] =	ssyncset.done $0x0  }
0x42: {  	[sflag:s16] =	ssyncadd.s32 $0xFFFFD800  }
0x43: {  	_ =	swait.ge [sflag:s17], $0x2800  }
0x44: {  	[sflag:s17] =	ssyncset.done $0x0  }
0x45: {  	[sflag:s17] =	ssyncadd.s32 $0xFFFFD800  }
0x46: {  	_ =	swait.ge [sflag:s18], $0x2780  }
0x47: {  	[sflag:s18] =	ssyncset.done $0x0  }
0x48: {  	[sflag:s18] =	ssyncadd.s32 $0xFFFFD880  }
0x49: {  	s1 =	simm.s32 $0x0;
	[bflag:$0x0] =	sbarrier.arrive $0xFFFF  }
0x4a: {  	[tilespmem:s20], [sflag:$0x1] =	stream.indirect.gather [hbm4b:s5+s19], $0x20, s1, s19, $0xb8;
	[tilespmem:$0x17D00] =	vst v63  }
0x4b: {  	_ = 	snop  }
0x4c: {  	[tilespmem:s21], [sflag:$0x2] =	stream.indirect.gather [hbm4b:s5+s19], $0x20, s19, s19, $0xb8;
	[tilespmem:$0x17D00] =	vst v63  }
.LBB2_6:
0x4d: {  	_ =	swait.ge [sflag:s16], $0x1000  }
0x4e: {  	s0 =	sshra.s32 s1, $0x2;
	[sflag:s16] =	ssyncset.done $0x0  }
0x4f: {  	s2 =	sadd.s32 $0x2800, s0;
	[sflag:s16] =	ssyncadd.s32 $0xFFFFF000  }
0x50: {  	[spmem:s3] =	stream.indirect.scatter.add.f32 [tilespmem:s20], [sflag:$0x5], $0x20, s2, s19, $0xb8;
	[tilespmem:$0x17D00] =	vst v63  }
0x51: {  	v1 =	vld [tilespmem:s0+$0x2800];
	_ =	sdelay $0x4  }
0x52: {  	v2 =	vld [tilespmem:s0+$0x0];
	_ =	sdelay $0x2  }
0x53: {  	v1 =	vld.idx.msk [tilespmem:v1+s13+$0x0], $0xffff;
	_ =	sdelay $0x4  }
0x54: {  	[tilespmem:v2+s22+$0x0] =	vst.idx.add.f32.msk $0xffff, v1  }
0x55: {  	v1 =	vld [tilespmem:s0+$0x2810];
	_ =	sdelay $0x4  }
0x56: {  	v2 =	vld [tilespmem:s0+$0x10];
	_ =	sdelay $0x2  }
0x57: {  	v1 =	vld.idx.msk [tilespmem:v1+s13+$0x0], $0xffff;
	_ =	sdelay $0x4  }
0x58: {  	[tilespmem:v2+s22+$0x0] =	vst.idx.add.f32.msk $0xffff, v1  }
0x59: {  	v1 =	vld [tilespmem:s0+$0x2820];
	_ =	sdelay $0x4  }
0x5a: {  	v2 =	vld [tilespmem:s0+$0x20];
	_ =	sdelay $0x2  }
0x5b: {  	v1 =	vld.idx.msk [tilespmem:v1+s13+$0x0], $0xffff;
	_ =	sdelay $0x4  }
0x5c: {  	[tilespmem:v2+s22+$0x0] =	vst.idx.add.f32.msk $0xffff, v1  }
0x5d: {  	v1 =	vld [tilespmem:s0+$0x2830];
	_ =	sdelay $0x4  }
0x5e: {  	v2 =	vld [tilespmem:s0+$0x30];
	_ =	sdelay $0x2  }
0x5f: {  	v1 =	vld.idx.msk [tilespmem:v1+s13+$0x0], $0xffff;
	_ =	sdelay $0x4  }
0x60: {  	[tilespmem:v2+s22+$0x0] =	vst.idx.add.f32.msk $0xffff, v1  }
0x61: {  	v1 =	vld [tilespmem:s0+$0x2840];
	_ =	sdelay $0x4  }
0x62: {  	v2 =	vld [tilespmem:s0+$0x40];
	_ =	sdelay $0x2  }
0x63: {  	v1 =	vld.idx.msk [tilespmem:v1+s13+$0x0], $0xffff;
	_ =	sdelay $0x4  }
0x64: {  	[tilespmem:v2+s22+$0x0] =	vst.idx.add.f32.msk $0xffff, v1  }
0x65: {  	v1 =	vld [tilespmem:s0+$0x2850];
	_ =	sdelay $0x4  }
0x66: {  	v2 =	vld [tilespmem:s0+$0x50];
	_ =	sdelay $0x2  }
0x67: {  	v1 =	vld.idx.msk [tilespmem:v1+s13+$0x0], $0xffff;
	_ =	sdelay $0x4  }
0x68: {  	[tilespmem:v2+s22+$0x0] =	vst.idx.add.f32.msk $0xffff, v1  }
0x69: {  	v1 =	vld [tilespmem:s0+$0x2860];
	_ =	sdelay $0x4  }
0x6a: {  	v2 =	vld [tilespmem:s0+$0x60];
	_ =	sdelay $0x2  }
0x6b: {  	v1 =	vld.idx.msk [tilespmem:v1+s13+$0x0], $0xffff;
	_ =	sdelay $0x4  }
0x6c: {  	[tilespmem:v2+s22+$0x0] =	vst.idx.add.f32.msk $0xffff, v1  }
0x6d: {  	v1 =	vld [tilespmem:s0+$0x2870];
	_ =	sdelay $0x4  }
0x6e: {  	v2 =	vld [tilespmem:s0+$0x70];
	_ =	sdelay $0x2  }
0x6f: {  	v1 =	vld.idx.msk [tilespmem:v1+s13+$0x0], $0xffff;
	_ =	sdelay $0x3  }
0x70: {  	p0 =	seq.s32 s1, $0x0  }
0x71: {  	s2 =	simm.s32 @!p0 $0x7;
	[tilespmem:v2+s22+$0x0] =	vst.idx.add.f32.msk $0xffff, v1  }
0x72: {  	_ =	swait.ge @!p0 [sflag:s2], $0x1000  }
0x73: {  	[sflag:s2] =	ssyncset.done @!p0 $0x0  }
0x74: {  	s12 =	sadd.s32 $0x100, s0;
	[sflag:s2] =	ssyncadd.s32 @!p0 $0xFFFFF000  }
0x75: {  	[tilespmem:s23], [sflag:$0x3] =	stream.indirect.gather [hbm4b:s5+s19], $0x20, s12, s19, $0xb8;
	[tilespmem:$0x17D00] =	vst v63  }
0x76: {  	_ =	swait.ge [sflag:s17], $0x1000  }
0x77: {  	[sflag:s17] =	ssyncset.done $0x0  }
0x78: {  	s6 =	sadd.s32 $0x2880, s0;
	[sflag:s17] =	ssyncadd.s32 $0xFFFFF000  }
0x79: {  	[spmem:s3] =	stream.indirect.scatter.add.f32 [tilespmem:s21], [sflag:$0x6], $0x20, s6, s19, $0xb8;
	[tilespmem:$0x17D00] =	vst v63  }
0x7a: {  	v1 =	vld [tilespmem:s0+$0x2880];
	_ =	sdelay $0x4  }
0x7b: {  	v2 =	vld [tilespmem:s0+$0x80];
	_ =	sdelay $0x2  }
0x7c: {  	v1 =	vld.idx.msk [tilespmem:v1+s13+$0x0], $0xffff;
	_ =	sdelay $0x4  }
0x7d: {  	[tilespmem:v2+s22+$0x0] =	vst.idx.add.f32.msk $0xffff, v1  }
0x7e: {  	v1 =	vld [tilespmem:s0+$0x2890];
	_ =	sdelay $0x4  }
0x7f: {  	v2 =	vld [tilespmem:s0+$0x90];
	_ =	sdelay $0x2  }
0x80: {  	v1 =	vld.idx.msk [tilespmem:v1+s13+$0x0], $0xffff;
	_ =	sdelay $0x4  }
0x81: {  	[tilespmem:v2+s22+$0x0] =	vst.idx.add.f32.msk $0xffff, v1  }
0x82: {  	v1 =	vld [tilespmem:s0+$0x28A0];
	_ =	sdelay $0x4  }
0x83: {  	v2 =	vld [tilespmem:s0+$0xA0];
	_ =	sdelay $0x2  }
0x84: {  	v1 =	vld.idx.msk [tilespmem:v1+s13+$0x0], $0xffff;
	_ =	sdelay $0x4  }
0x85: {  	[tilespmem:v2+s22+$0x0] =	vst.idx.add.f32.msk $0xffff, v1  }
0x86: {  	v1 =	vld [tilespmem:s0+$0x28B0];
	_ =	sdelay $0x4  }
0x87: {  	v2 =	vld [tilespmem:s0+$0xB0];
	_ =	sdelay $0x2  }
0x88: {  	v1 =	vld.idx.msk [tilespmem:v1+s13+$0x0], $0xffff;
	_ =	sdelay $0x4  }
0x89: {  	[tilespmem:v2+s22+$0x0] =	vst.idx.add.f32.msk $0xffff, v1  }
0x8a: {  	v1 =	vld [tilespmem:s0+$0x28C0];
	_ =	sdelay $0x4  }
0x8b: {  	v2 =	vld [tilespmem:s0+$0xC0];
	_ =	sdelay $0x2  }
0x8c: {  	v1 =	vld.idx.msk [tilespmem:v1+s13+$0x0], $0xffff;
	_ =	sdelay $0x4  }
0x8d: {  	[tilespmem:v2+s22+$0x0] =	vst.idx.add.f32.msk $0xffff, v1  }
0x8e: {  	v1 =	vld [tilespmem:s0+$0x28D0];
	_ =	sdelay $0x4  }
0x8f: {  	v2 =	vld [tilespmem:s0+$0xD0];
	_ =	sdelay $0x2  }
0x90: {  	v1 =	vld.idx.msk [tilespmem:v1+s13+$0x0], $0xffff;
	_ =	sdelay $0x4  }
0x91: {  	[tilespmem:v2+s22+$0x0] =	vst.idx.add.f32.msk $0xffff, v1  }
0x92: {  	v1 =	vld [tilespmem:s0+$0x28E0];
	_ =	sdelay $0x4  }
0x93: {  	v2 =	vld [tilespmem:s0+$0xE0];
	_ =	sdelay $0x2  }
0x94: {  	v1 =	vld.idx.msk [tilespmem:v1+s13+$0x0], $0xffff;
	_ =	sdelay $0x4  }
0x95: {  	[tilespmem:v2+s22+$0x0] =	vst.idx.add.f32.msk $0xffff, v1  }
0x96: {  	v1 =	vld [tilespmem:s0+$0x28F0];
	_ =	sdelay $0x4  }
0x97: {  	v2 =	vld [tilespmem:s0+$0xF0];
	_ =	sdelay $0x2  }
0x98: {  	v1 =	vld.idx.msk [tilespmem:v1+s13+$0x0], $0xffff;
	_ =	sdelay $0x4  }
0x99: {  	s2 =	simm.s32 @!p0 $0x8;
	[tilespmem:v2+s22+$0x0] =	vst.idx.add.f32.msk $0xffff, v1  }
0x9a: {  	_ =	swait.ge @!p0 [sflag:s2], $0x1000  }
0x9b: {  	[sflag:s2] =	ssyncset.done @!p0 $0x0  }
0x9c: {  	s12 =	sadd.s32 $0x180, s0;
	[sflag:s2] =	ssyncadd.s32 @!p0 $0xFFFFF000  }
0x9d: {  	[tilespmem:s24], [sflag:$0x4] =	stream.indirect.gather [hbm4b:s5+s19], $0x20, s12, s19, $0xb8;
	[tilespmem:$0x17D00] =	vst v63  }
0x9e: {  	_ =	swait.ge [sflag:s18], $0x1000  }
0x9f: {  	[sflag:s18] =	ssyncset.done $0x0  }
0xa0: {  	s6 =	sadd.s32 $0x2900, s0;
	[sflag:s18] =	ssyncadd.s32 $0xFFFFF000  }
0xa1: {  	[spmem:s3] =	stream.indirect.scatter.add.f32 [tilespmem:s23], [sflag:$0x7], $0x20, s6, s19, $0xb8;
	[tilespmem:$0x17D00] =	vst v63  }
0xa2: {  	v1 =	vld [tilespmem:s0+$0x2900];
	_ =	sdelay $0x4  }
0xa3: {  	v2 =	vld [tilespmem:s0+$0x100];
	_ =	sdelay $0x2  }
0xa4: {  	v1 =	vld.idx.msk [tilespmem:v1+s13+$0x0], $0xffff;
	_ =	sdelay $0x4  }
0xa5: {  	[tilespmem:v2+s22+$0x0] =	vst.idx.add.f32.msk $0xffff, v1  }
0xa6: {  	v1 =	vld [tilespmem:s0+$0x2910];
	_ =	sdelay $0x4  }
0xa7: {  	v2 =	vld [tilespmem:s0+$0x110];
	_ =	sdelay $0x2  }
0xa8: {  	v1 =	vld.idx.msk [tilespmem:v1+s13+$0x0], $0xffff;
	_ =	sdelay $0x4  }
0xa9: {  	[tilespmem:v2+s22+$0x0] =	vst.idx.add.f32.msk $0xffff, v1  }
0xaa: {  	v1 =	vld [tilespmem:s0+$0x2920];
	_ =	sdelay $0x4  }
0xab: {  	v2 =	vld [tilespmem:s0+$0x120];
	_ =	sdelay $0x2  }
0xac: {  	v1 =	vld.idx.msk [tilespmem:v1+s13+$0x0], $0xffff;
	_ =	sdelay $0x4  }
0xad: {  	[tilespmem:v2+s22+$0x0] =	vst.idx.add.f32.msk $0xffff, v1  }
0xae: {  	v1 =	vld [tilespmem:s0+$0x2930];
	_ =	sdelay $0x4  }
0xaf: {  	v2 =	vld [tilespmem:s0+$0x130];
	_ =	sdelay $0x2  }
0xb0: {  	v1 =	vld.idx.msk [tilespmem:v1+s13+$0x0], $0xffff;
	_ =	sdelay $0x4  }
0xb1: {  	[tilespmem:v2+s22+$0x0] =	vst.idx.add.f32.msk $0xffff, v1  }
0xb2: {  	v1 =	vld [tilespmem:s0+$0x2940];
	_ =	sdelay $0x4  }
0xb3: {  	v2 =	vld [tilespmem:s0+$0x140];
	_ =	sdelay $0x2  }
0xb4: {  	v1 =	vld.idx.msk [tilespmem:v1+s13+$0x0], $0xffff;
	_ =	sdelay $0x4  }
0xb5: {  	[tilespmem:v2+s22+$0x0] =	vst.idx.add.f32.msk $0xffff, v1  }
0xb6: {  	v1 =	vld [tilespmem:s0+$0x2950];
	_ =	sdelay $0x4  }
0xb7: {  	v2 =	vld [tilespmem:s0+$0x150];
	_ =	sdelay $0x2  }
0xb8: {  	v1 =	vld.idx.msk [tilespmem:v1+s13+$0x0], $0xffff;
	_ =	sdelay $0x4  }
0xb9: {  	[tilespmem:v2+s22+$0x0] =	vst.idx.add.f32.msk $0xffff, v1  }
0xba: {  	v1 =	vld [tilespmem:s0+$0x2960];
	_ =	sdelay $0x4  }
0xbb: {  	v2 =	vld [tilespmem:s0+$0x160];
	_ =	sdelay $0x2  }
0xbc: {  	v1 =	vld.idx.msk [tilespmem:v1+s13+$0x0], $0xffff;
	_ =	sdelay $0x4  }
0xbd: {  	[tilespmem:v2+s22+$0x0] =	vst.idx.add.f32.msk $0xffff, v1  }
0xbe: {  	v1 =	vld [tilespmem:s0+$0x2970];
	_ =	sdelay $0x4  }
0xbf: {  	v2 =	vld [tilespmem:s0+$0x170];
	_ =	sdelay $0x2  }
0xc0: {  	v1 =	vld.idx.msk [tilespmem:v1+s13+$0x0], $0xffff;
	_ =	sdelay $0x4  }
0xc1: {  	[tilespmem:v2+s22+$0x0] =	vst.idx.add.f32.msk $0xffff, v1  }
0xc2: {  	p0 =	seq.s32 s1, $0x9800;
	_ =	swait.ge [sflag:s25], $0x1000  }
0xc3: {  	s2 =	sshra.s32 @!p0 s1, $0x2;
	s12 =	simm.s32 @!p0 $0x80;
	[sflag:s25] =	ssyncset.done $0x0  }
0xc4: {  	s2 =	sadd.s32 @!p0 $0x200, s2;
	s6 =	simm.s32 @!p0 $0x9F00;
	[sflag:s25] =	ssyncadd.s32 $0xFFFFF000  }
0xc5: {  	[tilespmem:s6], [sflag:$0x1] =	stream.indirect.gather @!p0 [hbm4b:s5+s12], $0x20, s2, s12, $0xb8;
	[tilespmem:$0x17D00] =	vst v63  }
0xc6: {  	_ =	swait.ge [sflag:s26], $0x1000  }
0xc7: {  	[sflag:s26] =	ssyncset.done $0x0  }
0xc8: {  	s12 =	sadd.s32 $0x2980, s0;
	[sflag:s26] =	ssyncadd.s32 $0xFFFFF000  }
0xc9: {  	[spmem:s3] =	stream.indirect.scatter.add.f32 [tilespmem:s24], [sflag:$0x8], $0x20, s12, s19, $0xb8;
	[tilespmem:$0x17D00] =	vst v63  }
0xca: {  	v1 =	vld [tilespmem:s0+$0x2980];
	_ =	sdelay $0x4  }
0xcb: {  	v2 =	vld [tilespmem:s0+$0x180];
	_ =	sdelay $0x2  }
0xcc: {  	v1 =	vld.idx.msk [tilespmem:v1+s13+$0x0], $0xffff;
	_ =	sdelay $0x4  }
0xcd: {  	[tilespmem:v2+s22+$0x0] =	vst.idx.add.f32.msk $0xffff, v1  }
0xce: {  	v1 =	vld [tilespmem:s0+$0x2990];
	_ =	sdelay $0x4  }
0xcf: {  	v2 =	vld [tilespmem:s0+$0x190];
	_ =	sdelay $0x2  }
0xd0: {  	v1 =	vld.idx.msk [tilespmem:v1+s13+$0x0], $0xffff;
	_ =	sdelay $0x4  }
0xd1: {  	[tilespmem:v2+s22+$0x0] =	vst.idx.add.f32.msk $0xffff, v1  }
0xd2: {  	v1 =	vld [tilespmem:s0+$0x29A0];
	_ =	sdelay $0x4  }
0xd3: {  	v2 =	vld [tilespmem:s0+$0x1A0];
	_ =	sdelay $0x2  }
0xd4: {  	v1 =	vld.idx.msk [tilespmem:v1+s13+$0x0], $0xffff;
	_ =	sdelay $0x4  }
0xd5: {  	[tilespmem:v2+s22+$0x0] =	vst.idx.add.f32.msk $0xffff, v1  }
0xd6: {  	v1 =	vld [tilespmem:s0+$0x29B0];
	_ =	sdelay $0x4  }
0xd7: {  	v2 =	vld [tilespmem:s0+$0x1B0];
	_ =	sdelay $0x2  }
0xd8: {  	v1 =	vld.idx.msk [tilespmem:v1+s13+$0x0], $0xffff;
	_ =	sdelay $0x4  }
0xd9: {  	[tilespmem:v2+s22+$0x0] =	vst.idx.add.f32.msk $0xffff, v1  }
0xda: {  	v1 =	vld [tilespmem:s0+$0x29C0];
	_ =	sdelay $0x4  }
0xdb: {  	v2 =	vld [tilespmem:s0+$0x1C0];
	_ =	sdelay $0x2  }
0xdc: {  	v1 =	vld.idx.msk [tilespmem:v1+s13+$0x0], $0xffff;
	_ =	sdelay $0x4  }
0xdd: {  	[tilespmem:v2+s22+$0x0] =	vst.idx.add.f32.msk $0xffff, v1  }
0xde: {  	v1 =	vld [tilespmem:s0+$0x29D0];
	_ =	sdelay $0x4  }
0xdf: {  	v2 =	vld [tilespmem:s0+$0x1D0];
	_ =	sdelay $0x2  }
0xe0: {  	v1 =	vld.idx.msk [tilespmem:v1+s13+$0x0], $0xffff;
	_ =	sdelay $0x4  }
0xe1: {  	[tilespmem:v2+s22+$0x0] =	vst.idx.add.f32.msk $0xffff, v1  }
0xe2: {  	v1 =	vld [tilespmem:s0+$0x29E0];
	_ =	sdelay $0x4  }
0xe3: {  	v2 =	vld [tilespmem:s0+$0x1E0];
	_ =	sdelay $0x2  }
0xe4: {  	v1 =	vld.idx.msk [tilespmem:v1+s13+$0x0], $0xffff;
	_ =	sdelay $0x4  }
0xe5: {  	[tilespmem:v2+s22+$0x0] =	vst.idx.add.f32.msk $0xffff, v1  }
0xe6: {  	v1 =	vld [tilespmem:s0+$0x29F0];
	_ =	sdelay $0x4  }
0xe7: {  	v2 =	vld [tilespmem:s0+$0x1F0];
	_ =	sdelay $0x2  }
0xe8: {  	v1 =	vld.idx.msk [tilespmem:v1+s13+$0x0], $0xffff;
	_ =	sdelay $0x3  }
.Ltmp4:
0xe9: {  	_ = 	snop;
	(pc) =	sbr.rel @p0 .LBB2_8-.Ltmp4, $4  }
0xea: {  	[tilespmem:v2+s22+$0x0] =	vst.idx.add.f32.msk $0xffff, v1  }
0xeb: {  	_ =	swait.ge [sflag:s28], $0x1000  }
0xec: {  	[sflag:s28] =	ssyncset.done $0x0  }
0xed: {  	[sflag:s28] =	ssyncadd.s32 $0xFFFFF000  }
.Ltmp5:
0xee: {  	(pc) =	sbr.rel .LBB2_6-.Ltmp5, $3  }
0xef: {  	_ =	sdelay $0x1  }
0xf0: {  	s0 =	sadd.s32 $0x280, s0;
	s1 =	sadd.s32 $0x800, s1  }
0xf1: {  	[tilespmem:s21], [sflag:$0x2] =	stream.indirect.gather [hbm4b:s5+s19], $0x20, s0, s19, $0xb8;
	[tilespmem:$0x17D00] =	vst v63  }
.LBB2_9:
0xf2: {  	_ =	sfence.sel $0x180000  }
0xf3: {  	[bflag:$0x0] =	sbarrier.arrive $0xFFFF  }
0xf4: {  	_ =	strace $0x9000004D  }
0xf5: {  	s0 =	stileid.u32;
	[bflag:$0x2] =	sbarrier.arrive $0xFFFF  }
0xf6: {  	p0 =	sne.s32 s0, $0x0;
	s0 =	rddreg [dreg:$0x3]  }
0xf7: {  	s0 =	sadd.s32 @!p0 $0x100000, s0  }
0xf8: {  	[sflag:s0] =	ssyncadd.tile.s32 @!p0 $0x1;
	_ =	shalt  }
.Lfunc_end2:
_tile_overlayer_lowered:
.L_overlay_start_2:
0xf9: {  	(tag) =	ssettag $0x2  }
0xfa: {  	s0 =	rddreg [dreg:$0x0];
	s2 =	stileid.u32  }
0xfb: {  	s1 =	rddreg [dreg:$0x1];
	p0 =	sne.s32 s2, $0x0  }
0xfc: {  	s3 =	rddreg [dreg:$0x2];
	[bflag:$0x3] =	sbarrier.arrive $0xFFFF;
	s2 =	simm.s32 @!p0 $0x1C09  }
0xfd: {  	[timem:s3], [sflag:s2] =	dma.local @!p0 [hbm:s0], s1  }
0xfe: {  	s0 =	simm.s32 @!p0 $0x9  }
0xff: {  	_ =	swait.ge @!p0 [sflag:s0], s1  }
0x100: {  	s1 =	ssub.s32 @!p0 $0x0, s1;
	[sflag:s0] =	ssyncset.done @!p0 $0x0  }
0x101: {  	[sflag:s0] =	ssyncadd.s32 @!p0 s1  }
0x102: {  	[bflag:$0x3] =	sbarrier.arrive $0xFFFF  }
0x103: {  	_ =	shalt  }

// kernel: kernel.8.cloned.1.call-start
scs
__scs_entry_jumppad:
0x0: {  	(pc) =	sbr.rel $0x88, $3  }
0x1: {  	(tag) =	ssettag $0x0;
	lr =	simm.s32 $0x1  }
0x2: {  	[smem:$0x3F8E] =	sst lr;
	_ =	strace $0xD0000000  }
0x3: {  	_ = 	snop  }
0x4: {  	_ = 	snop  }
0x5: {  	_ = 	snop  }
0x6: {  	_ = 	snop  }
0x7: {  	_ = 	snop  }
__scs_overlays_trampoline_lowered:
0x8: {  	[smem:$0x3F9D] =	sst s0  }
0x9: {  	[smem:$0x3F9E] =	sst s1  }
0xa: {  	[smem:$0x3F9F] =	sst s2  }
0xb: {  	[smem:$0x3FA0] =	sst s3  }
0xc: {  	[smem:$0x3FA1] =	sst s4  }
0xd: {  	[smem:$0x3FA2] =	sst s5  }
0xe: {  	[smem:$0x3FA3] =	sst s6  }
0xf: {  	[smem:$0x3FA4] =	sst s7  }
0x10: {  	[smem:$0x3FA5] =	sst s8  }
0x11: {  	[smem:$0x3FA6] =	sst s9;
	s0 =	simm.s32 @!p0 $0x0  }
0x12: {  	s1 =	sld [smem:$0x3F8C];
	s0 =	simm.s32 @p0 $0x1  }
0x13: {  	[smem:$0x3FA7] =	sst s0;
	s0 =	simm.s32 @!p1 $0x0  }
0x14: {  	s2 =	sld [smem:$0x3F8B];
	s0 =	simm.s32 @p1 $0x1  }
0x15: {  	[smem:$0x3FA8] =	sst s0;
	s0 =	simm.s32 @!p2 $0x0  }
0x16: {  	s3 =	sld [smem:$0x3FDB];
	s0 =	simm.s32 @p2 $0x1  }
0x17: {  	s4 =	simm.s32 $0x1BF5;
	[smem:$0x3FAA] =	sst s0  }
0x18: {  	s0 =	sld [smem:$0x3F8D];
	_ =	swait.ge [sflag:s4], $0x0  }
0x19: {  	s7 =	sld [smem:$0x3F8E]  }
0x1a: {  	s8 =	sadd.s32 $0xFFFFE003, lr  }
0x1b: {  	s9 =	sadd.s32 $0xFFFFFEF7, lr;
	s5 =	simm.s32 $0xFFFFFFFF;
	p2 =	slt.u32 s8, $0xFFFFF086  }
0x1c: {  	p1 =	slt.u32 s9, $0xF7A;
	s5 =	simm.s32 @!p2 $0x0  }
0x1d: {  	s5 =	simm.s32 @p1 $0x1;
	p0 =	seq.s32 s7, s2  }
0x1e: {  	s7 =	smul.u32 @!p0 $0xF7A, s2;
	p2 =	seq.s32 @!p0 s5, $0x0  }
0x1f: {  	s9 =	smul.u32 $0xF7A, s1;
	s8 =	simm.s32 @!p0 $0x1BF5;
	p2 =	por !p2, p0  }
0x20: {  	[sflag:s8] =	ssyncset.s32 @!p0 $0xFFFFF086;
	s6 =	sadd.s32 @!p0 s3, s7;
	s7 =	simm.s32 @!p0 $0x108  }
0x21: {  	s3 =	sadd.s32 s3, s9;
	s6 =	sadd.s32 @!p0 $0x88, s6;
	s7 =	simm.s32 @p2 $0x1082  }
0x22: {  	[simem:s7], [sflag:s8] =	dma.local @!p0 [hbm:s6], $0xF7A  }
0x23: {  	s9 =	sor.u32 $0xD0000000, s2;
	s6 =	simm.s32 $0x108;
	_ =	swait.ge @!p0 [sflag:s8], $0x0  }
0x24: {  	s3 =	sadd.s32 $0x88, s3;
	s6 =	simm.s32 @!p1 $0x1082;
	[sflag:s4] =	ssyncset.s32 $0xFFFFF086  }
0x25: {  	[simem:s6], [sflag:s4] =	dma.local [hbm:s3], $0xF7A  }
0x26: {  	[smem:$0x3F8E] =	sst s1;
	(tag) =	ssettag s2;
	_ =	strace s9  }
0x27: {  	s1 =	sld [smem:$0x3F9E]  }
0x28: {  	s2 =	sld [smem:$0x3F9F]  }
0x29: {  	s4 =	sld [smem:$0x3FA1]  }
0x2a: {  	p0 =	seq.s32 s5, $0x0;
	s5 =	sld [smem:$0x3FA2]  }
0x2b: {  	s6 =	sld [smem:$0x3FA3]  }
0x2c: {  	s7 =	sld [smem:$0x3FA4]  }
0x2d: {  	s3 =	simm.s32 $0x108;
	s8 =	sld [smem:$0x3FA5]  }
0x2e: {  	s3 =	simm.s32 @!p0 $0x1082;
	s9 =	sld [smem:$0x3FA6]  }
0x2f: {  	lr =	sadd.s32 s0, s3;
	s0 =	sld [smem:$0x3F9D]  }
0x30: {  	s3 =	sld [smem:$0x3FA0]  }
0x31: {  	[smem:$0x3FA9] =	sst s10  }
0x32: {  	s10 =	sld [smem:$0x3FA7];
	_ =	sdelay $0x3  }
0x33: {  	p0 =	seq.s32 s10, $0x1;
	s10 =	sld [smem:$0x3FA9];
	_ =	sdelay $0x3  }
0x34: {  	[smem:$0x3FA9] =	sst s10  }
0x35: {  	s10 =	sld [smem:$0x3FA8];
	_ =	sdelay $0x3  }
0x36: {  	p1 =	seq.s32 s10, $0x1;
	s10 =	sld [smem:$0x3FA9];
	_ =	sdelay $0x3  }
0x37: {  	[smem:$0x3FA9] =	sst s10  }
0x38: {  	s10 =	sld [smem:$0x3FAA]  }
0x39: {  	_ = 	snop;
	(pc) =	sbr.ind lr, $3  }
0x3a: {  	_ = 	snop  }
0x3b: {  	_ = 	snop  }
0x3c: {  	p2 =	seq.s32 s10, $0x1;
	s10 =	sld [smem:$0x3FA9]  }
0x3d: {  	_ =	shalt  }
0x3e: {  	_ =	shalt  }
0x3f: {  	_ =	shalt  }
0x40: {  	_ =	shalt  }
0x41: {  	_ =	shalt  }
0x42: {  	_ =	shalt  }
0x43: {  	_ =	shalt  }
0x44: {  	_ =	shalt  }
0x45: {  	_ =	shalt  }
0x46: {  	_ =	shalt  }
0x47: {  	_ =	shalt  }
0x48: {  	_ =	shalt  }
0x49: {  	_ =	shalt  }
0x4a: {  	_ =	shalt  }
0x4b: {  	_ =	shalt  }
0x4c: {  	_ =	shalt  }
0x4d: {  	_ =	shalt  }
0x4e: {  	_ =	shalt  }
0x4f: {  	_ =	shalt  }
0x50: {  	_ =	shalt  }
0x51: {  	_ =	shalt  }
0x52: {  	_ =	shalt  }
0x53: {  	_ =	shalt  }
0x54: {  	_ =	shalt  }
0x55: {  	_ =	shalt  }
0x56: {  	_ =	shalt  }
0x57: {  	_ =	shalt  }
0x58: {  	_ =	shalt  }
0x59: {  	_ =	shalt  }
0x5a: {  	_ =	shalt  }
0x5b: {  	_ =	shalt  }
0x5c: {  	_ =	shalt  }
0x5d: {  	_ =	shalt  }
0x5e: {  	_ =	shalt  }
0x5f: {  	_ =	shalt  }
0x60: {  	_ =	shalt  }
0x61: {  	_ =	shalt  }
0x62: {  	_ =	shalt  }
0x63: {  	_ =	shalt  }
0x64: {  	_ =	shalt  }
0x65: {  	_ =	shalt  }
0x66: {  	_ =	shalt  }
0x67: {  	_ =	shalt  }
0x68: {  	_ =	shalt  }
0x69: {  	_ =	shalt  }
0x6a: {  	_ =	shalt  }
0x6b: {  	_ =	shalt  }
0x6c: {  	_ =	shalt  }
0x6d: {  	_ =	shalt  }
0x6e: {  	_ =	shalt  }
0x6f: {  	_ =	shalt  }
0x70: {  	_ =	shalt  }
0x71: {  	_ =	shalt  }
0x72: {  	_ =	shalt  }
0x73: {  	_ =	shalt  }
0x74: {  	_ =	shalt  }
0x75: {  	_ =	shalt  }
0x76: {  	_ =	shalt  }
0x77: {  	_ =	shalt  }
0x78: {  	_ =	shalt  }
0x79: {  	_ =	shalt  }
0x7a: {  	_ =	shalt  }
0x7b: {  	_ =	shalt  }
0x7c: {  	_ =	shalt  }
0x7d: {  	_ =	shalt  }
0x7e: {  	_ =	shalt  }
0x7f: {  	_ =	shalt  }
0x80: {  	_ =	shalt  }
0x81: {  	_ =	shalt  }
0x82: {  	_ =	shalt  }
0x83: {  	_ =	shalt  }
0x84: {  	_ =	shalt  }
0x85: {  	_ =	shalt  }
0x86: {  	_ =	shalt  }
0x87: {  	_ =	shalt  }
.Lfunc_end0:
.L_simem_size_0:
called_computation_lowered:
.L_overlay_start_0:
0x88: {  	s2 =	sld [smem:$0x3FD9]  }
0x89: {  	s3 =	sld [smem:$0x3FFE];
	_ =	sdelay $0x1  }
0x8a: {  	s1 =	srdreg.scid  }
0x8b: {  	s0 =	sand.u32 $0x1, s1  }
0x8c: {  	s16 =	sshll.u32 s0, $0xA;
	s2 =	sadd.s32 s3, s2  }
0x8d: {  	s2 =	sadd.s32 s2, s16  }
0x8e: {  	[smem:$0x3FB5] =	sst s2  }
0x8f: {  	_ = 	snop  }
0x90: {  	(tm) =	ssettm $0x1  }
0x91: {  	s17 =	sld [smem:$0x3FFB];
	_ =	sdelay $0x3  }
0x92: {  	_ =	strace s17  }
0x93: {  	s2 =	sld [smem:$0x3FFC];
	_ =	sdelay $0x3  }
0x94: {  	_ =	strace s2  }
0x95: {  	s2 =	sld [smem:$0x3FFD];
	_ =	sdelay $0x3  }
0x96: {  	_ =	strace s2  }
0x97: {  	_ =	strace $0x8FFFFFFF  }
0x98: {  	s18 =	sld [smem:$0x3FDB];
	_ =	sdelay $0x1  }
0x99: {  	s19 =	simm.s32 $_scs_section_size  }
0x9a: {  	s4 =	simm.s32 $_size__tile_overlayer_lowered;
	s5 =	simm.s32 $_tile_overlayer_lowered  }
0x9b: {  	s22 =	simm.s32 $0x1BFF;
	s21 =	sshll.u32 s5, $0x1;
	s2 =	sadd.s32 s19, s18  }
0x9c: {  	s6 =	simm.s32 $0x0;
	s20 =	sshll.u32 s4, $0x1;
	s4 =	sadd.s32 s21, s2  }
0x9d: {  	[timem:s6], [sflag:s22] =	dma.local [hbm:s4], s20  }
0x9e: {  	_ =	swait.ge [sflag:s22], s20  }
0x9f: {  	s3 =	ssub.s32 $0x0, s20;
	[sflag:s22] =	ssyncset.done $0x0  }
0xa0: {  	[sflag:s22] =	ssyncadd.s32 s3;
	_ =	sdelay $0x1  }
0xa1: {  	s23 =	simm.s32 $0x1B8B  }
0xa2: {  	_ =	swait.ge [sflag:s23], $0x1  }
0xa3: {  	[sflag:s23] =	ssyncset.done $0x0  }
0xa4: {  	s25 =	simm.s32 $0x1B8E;
	s24 =	sld [smem:$0x3FFE];
	[sflag:s23] =	ssyncadd.s32 $0xFFFFFFFF  }
0xa5: {  	s26 =	simm.s32 $execute0_lowered;
	[smem:$0x3FD2] =	sst s25  }
0xa6: {  	s4 =	sshll.u32 s26, $0x1;
	_ =	strace $0x80000046;
	[dreg:$0x1] =	wrdreg $0xFFFFFFFF  }
0xa7: {  	s28 =	simm.s32 $_size_execute0_lowered;
	s2 =	sadd.s32 s2, s4;
	[dreg:$0x0] =	wrdreg $0x0  }
0xa8: {  	s4 =	sshll.u32 s28, $0x1;
	[dreg:$0x2] =	wrdreg s2  }
0xa9: {  	[dreg:$0x3] =	wrdreg s4  }
0xaa: {  	[dreg:$0x4] =	wrdreg $0xC0  }
0xab: {  	_ =	task [dreg:s6], $0x5FFFF  }
0xac: {  	[dreg:$0x1] =	wrdreg $0xFFFFFFFF  }
0xad: {  	[dreg:$0x0] =	wrdreg $0x60  }
0xae: {  	[dreg:$0x2] =	wrdreg s24  }
0xaf: {  	[dreg:$0x3] =	wrdreg $0xA  }
0xb0: {  	_ =	task.clear_ibuf [dreg:s6], $0x4FFFF;
	_ =	strace $0x90000046  }
0xb1: {  	s29 =	simm.s32 $0xA;
	_ =	strace $0x80000048  }
0xb2: {  	_ =	swait.ge [sflag:s29], $0x1  }
0xb3: {  	[sflag:s29] =	ssyncadd.s32 $0xFFFFFFFF  }
0xb4: {  	_ =	strace $0x90000048  }
0xb5: {  	_ =	sfence  }
0xb6: {  	s30 =	sld [smem:$0x0];
	_ =	sdelay $0x2  }
0xb7: {  	s31 =	sshll.u32 s1, $0xD;
	s1 =	sshrl.u32 s1, $0x2  }
0xb8: {  	s3 =	sand.u32 $0x4000, s31;
	s1 =	sadd.s32 s1, s30  }
0xb9: {  	s0 =	sor.u32 s3, s0;
	s1 =	sshll.u32 s1, $0x11  }
0xba: {  	s0 =	sor.u32 s1, s0  }
0xbb: {  	s0 =	sadd.s32 $0x8F2B, s0  }
0xbc: {  	[sflag:s0] =	ssyncadd.remote.s32 $0x1  }
0xbd: {  	_ =	sfence.sel $0xFFFF  }
0xbe: {  	[dreg:$0x0] =	wrdreg $0xFFFFFFFF;
	(pc) =	sbr.abs _section_cstart, $3  }
0xbf: {  	[dreg:$0x1] =	wrdreg $0xFFFFFFFF  }
0xc0: {  	_ =	task.clear_ibuf [dreg:s6], $0x2FFFF;
	_ =	strace $0x9FFFFFFF  }
0xc1: {  	(tm) =	ssettm $0x7FFFFFFF  }
tec
execute0_lowered:
.L_overlay_start_1:
0x0: {  	(tag) =	ssettag $0x1  }
0x1: {  	s0 =	srdreg.scid  }
0x2: {  	s4 =	rddreg [dreg:$0x0];
	s3 =	sand.u32 $0x1, s0  }
0x3: {  	s2 =	simm.s32 $0x0;
	s0 =	stileid.u32;
	s1 =	sshll.u32 s3, $0x4  }
0x4: {  	s8 =	simm.s32 $0x2;
	s9 =	simm.s32 $0x0;
	s5 =	sor.u32 s0, s1  }
0x5: {  	[smem:$0x7FF] =	sst s2;
	s3 =	ssub.s32 $0x2, s3;
	s6 =	smul.u32 $0x4E2, s5  }
0x6: {  	s1 =	rddreg [dreg:$0x1];
	s7 =	sshrl.u32 s3, $0x1;
	s5 =	smul.u32 $0x4F0, s5  }
0x7: {  	_ =	strace $0x80000047;
	s31 =	ssub.s32 s3, s7;
	s7 =	simm.s32 $0x2710  }
0x8: {  	s6 =	sadd.s32 s6, s4;
	s4 =	sadd.s32 s5, s4;
	s5 =	smax.u32 s31, $0x1  }
0x9: {  	v0 =	vimm.f32 $0.0e+00;
	v1 =	vimm.f32 $1.000000000e+00;
	s3 =	sadd.s32 $0x3600, s6;
	s4 =	sadd.s32 $0xD400, s4;
	s6 =	simm.s32 $0x1  }
.LBB2_1:
0xa: {  	[tilespmem:s2], [sflag:$0x1] =	stream.linear.gather [hbm4b:s3+s2], $0x2710, $0x38;
	[tilespmem:$0x4E90] =	vst v63  }
0xb: {  	s10 =	simm.s32 $0x40;
	s11 =	simm.s32 $0x0  }
.LBB2_2:
0xc: {  	p0 =	sne.s32 s10, $0x9DC0;
	[tilespmem:s11+$0x2710] =	vst v0;
	s11 =	smov.u32 s10;
	s10 =	sadd.s32 $0x40, s10  }
.Ltmp0:
0xd: {  	(pc) =	sbr.rel @p0 .LBB2_2-.Ltmp0, $2  }
0xe: {  	_ =	sdelay $0x2  }
0xf: {  	s11 =	sshra.s32 s11, $0x2  }
0x10: {  	[tilespmem:s11+$0x2710] =	vst v0  }
0x11: {  	_ =	swait.ge [sflag:s6], $0x2710  }
0x12: {  	[sflag:s6] =	ssyncset.done $0x0  }
0x13: {  	s11 =	simm.s32 $0x0;
	s10 =	simm.s32 $0x40;
	[sflag:s6] =	ssyncadd.s32 $0xFFFFD8F0  }
.LBB2_4:
0x14: {  	p0 =	sne.s32 s10, $0x9C00;
	v2 =	vld [tilespmem:s11+$0x0];
	_ =	sdelay $0x3  }
.Ltmp1:
0x15: {  	(pc) =	sbr.rel @p0 .LBB2_4-.Ltmp1, $2  }
0x16: {  	_ =	sdelay $0x2  }
0x17: {  	s11 =	sshra.s32 s10, $0x2;
	s10 =	sadd.s32 $0x40, s10;
	[tilespmem:v2+s7+$0x0] =	vst.idx.add.f32.msk $0xffff, v1  }
0x18: {  	v2 =	vld [tilespmem:s11+$0x0];
	_ =	sdelay $0x5  }
0x19: {  	s9 =	sadd.s32 $0x1, s9  }
0x1a: {  	p0 =	sne.s32 s9, s5  }
.Ltmp2:
0x1b: {  	[tilespmem:v2+s7+$0x0] =	vst.idx.add.f32.msk $0xffff, v1;
	(pc) =	sbr.rel @p0 .LBB2_1-.Ltmp2, $4  }
0x1c: {  	[hbm4b:s4+s2] =	stream.linear.scatter [tilespmem:s7], [sflag:$0x2], $0x2780, $0x38;
	[tilespmem:$0x4E90] =	vst v63  }
0x1d: {  	_ =	swait.ge [sflag:s8], $0x2780  }
0x1e: {  	[sflag:s8] =	ssyncset.done $0x0  }
0x1f: {  	[sflag:s8] =	ssyncadd.s32 $0xFFFFD880  }
0x20: {  	_ =	sfence.sel $0x180000  }
0x21: {  	[bflag:$0x0] =	sbarrier.arrive $0xFFFF  }
0x22: {  	p0 =	sne.s32 s0, $0x0;
	_ =	strace $0x90000047  }
0x23: {  	s0 =	sadd.s32 @!p0 $0x100000, s1;
	[bflag:$0x2] =	sbarrier.arrive $0xFFFF  }
0x24: {  	[sflag:s0] =	ssyncadd.tile.s32 @!p0 $0x1;
	_ =	shalt  }
.Lfunc_end2:
_tile_overlayer_lowered:
.L_overlay_start_2:
0x25: {  	(tag) =	ssettag $0x2  }
0x26: {  	s0 =	rddreg [dreg:$0x0];
	s2 =	stileid.u32  }
0x27: {  	s1 =	rddreg [dreg:$0x1];
	p0 =	sne.s32 s2, $0x0  }
0x28: {  	s3 =	rddreg [dreg:$0x2];
	[bflag:$0x3] =	sbarrier.arrive $0xFFFF;
	s2 =	simm.s32 @!p0 $0x1C02  }
0x29: {  	[timem:s3], [sflag:s2] =	dma.local @!p0 [hbm:s0], s1  }
0x2a: {  	s0 =	simm.s32 @!p0 $0x2  }
0x2b: {  	_ =	swait.ge @!p0 [sflag:s0], s1  }
0x2c: {  	s1 =	ssub.s32 @!p0 $0x0, s1;
	[sflag:s0] =	ssyncset.done @!p0 $0x0  }
0x2d: {  	[sflag:s0] =	ssyncadd.s32 @!p0 s1  }
0x2e: {  	[bflag:$0x3] =	sbarrier.arrive $0xFFFF  }
0x2f: {  	_ =	shalt  }

</sc_bundles>
